<compile_context>
chip_gen: v7x
topology: tpu7x:2x2x1
jax: 0.10.2.dev20260603
libtpu: 0.0.44.dev20260713+nightly
codegen_flags: <defaults>
</compile_context>

<pallas_src>
import functools

import jax
import jax.numpy as jnp
from jax import lax
from jax.experimental import pallas as pl
from jax.experimental.pallas import tpu as pltpu
from jax.experimental.pallas import tpu_sc as plsc

_NB = 1024
_EC = 128


_NBUF = 2


def _prop(gs, src2d, dst2d, zrows):
    NP = gs[0].shape[0]
    CHS = [g.shape[1] for g in gs]
    CHMAX = max(CHS)
    assert all(ch == CHMAX for ch in CHS)
    NR = src2d.shape[0]
    RT = NP // 16
    NCHUNK = NR // 32
    NITER = NCHUNK // _NBUF
    mesh = plsc.VectorSubcoreMesh(core_axis_name="c", subcore_axis_name="s")

    @functools.partial(
        pl.kernel,
        out_type=[jax.ShapeDtypeStruct((2, 16, RT, ch), jnp.float32)
                  for ch in CHS],
        mesh=mesh,
        compiler_params=pltpu.CompilerParams(use_tc_tiling_on_sc=False),
        scratch_types=[
            pltpu.VMEM((NCHUNK, _EC), jnp.int32),
            pltpu.VMEM((NCHUNK, _EC), jnp.int32),
        ]
        + [pltpu.VMEM((_EC, CHMAX), jnp.float32) for _ in range(_NBUF)]
        + [pltpu.VMEM_SHARED((NP, CHMAX), jnp.float32)]
        + [pltpu.SemaphoreType.DMA for _ in range(_NBUF)],
    )
    def k(*refs):
        NG = len(gs)
        g_hbms = refs[:NG]
        src_hbm, dst_hbm = refs[NG], refs[NG + 1]
        zrow_hbms = refs[NG + 2:2 * NG + 2]
        out_hbms = refs[2 * NG + 2:3 * NG + 2]
        srcb, dstb = refs[3 * NG + 2], refs[3 * NG + 3]
        rbufs = refs[3 * NG + 4:3 * NG + 4 + _NBUF]
        accf = refs[3 * NG + 4 + _NBUF]
        sems = refs[3 * NG + 5 + _NBUF:]
        cid = lax.axis_index("c")
        sid = lax.axis_index("s")
        rb = cid * (NR // 2) + sid * NCHUNK
        pltpu.sync_copy(src_hbm.at[pl.ds(rb, NCHUNK)], srcb)
        pltpu.sync_copy(dst_hbm.at[pl.ds(rb, NCHUNK)], dstb)

        for t in range(NG):
            ch = CHS[t]
            g_hbm = g_hbms[t]
            acc = accf
            rs = rbufs
            pltpu.sync_copy(zrow_hbms[t], acc.at[pl.ds(sid * RT, RT)])
            plsc.subcore_barrier()
            for u in range(_NBUF - 1):
                pltpu.async_copy(g_hbm.at[srcb.at[u]], rs[u], sems[u])

            def body(jj, carry, t=t, ch=ch, g_hbm=g_hbm, acc=acc, rs=rs):
                for u in range(_NBUF):
                    c = jj * _NBUF + u
                    nc = c + _NBUF - 1
                    un = (u + _NBUF - 1) % _NBUF

                    @pl.when(nc < NCHUNK)
                    def _():
                        pltpu.async_copy(
                            g_hbm.at[srcb.at[nc]], rs[un], sems[un])

                    pltpu.make_async_copy(
                        g_hbm.at[srcb.at[c]], rs[u], sems[u]).wait()
                    pltpu.sync_copy(rs[u], acc.at[dstb.at[c]], add=True)
                return carry

            lax.fori_loop(0, NITER, body, 0)
            plsc.subcore_barrier()
            pltpu.sync_copy(acc.at[pl.ds(sid * RT, RT)], out_hbms[t].at[cid, sid])
            if t + 1 < NG:
                plsc.subcore_barrier()

    outs = k(*gs, src2d, dst2d, *zrows)
    if not isinstance(outs, (tuple, list)):
        outs = (outs,)
    return [o.reshape(2, NP, CHS[i]) for i, o in enumerate(outs)]


def _dinv(deg_ref):
    deg = deg_ref[0][:, 0:1] + deg_ref[1][:, 0:1] + 1.0
    return lax.rsqrt(deg)


def _leaky(v):
    return jnp.where(v >= 0, v, 0.01 * v)


def _tck1(degp, x_p, W1):
    NP, D = x_p.shape
    H = W1.shape[1]
    G = NP // _NB

    def body(deg_ref, x_ref, w_ref, ga_ref, gb_ref):
        dinv = _dinv(deg_ref)
        h = jnp.dot(x_ref[...], w_ref[...], preferred_element_type=jnp.float32)
        g = h * dinv
        ga_ref[...] = g[:, : H // 2]
        gb_ref[...] = g[:, H // 2 :]

    return pl.pallas_call(
        body,
        grid=(G,),
        in_specs=[
            pl.BlockSpec((2, _NB, 16), lambda i: (0, i, 0)),
            pl.BlockSpec((_NB, D), lambda i: (i, 0)),
            pl.BlockSpec((D, H), lambda i: (0, 0)),
        ],
        out_specs=[
            pl.BlockSpec((_NB, H // 2), lambda i: (i, 0)),
            pl.BlockSpec((_NB, H // 2), lambda i: (i, 0)),
        ],
        out_shape=[
            jax.ShapeDtypeStruct((NP, H // 2), jnp.float32),
            jax.ShapeDtypeStruct((NP, H // 2), jnp.float32),
        ],
    )(degp, x_p, W1)


def _tck2(degp, p1a, p1b, g1a, g1b, b1, W2):
    NP = g1a.shape[0]
    HH = g1a.shape[1]
    H2 = W2.shape[1]
    G = NP // _NB

    def body(deg_ref, pa_ref, pb_ref, ga_ref, gb_ref, b_ref, w_ref, g2_ref):
        dinv = _dinv(deg_ref)
        sa = (pa_ref[0] + pa_ref[1] + ga_ref[...]) * dinv + b_ref[:, :HH]
        sb = (pb_ref[0] + pb_ref[1] + gb_ref[...]) * dinv + b_ref[:, HH:]
        a1a = _leaky(sa)
        a1b = _leaky(sb)
        h2 = jnp.dot(a1a, w_ref[:HH, :], preferred_element_type=jnp.float32)
        h2 = h2 + jnp.dot(a1b, w_ref[HH:, :], preferred_element_type=jnp.float32)
        g2_ref[...] = h2 * dinv

    return pl.pallas_call(
        body,
        grid=(G,),
        in_specs=[
            pl.BlockSpec((2, _NB, 16), lambda i: (0, i, 0)),
            pl.BlockSpec((2, _NB, HH), lambda i: (0, i, 0)),
            pl.BlockSpec((2, _NB, HH), lambda i: (0, i, 0)),
            pl.BlockSpec((_NB, HH), lambda i: (i, 0)),
            pl.BlockSpec((_NB, HH), lambda i: (i, 0)),
            pl.BlockSpec((1, 2 * HH), lambda i: (0, 0)),
            pl.BlockSpec((2 * HH, H2), lambda i: (0, 0)),
        ],
        out_specs=pl.BlockSpec((_NB, H2), lambda i: (i, 0)),
        out_shape=jax.ShapeDtypeStruct((NP, H2), jnp.float32),
    )(degp, p1a, p1b, g1a, g1b, b1, W2)


def _tck3(degp, p2, g2, b2, W3):
    NP, H2 = g2.shape
    LT = W3.shape[1]
    G = NP // _NB

    def body(deg_ref, p_ref, g_ref, b_ref, w_ref, g3_ref):
        dinv = _dinv(deg_ref)
        s = (p_ref[0] + p_ref[1] + g_ref[...]) * dinv + b_ref[...]
        a = _leaky(s)
        g3_ref[...] = jnp.dot(a, w_ref[...], preferred_element_type=jnp.float32) * dinv

    return pl.pallas_call(
        body,
        grid=(G,),
        in_specs=[
            pl.BlockSpec((2, _NB, 16), lambda i: (0, i, 0)),
            pl.BlockSpec((2, _NB, H2), lambda i: (0, i, 0)),
            pl.BlockSpec((_NB, H2), lambda i: (i, 0)),
            pl.BlockSpec((1, H2), lambda i: (0, 0)),
            pl.BlockSpec((H2, LT), lambda i: (0, 0)),
        ],
        out_specs=pl.BlockSpec((_NB, LT), lambda i: (i, 0)),
        out_shape=jax.ShapeDtypeStruct((NP, LT), jnp.float32),
    )(degp, p2, g2, b2, W3)


def _tck4(degp, p3, g3, b3, Wd1, bd1, Wd2, bd2, Wd3, bd3):
    NP, LT = g3.shape
    H2 = Wd1.shape[1]
    H1 = Wd2.shape[1]
    DO = Wd3.shape[1]
    G = NP // _NB

    def body(deg_ref, p_ref, g_ref, b_ref, w1_ref, c1_ref, w2_ref, c2_ref,
             w3_ref, c3_ref, z_ref, xr_ref):
        dinv = _dinv(deg_ref)
        z = (p_ref[0] + p_ref[1] + g_ref[...]) * dinv + b_ref[...]
        z_ref[...] = z
        d = _leaky(jnp.dot(z, w1_ref[...], preferred_element_type=jnp.float32)
                   + c1_ref[...])
        d = _leaky(jnp.dot(d, w2_ref[...], preferred_element_type=jnp.float32)
                   + c2_ref[...])
        xr_ref[...] = (jnp.dot(d, w3_ref[...], preferred_element_type=jnp.float32)
                       + c3_ref[...])

    return pl.pallas_call(
        body,
        grid=(G,),
        in_specs=[
            pl.BlockSpec((2, _NB, 16), lambda i: (0, i, 0)),
            pl.BlockSpec((2, _NB, LT), lambda i: (0, i, 0)),
            pl.BlockSpec((_NB, LT), lambda i: (i, 0)),
            pl.BlockSpec((1, LT), lambda i: (0, 0)),
            pl.BlockSpec((LT, H2), lambda i: (0, 0)),
            pl.BlockSpec((1, H2), lambda i: (0, 0)),
            pl.BlockSpec((H2, H1), lambda i: (0, 0)),
            pl.BlockSpec((1, H1), lambda i: (0, 0)),
            pl.BlockSpec((H1, DO), lambda i: (0, 0)),
            pl.BlockSpec((1, DO), lambda i: (0, 0)),
        ],
        out_specs=[
            pl.BlockSpec((_NB, LT), lambda i: (i, 0)),
            pl.BlockSpec((_NB, DO), lambda i: (i, 0)),
        ],
        out_shape=[
            jax.ShapeDtypeStruct((NP, LT), jnp.float32),
            jax.ShapeDtypeStruct((NP, DO), jnp.float32),
        ],
    )(degp, p3, g3, b3, Wd1, bd1, Wd2, bd2, Wd3, bd3)


def kernel(x, edge_index, W1, b1, W2, b2, W3, b3, Wd1, bd1, Wd2, bd2, Wd3, bd3):
    N, D = x.shape
    E = edge_index.shape[1]
    RT = -(-(N + 1) // 16)
    RT = -(-RT // 16) * 16
    NP = 16 * RT
    EP = -(-E // (32 * _EC * _NBUF)) * (32 * _EC * _NBUF)

    src_p = jnp.concatenate(
        [edge_index[0].astype(jnp.int32), jnp.zeros((EP - E,), jnp.int32)]
    ).reshape(EP // _EC, _EC)
    dst_p = jnp.concatenate(
        [edge_index[1].astype(jnp.int32), jnp.full((EP - E,), N, jnp.int32)]
    ).reshape(EP // _EC, _EC)
    x_p = jnp.pad(x, ((0, NP - N), (0, 0)))
    ones_t = jnp.ones((NP, 16), jnp.float32)
    z16 = jnp.zeros((RT, 16), jnp.float32)
    z128 = jnp.zeros((RT, 128), jnp.float32)
    z64 = jnp.zeros((RT, 64), jnp.float32)

    (degp,) = _prop([ones_t], src_p, dst_p, [z16])
    g1a, g1b = _tck1(degp, x_p, W1)
    (p1a,) = _prop([g1a], src_p, dst_p, [z128])
    (p1b,) = _prop([g1b], src_p, dst_p, [z128])
    g2 = _tck2(degp, p1a, p1b, g1a, g1b, b1.reshape(1, -1), W2)
    (p2,) = _prop([g2], src_p, dst_p, [z128])
    g3 = _tck3(degp, p2, g2, b2.reshape(1, -1), W3)
    (p3,) = _prop([g3], src_p, dst_p, [z64])
    z_full, xr_full = _tck4(degp, p3, g3, b3.reshape(1, -1),
                            Wd1, bd1.reshape(1, -1), Wd2, bd2.reshape(1, -1),
                            Wd3, bd3.reshape(1, -1))
    return xr_full[:N], z_full[:N]

# --- scband reference (transcript-rebuilt; emitter-appended) ---
"""Pipeline reference for scband-gnnautoencoder-4105988735180 (READ-ONLY COPY).

The authoritative reference and input builder live on the scoring server;
editing this copy changes nothing except your own understanding.
"""

import jax, jax.numpy as jnp
import numpy as np

N = 10000
E = 160000
D_IN = 256
H1 = 256
H2 = 128
LAT = 64


def gcn_conv(x, edge_index, W, b):
    # PyG GCNConv: add self-loops, symmetric normalization D^-1/2 (A+I) D^-1/2 X W + b
    n = x.shape[0]
    loop = jnp.arange(n, dtype=edge_index.dtype)
    src = jnp.concatenate([edge_index[0], loop])
    dst = jnp.concatenate([edge_index[1], loop])
    deg = jnp.zeros((n,), x.dtype).at[dst].add(1.0)
    dinv = jnp.where(deg > 0, 1.0 / jnp.sqrt(deg), 0.0)
    norm = dinv[src] * dinv[dst]
    h = x @ W
    msg = h[src] * norm[:, None]
    out = jnp.zeros((n, W.shape[1]), x.dtype).at[dst].add(msg)
    return out + b


def glorot(k, shape):
    return jax.random.normal(k, shape, jnp.float32) * jnp.sqrt(2.0 / (shape[0] + shape[1]))


def setup_inputs(seed: int = 0) -> dict:
    key = jax.random.key(seed)
    ks = jax.random.split(key, 16)
    x = jax.random.normal(ks[0], (N, D_IN), jnp.float32)
    edge_index = jax.random.randint(ks[1], (2, E), 0, N)
    return {
        "x": x,
        "edge_index": edge_index,
        "W1": glorot(ks[2], (D_IN, H1)), "b1": jnp.zeros((H1,), jnp.float32),
        "W2": glorot(ks[3], (H1, H2)), "b2": jnp.zeros((H2,), jnp.float32),
        "W3": glorot(ks[4], (H2, LAT)), "b3": jnp.zeros((LAT,), jnp.float32),
        "Wd1": glorot(ks[5], (LAT, H2)), "bd1": jnp.zeros((H2,), jnp.float32),
        "Wd2": glorot(ks[6], (H2, H1)), "bd2": jnp.zeros((H1,), jnp.float32),
        "Wd3": glorot(ks[7], (H1, D_IN)), "bd3": jnp.zeros((D_IN,), jnp.float32),
    }


def reference(x, edge_index, W1, b1, W2, b2, W3, b3, Wd1, bd1, Wd2, bd2, Wd3, bd3):
    # Encoder: GCNConv stack with leaky_relu between layers (dropout is identity in eval)
    h = gcn_conv(x, edge_index, W1, b1)
    h = jax.nn.leaky_relu(h)
    h = gcn_conv(h, edge_index, W2, b2)
    h = jax.nn.leaky_relu(h)
    z = gcn_conv(h, edge_index, W3, b3)
    # Decoder: MLP with leaky_relu between layers
    d = z @ Wd1 + bd1
    d = jax.nn.leaky_relu(d)
    d = d @ Wd2 + bd2
    d = jax.nn.leaky_relu(d)
    x_recon = d @ Wd3 + bd3
    return (x_recon, z)

if __name__ == "__main__":
    import jax
    _d = setup_inputs()
    print(jax.jit(kernel)(*tuple(_d.values())))

</pallas_src>

<mosaic_0001>
#map = affine_map<(d0, d1) -> (0, 0)>
#map1 = affine_map<(d0, d1) -> (0, 0, 0, 0)>
module attributes {stable_mosaic.version = 14 : i64} {
  func.func @k(%arg0: i32, %arg1: i32, %arg2: memref<10240x16xf32, #tpu.memory_space<hbm>>, %arg3: memref<1280x128xi32, #tpu.memory_space<hbm>>, %arg4: memref<1280x128xi32, #tpu.memory_space<hbm>>, %arg5: memref<640x16xf32, #tpu.memory_space<hbm>>, %arg6: memref<2x16x640x16xf32, #tpu.memory_space<hbm>>, %arg7: memref<40x128xi32, #tpu.memory_space<vmem>>, %arg8: memref<40x128xi32, #tpu.memory_space<vmem>>, %arg9: memref<128x16xf32, #tpu.memory_space<vmem>>, %arg10: memref<128x16xf32, #tpu.memory_space<vmem>>, %arg11: memref<10240x16xf32, #tpu.memory_space<vmem_shared>>, %arg12: memref<!tpu.dma_semaphore, #tpu.memory_space<semaphore_mem>>, %arg13: memref<!tpu.dma_semaphore, #tpu.memory_space<semaphore_mem>>) attributes {dimension_semantics = [#tpu.dimension_semantics<core_parallel>, #tpu.dimension_semantics<subcore_parallel>], iteration_bounds = array<i64: 2, 16>, scalar_prefetch = 0 : i64, scratch_operands = 7 : i64, tpu.core_type = #tpu.core_type<sc_vector_subcore>, window_params = [{transform_indices = #map}, {transform_indices = #map}, {transform_indices = #map}, {transform_indices = #map}, {transform_indices = #map1}]} {
    %mul3A = arith.constant 640 : i32
    %mul3A_0 = arith.muli %arg0, %mul3A : i32
    %mul3A_1 = arith.constant 40 : i32
    %mul3A_2 = arith.muli %arg1, %mul3A_1 : i32
    %add3A = arith.addi %mul3A_0, %mul3A_2 : i32
    "tpu.region"() ({
      %run_scoped3A = tpu.sem_alloc : memref<!tpu.dma_semaphore, #tpu.memory_space<semaphore_mem>>
      %dma_start3A_19 = arith.constant 0 : i32
      %dma_start3A_20 = tpu.memref_slice %arg3[%add3A, %dma_start3A_19] : memref<1280x128xi32, #tpu.memory_space<hbm>> -> memref<40x128xi32, #tpu.memory_space<hbm>>
      %dma_start3A_21 = arith.constant 0 : i32
      %dma_start3A_22 = tpu.memref_slice %arg3[%add3A, %dma_start3A_21] : memref<1280x128xi32, #tpu.memory_space<hbm>> -> memref<40x128xi32, #tpu.memory_space<hbm>>
      tpu.enqueue_dma source(%dma_start3A_22 : memref<40x128xi32, #tpu.memory_space<hbm>>) target(%arg7 : memref<40x128xi32, #tpu.memory_space<vmem>>) target_semaphore(%run_scoped3A : memref<!tpu.dma_semaphore, #tpu.memory_space<semaphore_mem>>)
      %dma_wait3A = arith.constant 0 : i32
      %dma_wait3A_23 = tpu.memref_slice %arg3[%add3A, %dma_wait3A] : memref<1280x128xi32, #tpu.memory_space<hbm>> -> memref<40x128xi32, #tpu.memory_space<hbm>>
      %dma_wait3A_24 = arith.constant 0 : i32
      %dma_wait3A_25 = tpu.memref_slice %arg3[%add3A, %dma_wait3A_24] : memref<1280x128xi32, #tpu.memory_space<hbm>> -> memref<40x128xi32, #tpu.memory_space<hbm>>
      tpu.wait_dma2 semaphore(%run_scoped3A : memref<!tpu.dma_semaphore, #tpu.memory_space<semaphore_mem>>) src(%dma_wait3A_25 : memref<40x128xi32, #tpu.memory_space<hbm>>) dst(%arg7 : memref<40x128xi32, #tpu.memory_space<vmem>>)
      tpu.yield
    }) : () -> ()
    "tpu.region"() ({
      %run_scoped3A = tpu.sem_alloc : memref<!tpu.dma_semaphore, #tpu.memory_space<semaphore_mem>>
      %dma_start3A_19 = arith.constant 0 : i32
      %dma_start3A_20 = tpu.memref_slice %arg4[%add3A, %dma_start3A_19] : memref<1280x128xi32, #tpu.memory_space<hbm>> -> memref<40x128xi32, #tpu.memory_space<hbm>>
      %dma_start3A_21 = arith.constant 0 : i32
      %dma_start3A_22 = tpu.memref_slice %arg4[%add3A, %dma_start3A_21] : memref<1280x128xi32, #tpu.memory_space<hbm>> -> memref<40x128xi32, #tpu.memory_space<hbm>>
      tpu.enqueue_dma source(%dma_start3A_22 : memref<40x128xi32, #tpu.memory_space<hbm>>) target(%arg8 : memref<40x128xi32, #tpu.memory_space<vmem>>) target_semaphore(%run_scoped3A : memref<!tpu.dma_semaphore, #tpu.memory_space<semaphore_mem>>)
      %dma_wait3A = arith.constant 0 : i32
      %dma_wait3A_23 = tpu.memref_slice %arg4[%add3A, %dma_wait3A] : memref<1280x128xi32, #tpu.memory_space<hbm>> -> memref<40x128xi32, #tpu.memory_space<hbm>>
      %dma_wait3A_24 = arith.constant 0 : i32
      %dma_wait3A_25 = tpu.memref_slice %arg4[%add3A, %dma_wait3A_24] : memref<1280x128xi32, #tpu.memory_space<hbm>> -> memref<40x128xi32, #tpu.memory_space<hbm>>
      tpu.wait_dma2 semaphore(%run_scoped3A : memref<!tpu.dma_semaphore, #tpu.memory_space<semaphore_mem>>) src(%dma_wait3A_25 : memref<40x128xi32, #tpu.memory_space<hbm>>) dst(%arg8 : memref<40x128xi32, #tpu.memory_space<vmem>>)
      tpu.yield
    }) : () -> ()
    %mul3A_3 = arith.constant 640 : i32
    %mul3A_4 = arith.muli %arg1, %mul3A_3 : i32
    "tpu.region"() ({
      %run_scoped3A = tpu.sem_alloc : memref<!tpu.dma_semaphore, #tpu.memory_space<semaphore_mem>>
      %dma_start3A_19 = arith.constant 0 : i32
      %dma_start3A_20 = tpu.memref_slice %arg11[%mul3A_4, %dma_start3A_19] : memref<10240x16xf32, #tpu.memory_space<vmem_shared>> -> memref<640x16xf32, #tpu.memory_space<vmem_shared>>
      tpu.enqueue_dma source(%arg5 : memref<640x16xf32, #tpu.memory_space<hbm>>) target(%dma_start3A_20 : memref<640x16xf32, #tpu.memory_space<vmem_shared>>) target_semaphore(%run_scoped3A : memref<!tpu.dma_semaphore, #tpu.memory_space<semaphore_mem>>)
      %dma_wait3A = arith.constant 0 : i32
      %dma_wait3A_21 = tpu.memref_slice %arg11[%mul3A_4, %dma_wait3A] : memref<10240x16xf32, #tpu.memory_space<vmem_shared>> -> memref<640x16xf32, #tpu.memory_space<vmem_shared>>
      tpu.wait_dma2 semaphore(%run_scoped3A : memref<!tpu.dma_semaphore, #tpu.memory_space<semaphore_mem>>) src(%arg5 : memref<640x16xf32, #tpu.memory_space<hbm>>) dst(%dma_wait3A_21 : memref<640x16xf32, #tpu.memory_space<vmem_shared>>)
      tpu.yield
    }) : () -> ()
    %barrier3A = arith.constant 0 : index
    tpu.barrier barrier_id(%barrier3A)
    %dma_start3A = arith.constant 0 : i32
    %dma_start3A_5 = arith.constant 0 : i32
    %dma_start3A_6 = tpu.memref_slice %arg7[%dma_start3A, %dma_start3A_5] : memref<40x128xi32, #tpu.memory_space<vmem>> -> memref<1x128xi32, #tpu.memory_space<vmem>>
    %dma_start3A_7 = tpu.memref_squeeze %dma_start3A_6 : memref<1x128xi32, #tpu.memory_space<vmem>> -> memref<128xi32, #tpu.memory_space<vmem>>
    %dma_start3A_8 = arith.constant 0 : i32
    %dma_start3A_9 = arith.constant 0 : i32
    %dma_start3A_10 = tpu.memref_slice %arg2[%dma_start3A_8, %dma_start3A_9] : memref<10240x16xf32, #tpu.memory_space<hbm>> -> memref<10240x16xf32, #tpu.memory_space<hbm>>
    tpu.enqueue_indirect_dma source(%dma_start3A_10 : memref<10240x16xf32, #tpu.memory_space<hbm>>) target(%arg9 : memref<128x16xf32, #tpu.memory_space<vmem>>) offsets(%dma_start3A_7 : memref<128xi32, #tpu.memory_space<vmem>>) semaphore(%arg12 : memref<!tpu.dma_semaphore, #tpu.memory_space<semaphore_mem>>)
    %scan3A = arith.constant 0 : i32
    %scan3A_11 = arith.constant 0 : i32
    %scan3A_12 = arith.constant 20 : i32
    %scan3A_13 = arith.addi %scan3A_11, %scan3A_12 : i32
    %scan3A_14 = arith.constant 1 : i32
    scf.for %scan3A_19 = %scan3A_11 to %scan3A_13 step %scan3A_14  : i32 {
      %mul3A_20 = arith.constant 2 : i32
      %mul3A_21 = arith.muli %scan3A_19, %mul3A_20 : i32
      %add3A_22 = arith.constant 0 : i32
      %add3A_23 = arith.addi %mul3A_21, %add3A_22 : i32
      %add3A_24 = arith.constant 2 : i32
      %add3A_25 = arith.addi %add3A_23, %add3A_24 : i32
      %sub3A = arith.constant 1 : i32
      %sub3A_26 = arith.subi %add3A_25, %sub3A : i32
      %lt3A = arith.constant 40 : i32
      %lt3A_27 = arith.cmpi slt, %sub3A_26, %lt3A : i32
      %convert_element_type3A = arith.extui %lt3A_27 : i1 to i32
      %cond3A = arith.constant 0 : i32
      %cond3A_28 = arith.cmpi ne, %convert_element_type3A, %cond3A : i32
      scf.if %cond3A_28 {
        %dma_start3A_53 = arith.constant 0 : i32
        %dma_start3A_54 = tpu.memref_slice %arg7[%sub3A_26, %dma_start3A_53] : memref<40x128xi32, #tpu.memory_space<vmem>> -> memref<1x128xi32, #tpu.memory_space<vmem>>
        %dma_start3A_55 = tpu.memref_squeeze %dma_start3A_54 : memref<1x128xi32, #tpu.memory_space<vmem>> -> memref<128xi32, #tpu.memory_space<vmem>>
        %dma_start3A_56 = arith.constant 0 : i32
        %dma_start3A_57 = arith.constant 0 : i32
        %dma_start3A_58 = tpu.memref_slice %arg2[%dma_start3A_56, %dma_start3A_57] : memref<10240x16xf32, #tpu.memory_space<hbm>> -> memref<10240x16xf32, #tpu.memory_space<hbm>>
        tpu.enqueue_indirect_dma source(%dma_start3A_58 : memref<10240x16xf32, #tpu.memory_space<hbm>>) target(%arg10 : memref<128x16xf32, #tpu.memory_space<vmem>>) offsets(%dma_start3A_55 : memref<128xi32, #tpu.memory_space<vmem>>) semaphore(%arg13 : memref<!tpu.dma_semaphore, #tpu.memory_space<semaphore_mem>>)
      } else {
      }
      %dma_wait3A = arith.constant 0 : i32
      %dma_wait3A_29 = tpu.memref_slice %arg7[%add3A_23, %dma_wait3A] : memref<40x128xi32, #tpu.memory_space<vmem>> -> memref<1x128xi32, #tpu.memory_space<vmem>>
      %dma_wait3A_30 = tpu.memref_squeeze %dma_wait3A_29 : memref<1x128xi32, #tpu.memory_space<vmem>> -> memref<128xi32, #tpu.memory_space<vmem>>
      %dma_wait3A_31 = arith.constant 0 : i32
      %dma_wait3A_32 = arith.constant 0 : i32
      %dma_wait3A_33 = tpu.memref_slice %arg2[%dma_wait3A_31, %dma_wait3A_32] : memref<10240x16xf32, #tpu.memory_space<hbm>> -> memref<10240x16xf32, #tpu.memory_space<hbm>>
      tpu.wait_indirect_dma semaphore(%arg12 : memref<!tpu.dma_semaphore, #tpu.memory_space<semaphore_mem>>) src(%dma_wait3A_33 : memref<10240x16xf32, #tpu.memory_space<hbm>>) dst(%arg9 : memref<128x16xf32, #tpu.memory_space<vmem>>)
      "tpu.region"() ({
        %run_scoped3A = tpu.sem_alloc : memref<!tpu.dma_semaphore, #tpu.memory_space<semaphore_mem>>
        %dma_start3A_53 = arith.constant 0 : i32
        %dma_start3A_54 = tpu.memref_slice %arg8[%add3A_23, %dma_start3A_53] : memref<40x128xi32, #tpu.memory_space<vmem>> -> memref<1x128xi32, #tpu.memory_space<vmem>>
        %dma_start3A_55 = tpu.memref_squeeze %dma_start3A_54 : memref<1x128xi32, #tpu.memory_space<vmem>> -> memref<128xi32, #tpu.memory_space<vmem>>
        %dma_start3A_56 = arith.constant 0 : i32
        %dma_start3A_57 = arith.constant 0 : i32
        %dma_start3A_58 = tpu.memref_slice %arg11[%dma_start3A_56, %dma_start3A_57] : memref<10240x16xf32, #tpu.memory_space<vmem_shared>> -> memref<10240x16xf32, #tpu.memory_space<vmem_shared>>
        tpu.enqueue_indirect_dma source(%arg9 : memref<128x16xf32, #tpu.memory_space<vmem>>) target(%dma_start3A_58 : memref<10240x16xf32, #tpu.memory_space<vmem_shared>>) offsets(%dma_start3A_55 : memref<128xi32, #tpu.memory_space<vmem>>) semaphore(%run_scoped3A : memref<!tpu.dma_semaphore, #tpu.memory_space<semaphore_mem>>) {add = true}
        %dma_wait3A_59 = arith.constant 0 : i32
        %dma_wait3A_60 = tpu.memref_slice %arg8[%add3A_23, %dma_wait3A_59] : memref<40x128xi32, #tpu.memory_space<vmem>> -> memref<1x128xi32, #tpu.memory_space<vmem>>
        %dma_wait3A_61 = tpu.memref_squeeze %dma_wait3A_60 : memref<1x128xi32, #tpu.memory_space<vmem>> -> memref<128xi32, #tpu.memory_space<vmem>>
        %dma_wait3A_62 = arith.constant 0 : i32
        %dma_wait3A_63 = arith.constant 0 : i32
        %dma_wait3A_64 = tpu.memref_slice %arg11[%dma_wait3A_62, %dma_wait3A_63] : memref<10240x16xf32, #tpu.memory_space<vmem_shared>> -> memref<10240x16xf32, #tpu.memory_space<vmem_shared>>
        tpu.wait_indirect_dma semaphore(%run_scoped3A : memref<!tpu.dma_semaphore, #tpu.memory_space<semaphore_mem>>) src(%arg9 : memref<128x16xf32, #tpu.memory_space<vmem>>) dst(%dma_wait3A_64 : memref<10240x16xf32, #tpu.memory_space<vmem_shared>>)
        tpu.yield
      }) : () -> ()
      %mul3A_34 = arith.constant 2 : i32
      %mul3A_35 = arith.muli %scan3A_19, %mul3A_34 : i32
      %add3A_36 = arith.constant 1 : i32
      %add3A_37 = arith.addi %mul3A_35, %add3A_36 : i32
      %add3A_38 = arith.constant 2 : i32
      %add3A_39 = arith.addi %add3A_37, %add3A_38 : i32
      %sub3A_40 = arith.constant 1 : i32
      %sub3A_41 = arith.subi %add3A_39, %sub3A_40 : i32
      %lt3A_42 = arith.constant 40 : i32
      %lt3A_43 = arith.cmpi slt, %sub3A_41, %lt3A_42 : i32
      %convert_element_type3A_44 = arith.extui %lt3A_43 : i1 to i32
      %cond3A_45 = arith.constant 0 : i32
      %cond3A_46 = arith.cmpi ne, %convert_element_type3A_44, %cond3A_45 : i32
      scf.if %cond3A_46 {
        %dma_start3A_53 = arith.constant 0 : i32
        %dma_start3A_54 = tpu.memref_slice %arg7[%sub3A_41, %dma_start3A_53] : memref<40x128xi32, #tpu.memory_space<vmem>> -> memref<1x128xi32, #tpu.memory_space<vmem>>
        %dma_start3A_55 = tpu.memref_squeeze %dma_start3A_54 : memref<1x128xi32, #tpu.memory_space<vmem>> -> memref<128xi32, #tpu.memory_space<vmem>>
        %dma_start3A_56 = arith.constant 0 : i32
        %dma_start3A_57 = arith.constant 0 : i32
        %dma_start3A_58 = tpu.memref_slice %arg2[%dma_start3A_56, %dma_start3A_57] : memref<10240x16xf32, #tpu.memory_space<hbm>> -> memref<10240x16xf32, #tpu.memory_space<hbm>>
        tpu.enqueue_indirect_dma source(%dma_start3A_58 : memref<10240x16xf32, #tpu.memory_space<hbm>>) target(%arg9 : memref<128x16xf32, #tpu.memory_space<vmem>>) offsets(%dma_start3A_55 : memref<128xi32, #tpu.memory_space<vmem>>) semaphore(%arg12 : memref<!tpu.dma_semaphore, #tpu.memory_space<semaphore_mem>>)
      } else {
      }
      %dma_wait3A_47 = arith.constant 0 : i32
      %dma_wait3A_48 = tpu.memref_slice %arg7[%add3A_37, %dma_wait3A_47] : memref<40x128xi32, #tpu.memory_space<vmem>> -> memref<1x128xi32, #tpu.memory_space<vmem>>
      %dma_wait3A_49 = tpu.memref_squeeze %dma_wait3A_48 : memref<1x128xi32, #tpu.memory_space<vmem>> -> memref<128xi32, #tpu.memory_space<vmem>>
      %dma_wait3A_50 = arith.constant 0 : i32
      %dma_wait3A_51 = arith.constant 0 : i32
      %dma_wait3A_52 = tpu.memref_slice %arg2[%dma_wait3A_50, %dma_wait3A_51] : memref<10240x16xf32, #tpu.memory_space<hbm>> -> memref<10240x16xf32, #tpu.memory_space<hbm>>
      tpu.wait_indirect_dma semaphore(%arg13 : memref<!tpu.dma_semaphore, #tpu.memory_space<semaphore_mem>>) src(%dma_wait3A_52 : memref<10240x16xf32, #tpu.memory_space<hbm>>) dst(%arg10 : memref<128x16xf32, #tpu.memory_space<vmem>>)
      "tpu.region"() ({
        %run_scoped3A = tpu.sem_alloc : memref<!tpu.dma_semaphore, #tpu.memory_space<semaphore_mem>>
        %dma_start3A_53 = arith.constant 0 : i32
        %dma_start3A_54 = tpu.memref_slice %arg8[%add3A_37, %dma_start3A_53] : memref<40x128xi32, #tpu.memory_space<vmem>> -> memref<1x128xi32, #tpu.memory_space<vmem>>
        %dma_start3A_55 = tpu.memref_squeeze %dma_start3A_54 : memref<1x128xi32, #tpu.memory_space<vmem>> -> memref<128xi32, #tpu.memory_space<vmem>>
        %dma_start3A_56 = arith.constant 0 : i32
        %dma_start3A_57 = arith.constant 0 : i32
        %dma_start3A_58 = tpu.memref_slice %arg11[%dma_start3A_56, %dma_start3A_57] : memref<10240x16xf32, #tpu.memory_space<vmem_shared>> -> memref<10240x16xf32, #tpu.memory_space<vmem_shared>>
        tpu.enqueue_indirect_dma source(%arg10 : memref<128x16xf32, #tpu.memory_space<vmem>>) target(%dma_start3A_58 : memref<10240x16xf32, #tpu.memory_space<vmem_shared>>) offsets(%dma_start3A_55 : memref<128xi32, #tpu.memory_space<vmem>>) semaphore(%run_scoped3A : memref<!tpu.dma_semaphore, #tpu.memory_space<semaphore_mem>>) {add = true}
        %dma_wait3A_59 = arith.constant 0 : i32
        %dma_wait3A_60 = tpu.memref_slice %arg8[%add3A_37, %dma_wait3A_59] : memref<40x128xi32, #tpu.memory_space<vmem>> -> memref<1x128xi32, #tpu.memory_space<vmem>>
        %dma_wait3A_61 = tpu.memref_squeeze %dma_wait3A_60 : memref<1x128xi32, #tpu.memory_space<vmem>> -> memref<128xi32, #tpu.memory_space<vmem>>
        %dma_wait3A_62 = arith.constant 0 : i32
        %dma_wait3A_63 = arith.constant 0 : i32
        %dma_wait3A_64 = tpu.memref_slice %arg11[%dma_wait3A_62, %dma_wait3A_63] : memref<10240x16xf32, #tpu.memory_space<vmem_shared>> -> memref<10240x16xf32, #tpu.memory_space<vmem_shared>>
        tpu.wait_indirect_dma semaphore(%run_scoped3A : memref<!tpu.dma_semaphore, #tpu.memory_space<semaphore_mem>>) src(%arg10 : memref<128x16xf32, #tpu.memory_space<vmem>>) dst(%dma_wait3A_64 : memref<10240x16xf32, #tpu.memory_space<vmem_shared>>)
        tpu.yield
      }) : () -> ()
    }
    %scan3A_15 = arith.constant 20 : i32
    %barrier3A_16 = arith.constant 0 : index
    tpu.barrier barrier_id(%barrier3A_16)
    %mul3A_17 = arith.constant 640 : i32
    %mul3A_18 = arith.muli %arg1, %mul3A_17 : i32
    "tpu.region"() ({
      %run_scoped3A = tpu.sem_alloc : memref<!tpu.dma_semaphore, #tpu.memory_space<semaphore_mem>>
      %dma_start3A_19 = arith.constant 0 : i32
      %dma_start3A_20 = arith.constant 0 : i32
      %dma_start3A_21 = tpu.memref_slice %arg6[%arg0, %arg1, %dma_start3A_19, %dma_start3A_20] : memref<2x16x640x16xf32, #tpu.memory_space<hbm>> -> memref<1x1x640x16xf32, #tpu.memory_space<hbm>>
      %dma_start3A_22 = tpu.memref_squeeze %dma_start3A_21 : memref<1x1x640x16xf32, #tpu.memory_space<hbm>> -> memref<640x16xf32, #tpu.memory_space<hbm>>
      %dma_start3A_23 = arith.constant 0 : i32
      %dma_start3A_24 = tpu.memref_slice %arg11[%mul3A_18, %dma_start3A_23] : memref<10240x16xf32, #tpu.memory_space<vmem_shared>> -> memref<640x16xf32, #tpu.memory_space<vmem_shared>>
      tpu.enqueue_dma source(%dma_start3A_24 : memref<640x16xf32, #tpu.memory_space<vmem_shared>>) target(%dma_start3A_22 : memref<640x16xf32, #tpu.memory_space<hbm>>) target_semaphore(%run_scoped3A : memref<!tpu.dma_semaphore, #tpu.memory_space<semaphore_mem>>)
      %dma_wait3A = arith.constant 0 : i32
      %dma_wait3A_25 = arith.constant 0 : i32
      %dma_wait3A_26 = tpu.memref_slice %arg6[%arg0, %arg1, %dma_wait3A, %dma_wait3A_25] : memref<2x16x640x16xf32, #tpu.memory_space<hbm>> -> memref<1x1x640x16xf32, #tpu.memory_space<hbm>>
      %dma_wait3A_27 = tpu.memref_squeeze %dma_wait3A_26 : memref<1x1x640x16xf32, #tpu.memory_space<hbm>> -> memref<640x16xf32, #tpu.memory_space<hbm>>
      %dma_wait3A_28 = arith.constant 0 : i32
      %dma_wait3A_29 = tpu.memref_slice %arg11[%mul3A_18, %dma_wait3A_28] : memref<10240x16xf32, #tpu.memory_space<vmem_shared>> -> memref<640x16xf32, #tpu.memory_space<vmem_shared>>
      tpu.wait_dma2 semaphore(%run_scoped3A : memref<!tpu.dma_semaphore, #tpu.memory_space<semaphore_mem>>) src(%dma_wait3A_29 : memref<640x16xf32, #tpu.memory_space<vmem_shared>>) dst(%dma_wait3A_27 : memref<640x16xf32, #tpu.memory_space<hbm>>)
      tpu.yield
    }) : () -> ()
    return
  }
}

#map = affine_map<(d0, d1) -> (0, 0)>
#map1 = affine_map<(d0, d1) -> (0, 0, 0, 0)>
module attributes {stable_mosaic.version = 14 : i64} {
  func.func @k(%arg0: i32, %arg1: i32, %arg2: memref<10240x128xf32, #tpu.memory_space<hbm>>, %arg3: memref<1280x128xi32, #tpu.memory_space<hbm>>, %arg4: memref<1280x128xi32, #tpu.memory_space<hbm>>, %arg5: memref<640x128xf32, #tpu.memory_space<hbm>>, %arg6: memref<2x16x640x128xf32, #tpu.memory_space<hbm>>, %arg7: memref<40x128xi32, #tpu.memory_space<vmem>>, %arg8: memref<40x128xi32, #tpu.memory_space<vmem>>, %arg9: memref<128x128xf32, #tpu.memory_space<vmem>>, %arg10: memref<128x128xf32, #tpu.memory_space<vmem>>, %arg11: memref<10240x128xf32, #tpu.memory_space<vmem_shared>>, %arg12: memref<!tpu.dma_semaphore, #tpu.memory_space<semaphore_mem>>, %arg13: memref<!tpu.dma_semaphore, #tpu.memory_space<semaphore_mem>>) attributes {dimension_semantics = [#tpu.dimension_semantics<core_parallel>, #tpu.dimension_semantics<subcore_parallel>], iteration_bounds = array<i64: 2, 16>, scalar_prefetch = 0 : i64, scratch_operands = 7 : i64, tpu.core_type = #tpu.core_type<sc_vector_subcore>, window_params = [{transform_indices = #map}, {transform_indices = #map}, {transform_indices = #map}, {transform_indices = #map}, {transform_indices = #map1}]} {
    %mul3A = arith.constant 640 : i32
    %mul3A_0 = arith.muli %arg0, %mul3A : i32
    %mul3A_1 = arith.constant 40 : i32
    %mul3A_2 = arith.muli %arg1, %mul3A_1 : i32
    %add3A = arith.addi %mul3A_0, %mul3A_2 : i32
    "tpu.region"() ({
      %run_scoped3A = tpu.sem_alloc : memref<!tpu.dma_semaphore, #tpu.memory_space<semaphore_mem>>
      %dma_start3A_19 = arith.constant 0 : i32
      %dma_start3A_20 = tpu.memref_slice %arg3[%add3A, %dma_start3A_19] : memref<1280x128xi32, #tpu.memory_space<hbm>> -> memref<40x128xi32, #tpu.memory_space<hbm>>
      %dma_start3A_21 = arith.constant 0 : i32
      %dma_start3A_22 = tpu.memref_slice %arg3[%add3A, %dma_start3A_21] : memref<1280x128xi32, #tpu.memory_space<hbm>> -> memref<40x128xi32, #tpu.memory_space<hbm>>
      tpu.enqueue_dma source(%dma_start3A_22 : memref<40x128xi32, #tpu.memory_space<hbm>>) target(%arg7 : memref<40x128xi32, #tpu.memory_space<vmem>>) target_semaphore(%run_scoped3A : memref<!tpu.dma_semaphore, #tpu.memory_space<semaphore_mem>>)
      %dma_wait3A = arith.constant 0 : i32
      %dma_wait3A_23 = tpu.memref_slice %arg3[%add3A, %dma_wait3A] : memref<1280x128xi32, #tpu.memory_space<hbm>> -> memref<40x128xi32, #tpu.memory_space<hbm>>
      %dma_wait3A_24 = arith.constant 0 : i32
      %dma_wait3A_25 = tpu.memref_slice %arg3[%add3A, %dma_wait3A_24] : memref<1280x128xi32, #tpu.memory_space<hbm>> -> memref<40x128xi32, #tpu.memory_space<hbm>>
      tpu.wait_dma2 semaphore(%run_scoped3A : memref<!tpu.dma_semaphore, #tpu.memory_space<semaphore_mem>>) src(%dma_wait3A_25 : memref<40x128xi32, #tpu.memory_space<hbm>>) dst(%arg7 : memref<40x128xi32, #tpu.memory_space<vmem>>)
      tpu.yield
    }) : () -> ()
    "tpu.region"() ({
      %run_scoped3A = tpu.sem_alloc : memref<!tpu.dma_semaphore, #tpu.memory_space<semaphore_mem>>
      %dma_start3A_19 = arith.constant 0 : i32
      %dma_start3A_20 = tpu.memref_slice %arg4[%add3A, %dma_start3A_19] : memref<1280x128xi32, #tpu.memory_space<hbm>> -> memref<40x128xi32, #tpu.memory_space<hbm>>
      %dma_start3A_21 = arith.constant 0 : i32
      %dma_start3A_22 = tpu.memref_slice %arg4[%add3A, %dma_start3A_21] : memref<1280x128xi32, #tpu.memory_space<hbm>> -> memref<40x128xi32, #tpu.memory_space<hbm>>
      tpu.enqueue_dma source(%dma_start3A_22 : memref<40x128xi32, #tpu.memory_space<hbm>>) target(%arg8 : memref<40x128xi32, #tpu.memory_space<vmem>>) target_semaphore(%run_scoped3A : memref<!tpu.dma_semaphore, #tpu.memory_space<semaphore_mem>>)
      %dma_wait3A = arith.constant 0 : i32
      %dma_wait3A_23 = tpu.memref_slice %arg4[%add3A, %dma_wait3A] : memref<1280x128xi32, #tpu.memory_space<hbm>> -> memref<40x128xi32, #tpu.memory_space<hbm>>
      %dma_wait3A_24 = arith.constant 0 : i32
      %dma_wait3A_25 = tpu.memref_slice %arg4[%add3A, %dma_wait3A_24] : memref<1280x128xi32, #tpu.memory_space<hbm>> -> memref<40x128xi32, #tpu.memory_space<hbm>>
      tpu.wait_dma2 semaphore(%run_scoped3A : memref<!tpu.dma_semaphore, #tpu.memory_space<semaphore_mem>>) src(%dma_wait3A_25 : memref<40x128xi32, #tpu.memory_space<hbm>>) dst(%arg8 : memref<40x128xi32, #tpu.memory_space<vmem>>)
      tpu.yield
    }) : () -> ()
    %mul3A_3 = arith.constant 640 : i32
    %mul3A_4 = arith.muli %arg1, %mul3A_3 : i32
    "tpu.region"() ({
      %run_scoped3A = tpu.sem_alloc : memref<!tpu.dma_semaphore, #tpu.memory_space<semaphore_mem>>
      %dma_start3A_19 = arith.constant 0 : i32
      %dma_start3A_20 = tpu.memref_slice %arg11[%mul3A_4, %dma_start3A_19] : memref<10240x128xf32, #tpu.memory_space<vmem_shared>> -> memref<640x128xf32, #tpu.memory_space<vmem_shared>>
      tpu.enqueue_dma source(%arg5 : memref<640x128xf32, #tpu.memory_space<hbm>>) target(%dma_start3A_20 : memref<640x128xf32, #tpu.memory_space<vmem_shared>>) target_semaphore(%run_scoped3A : memref<!tpu.dma_semaphore, #tpu.memory_space<semaphore_mem>>)
      %dma_wait3A = arith.constant 0 : i32
      %dma_wait3A_21 = tpu.memref_slice %arg11[%mul3A_4, %dma_wait3A] : memref<10240x128xf32, #tpu.memory_space<vmem_shared>> -> memref<640x128xf32, #tpu.memory_space<vmem_shared>>
      tpu.wait_dma2 semaphore(%run_scoped3A : memref<!tpu.dma_semaphore, #tpu.memory_space<semaphore_mem>>) src(%arg5 : memref<640x128xf32, #tpu.memory_space<hbm>>) dst(%dma_wait3A_21 : memref<640x128xf32, #tpu.memory_space<vmem_shared>>)
      tpu.yield
    }) : () -> ()
    %barrier3A = arith.constant 0 : index
    tpu.barrier barrier_id(%barrier3A)
    %dma_start3A = arith.constant 0 : i32
    %dma_start3A_5 = arith.constant 0 : i32
    %dma_start3A_6 = tpu.memref_slice %arg7[%dma_start3A, %dma_start3A_5] : memref<40x128xi32, #tpu.memory_space<vmem>> -> memref<1x128xi32, #tpu.memory_space<vmem>>
    %dma_start3A_7 = tpu.memref_squeeze %dma_start3A_6 : memref<1x128xi32, #tpu.memory_space<vmem>> -> memref<128xi32, #tpu.memory_space<vmem>>
    %dma_start3A_8 = arith.constant 0 : i32
    %dma_start3A_9 = arith.constant 0 : i32
    %dma_start3A_10 = tpu.memref_slice %arg2[%dma_start3A_8, %dma_start3A_9] : memref<10240x128xf32, #tpu.memory_space<hbm>> -> memref<10240x128xf32, #tpu.memory_space<hbm>>
    tpu.enqueue_indirect_dma source(%dma_start3A_10 : memref<10240x128xf32, #tpu.memory_space<hbm>>) target(%arg9 : memref<128x128xf32, #tpu.memory_space<vmem>>) offsets(%dma_start3A_7 : memref<128xi32, #tpu.memory_space<vmem>>) semaphore(%arg12 : memref<!tpu.dma_semaphore, #tpu.memory_space<semaphore_mem>>)
    %scan3A = arith.constant 0 : i32
    %scan3A_11 = arith.constant 0 : i32
    %scan3A_12 = arith.constant 20 : i32
    %scan3A_13 = arith.addi %scan3A_11, %scan3A_12 : i32
    %scan3A_14 = arith.constant 1 : i32
    scf.for %scan3A_19 = %scan3A_11 to %scan3A_13 step %scan3A_14  : i32 {
      %mul3A_20 = arith.constant 2 : i32
      %mul3A_21 = arith.muli %scan3A_19, %mul3A_20 : i32
      %add3A_22 = arith.constant 0 : i32
      %add3A_23 = arith.addi %mul3A_21, %add3A_22 : i32
      %add3A_24 = arith.constant 2 : i32
      %add3A_25 = arith.addi %add3A_23, %add3A_24 : i32
      %sub3A = arith.constant 1 : i32
      %sub3A_26 = arith.subi %add3A_25, %sub3A : i32
      %lt3A = arith.constant 40 : i32
      %lt3A_27 = arith.cmpi slt, %sub3A_26, %lt3A : i32
      %convert_element_type3A = arith.extui %lt3A_27 : i1 to i32
      %cond3A = arith.constant 0 : i32
      %cond3A_28 = arith.cmpi ne, %convert_element_type3A, %cond3A : i32
      scf.if %cond3A_28 {
        %dma_start3A_53 = arith.constant 0 : i32
        %dma_start3A_54 = tpu.memref_slice %arg7[%sub3A_26, %dma_start3A_53] : memref<40x128xi32, #tpu.memory_space<vmem>> -> memref<1x128xi32, #tpu.memory_space<vmem>>
        %dma_start3A_55 = tpu.memref_squeeze %dma_start3A_54 : memref<1x128xi32, #tpu.memory_space<vmem>> -> memref<128xi32, #tpu.memory_space<vmem>>
        %dma_start3A_56 = arith.constant 0 : i32
        %dma_start3A_57 = arith.constant 0 : i32
        %dma_start3A_58 = tpu.memref_slice %arg2[%dma_start3A_56, %dma_start3A_57] : memref<10240x128xf32, #tpu.memory_space<hbm>> -> memref<10240x128xf32, #tpu.memory_space<hbm>>
        tpu.enqueue_indirect_dma source(%dma_start3A_58 : memref<10240x128xf32, #tpu.memory_space<hbm>>) target(%arg10 : memref<128x128xf32, #tpu.memory_space<vmem>>) offsets(%dma_start3A_55 : memref<128xi32, #tpu.memory_space<vmem>>) semaphore(%arg13 : memref<!tpu.dma_semaphore, #tpu.memory_space<semaphore_mem>>)
      } else {
      }
      %dma_wait3A = arith.constant 0 : i32
      %dma_wait3A_29 = tpu.memref_slice %arg7[%add3A_23, %dma_wait3A] : memref<40x128xi32, #tpu.memory_space<vmem>> -> memref<1x128xi32, #tpu.memory_space<vmem>>
      %dma_wait3A_30 = tpu.memref_squeeze %dma_wait3A_29 : memref<1x128xi32, #tpu.memory_space<vmem>> -> memref<128xi32, #tpu.memory_space<vmem>>
      %dma_wait3A_31 = arith.constant 0 : i32
      %dma_wait3A_32 = arith.constant 0 : i32
      %dma_wait3A_33 = tpu.memref_slice %arg2[%dma_wait3A_31, %dma_wait3A_32] : memref<10240x128xf32, #tpu.memory_space<hbm>> -> memref<10240x128xf32, #tpu.memory_space<hbm>>
      tpu.wait_indirect_dma semaphore(%arg12 : memref<!tpu.dma_semaphore, #tpu.memory_space<semaphore_mem>>) src(%dma_wait3A_33 : memref<10240x128xf32, #tpu.memory_space<hbm>>) dst(%arg9 : memref<128x128xf32, #tpu.memory_space<vmem>>)
      "tpu.region"() ({
        %run_scoped3A = tpu.sem_alloc : memref<!tpu.dma_semaphore, #tpu.memory_space<semaphore_mem>>
        %dma_start3A_53 = arith.constant 0 : i32
        %dma_start3A_54 = tpu.memref_slice %arg8[%add3A_23, %dma_start3A_53] : memref<40x128xi32, #tpu.memory_space<vmem>> -> memref<1x128xi32, #tpu.memory_space<vmem>>
        %dma_start3A_55 = tpu.memref_squeeze %dma_start3A_54 : memref<1x128xi32, #tpu.memory_space<vmem>> -> memref<128xi32, #tpu.memory_space<vmem>>
        %dma_start3A_56 = arith.constant 0 : i32
        %dma_start3A_57 = arith.constant 0 : i32
        %dma_start3A_58 = tpu.memref_slice %arg11[%dma_start3A_56, %dma_start3A_57] : memref<10240x128xf32, #tpu.memory_space<vmem_shared>> -> memref<10240x128xf32, #tpu.memory_space<vmem_shared>>
        tpu.enqueue_indirect_dma source(%arg9 : memref<128x128xf32, #tpu.memory_space<vmem>>) target(%dma_start3A_58 : memref<10240x128xf32, #tpu.memory_space<vmem_shared>>) offsets(%dma_start3A_55 : memref<128xi32, #tpu.memory_space<vmem>>) semaphore(%run_scoped3A : memref<!tpu.dma_semaphore, #tpu.memory_space<semaphore_mem>>) {add = true}
        %dma_wait3A_59 = arith.constant 0 : i32
        %dma_wait3A_60 = tpu.memref_slice %arg8[%add3A_23, %dma_wait3A_59] : memref<40x128xi32, #tpu.memory_space<vmem>> -> memref<1x128xi32, #tpu.memory_space<vmem>>
        %dma_wait3A_61 = tpu.memref_squeeze %dma_wait3A_60 : memref<1x128xi32, #tpu.memory_space<vmem>> -> memref<128xi32, #tpu.memory_space<vmem>>
        %dma_wait3A_62 = arith.constant 0 : i32
        %dma_wait3A_63 = arith.constant 0 : i32
        %dma_wait3A_64 = tpu.memref_slice %arg11[%dma_wait3A_62, %dma_wait3A_63] : memref<10240x128xf32, #tpu.memory_space<vmem_shared>> -> memref<10240x128xf32, #tpu.memory_space<vmem_shared>>
        tpu.wait_indirect_dma semaphore(%run_scoped3A : memref<!tpu.dma_semaphore, #tpu.memory_space<semaphore_mem>>) src(%arg9 : memref<128x128xf32, #tpu.memory_space<vmem>>) dst(%dma_wait3A_64 : memref<10240x128xf32, #tpu.memory_space<vmem_shared>>)
        tpu.yield
      }) : () -> ()
      %mul3A_34 = arith.constant 2 : i32
      %mul3A_35 = arith.muli %scan3A_19, %mul3A_34 : i32
      %add3A_36 = arith.constant 1 : i32
      %add3A_37 = arith.addi %mul3A_35, %add3A_36 : i32
      %add3A_38 = arith.constant 2 : i32
      %add3A_39 = arith.addi %add3A_37, %add3A_38 : i32
      %sub3A_40 = arith.constant 1 : i32
      %sub3A_41 = arith.subi %add3A_39, %sub3A_40 : i32
      %lt3A_42 = arith.constant 40 : i32
      %lt3A_43 = arith.cmpi slt, %sub3A_41, %lt3A_42 : i32
      %convert_element_type3A_44 = arith.extui %lt3A_43 : i1 to i32
      %cond3A_45 = arith.constant 0 : i32
      %cond3A_46 = arith.cmpi ne, %convert_element_type3A_44, %cond3A_45 : i32
      scf.if %cond3A_46 {
        %dma_start3A_53 = arith.constant 0 : i32
        %dma_start3A_54 = tpu.memref_slice %arg7[%sub3A_41, %dma_start3A_53] : memref<40x128xi32, #tpu.memory_space<vmem>> -> memref<1x128xi32, #tpu.memory_space<vmem>>
        %dma_start3A_55 = tpu.memref_squeeze %dma_start3A_54 : memref<1x128xi32, #tpu.memory_space<vmem>> -> memref<128xi32, #tpu.memory_space<vmem>>
        %dma_start3A_56 = arith.constant 0 : i32
        %dma_start3A_57 = arith.constant 0 : i32
        %dma_start3A_58 = tpu.memref_slice %arg2[%dma_start3A_56, %dma_start3A_57] : memref<10240x128xf32, #tpu.memory_space<hbm>> -> memref<10240x128xf32, #tpu.memory_space<hbm>>
        tpu.enqueue_indirect_dma source(%dma_start3A_58 : memref<10240x128xf32, #tpu.memory_space<hbm>>) target(%arg9 : memref<128x128xf32, #tpu.memory_space<vmem>>) offsets(%dma_start3A_55 : memref<128xi32, #tpu.memory_space<vmem>>) semaphore(%arg12 : memref<!tpu.dma_semaphore, #tpu.memory_space<semaphore_mem>>)
      } else {
      }
      %dma_wait3A_47 = arith.constant 0 : i32
      %dma_wait3A_48 = tpu.memref_slice %arg7[%add3A_37, %dma_wait3A_47] : memref<40x128xi32, #tpu.memory_space<vmem>> -> memref<1x128xi32, #tpu.memory_space<vmem>>
      %dma_wait3A_49 = tpu.memref_squeeze %dma_wait3A_48 : memref<1x128xi32, #tpu.memory_space<vmem>> -> memref<128xi32, #tpu.memory_space<vmem>>
      %dma_wait3A_50 = arith.constant 0 : i32
      %dma_wait3A_51 = arith.constant 0 : i32
      %dma_wait3A_52 = tpu.memref_slice %arg2[%dma_wait3A_50, %dma_wait3A_51] : memref<10240x128xf32, #tpu.memory_space<hbm>> -> memref<10240x128xf32, #tpu.memory_space<hbm>>
      tpu.wait_indirect_dma semaphore(%arg13 : memref<!tpu.dma_semaphore, #tpu.memory_space<semaphore_mem>>) src(%dma_wait3A_52 : memref<10240x128xf32, #tpu.memory_space<hbm>>) dst(%arg10 : memref<128x128xf32, #tpu.memory_space<vmem>>)
      "tpu.region"() ({
        %run_scoped3A = tpu.sem_alloc : memref<!tpu.dma_semaphore, #tpu.memory_space<semaphore_mem>>
        %dma_start3A_53 = arith.constant 0 : i32
        %dma_start3A_54 = tpu.memref_slice %arg8[%add3A_37, %dma_start3A_53] : memref<40x128xi32, #tpu.memory_space<vmem>> -> memref<1x128xi32, #tpu.memory_space<vmem>>
        %dma_start3A_55 = tpu.memref_squeeze %dma_start3A_54 : memref<1x128xi32, #tpu.memory_space<vmem>> -> memref<128xi32, #tpu.memory_space<vmem>>
        %dma_start3A_56 = arith.constant 0 : i32
        %dma_start3A_57 = arith.constant 0 : i32
        %dma_start3A_58 = tpu.memref_slice %arg11[%dma_start3A_56, %dma_start3A_57] : memref<10240x128xf32, #tpu.memory_space<vmem_shared>> -> memref<10240x128xf32, #tpu.memory_space<vmem_shared>>
        tpu.enqueue_indirect_dma source(%arg10 : memref<128x128xf32, #tpu.memory_space<vmem>>) target(%dma_start3A_58 : memref<10240x128xf32, #tpu.memory_space<vmem_shared>>) offsets(%dma_start3A_55 : memref<128xi32, #tpu.memory_space<vmem>>) semaphore(%run_scoped3A : memref<!tpu.dma_semaphore, #tpu.memory_space<semaphore_mem>>) {add = true}
        %dma_wait3A_59 = arith.constant 0 : i32
        %dma_wait3A_60 = tpu.memref_slice %arg8[%add3A_37, %dma_wait3A_59] : memref<40x128xi32, #tpu.memory_space<vmem>> -> memref<1x128xi32, #tpu.memory_space<vmem>>
        %dma_wait3A_61 = tpu.memref_squeeze %dma_wait3A_60 : memref<1x128xi32, #tpu.memory_space<vmem>> -> memref<128xi32, #tpu.memory_space<vmem>>
        %dma_wait3A_62 = arith.constant 0 : i32
        %dma_wait3A_63 = arith.constant 0 : i32
        %dma_wait3A_64 = tpu.memref_slice %arg11[%dma_wait3A_62, %dma_wait3A_63] : memref<10240x128xf32, #tpu.memory_space<vmem_shared>> -> memref<10240x128xf32, #tpu.memory_space<vmem_shared>>
        tpu.wait_indirect_dma semaphore(%run_scoped3A : memref<!tpu.dma_semaphore, #tpu.memory_space<semaphore_mem>>) src(%arg10 : memref<128x128xf32, #tpu.memory_space<vmem>>) dst(%dma_wait3A_64 : memref<10240x128xf32, #tpu.memory_space<vmem_shared>>)
        tpu.yield
      }) : () -> ()
    }
    %scan3A_15 = arith.constant 20 : i32
    %barrier3A_16 = arith.constant 0 : index
    tpu.barrier barrier_id(%barrier3A_16)
    %mul3A_17 = arith.constant 640 : i32
    %mul3A_18 = arith.muli %arg1, %mul3A_17 : i32
    "tpu.region"() ({
      %run_scoped3A = tpu.sem_alloc : memref<!tpu.dma_semaphore, #tpu.memory_space<semaphore_mem>>
      %dma_start3A_19 = arith.constant 0 : i32
      %dma_start3A_20 = arith.constant 0 : i32
      %dma_start3A_21 = tpu.memref_slice %arg6[%arg0, %arg1, %dma_start3A_19, %dma_start3A_20] : memref<2x16x640x128xf32, #tpu.memory_space<hbm>> -> memref<1x1x640x128xf32, #tpu.memory_space<hbm>>
      %dma_start3A_22 = tpu.memref_squeeze %dma_start3A_21 : memref<1x1x640x128xf32, #tpu.memory_space<hbm>> -> memref<640x128xf32, #tpu.memory_space<hbm>>
      %dma_start3A_23 = arith.constant 0 : i32
      %dma_start3A_24 = tpu.memref_slice %arg11[%mul3A_18, %dma_start3A_23] : memref<10240x128xf32, #tpu.memory_space<vmem_shared>> -> memref<640x128xf32, #tpu.memory_space<vmem_shared>>
      tpu.enqueue_dma source(%dma_start3A_24 : memref<640x128xf32, #tpu.memory_space<vmem_shared>>) target(%dma_start3A_22 : memref<640x128xf32, #tpu.memory_space<hbm>>) target_semaphore(%run_scoped3A : memref<!tpu.dma_semaphore, #tpu.memory_space<semaphore_mem>>)
      %dma_wait3A = arith.constant 0 : i32
      %dma_wait3A_25 = arith.constant 0 : i32
      %dma_wait3A_26 = tpu.memref_slice %arg6[%arg0, %arg1, %dma_wait3A, %dma_wait3A_25] : memref<2x16x640x128xf32, #tpu.memory_space<hbm>> -> memref<1x1x640x128xf32, #tpu.memory_space<hbm>>
      %dma_wait3A_27 = tpu.memref_squeeze %dma_wait3A_26 : memref<1x1x640x128xf32, #tpu.memory_space<hbm>> -> memref<640x128xf32, #tpu.memory_space<hbm>>
      %dma_wait3A_28 = arith.constant 0 : i32
      %dma_wait3A_29 = tpu.memref_slice %arg11[%mul3A_18, %dma_wait3A_28] : memref<10240x128xf32, #tpu.memory_space<vmem_shared>> -> memref<640x128xf32, #tpu.memory_space<vmem_shared>>
      tpu.wait_dma2 semaphore(%run_scoped3A : memref<!tpu.dma_semaphore, #tpu.memory_space<semaphore_mem>>) src(%dma_wait3A_29 : memref<640x128xf32, #tpu.memory_space<vmem_shared>>) dst(%dma_wait3A_27 : memref<640x128xf32, #tpu.memory_space<hbm>>)
      tpu.yield
    }) : () -> ()
    return
  }
}

#map = affine_map<(d0, d1) -> (0, 0)>
#map1 = affine_map<(d0, d1) -> (0, 0, 0, 0)>
module attributes {stable_mosaic.version = 14 : i64} {
  func.func @k(%arg0: i32, %arg1: i32, %arg2: memref<10240x128xf32, #tpu.memory_space<hbm>>, %arg3: memref<1280x128xi32, #tpu.memory_space<hbm>>, %arg4: memref<1280x128xi32, #tpu.memory_space<hbm>>, %arg5: memref<640x128xf32, #tpu.memory_space<hbm>>, %arg6: memref<2x16x640x128xf32, #tpu.memory_space<hbm>>, %arg7: memref<40x128xi32, #tpu.memory_space<vmem>>, %arg8: memref<40x128xi32, #tpu.memory_space<vmem>>, %arg9: memref<128x128xf32, #tpu.memory_space<vmem>>, %arg10: memref<128x128xf32, #tpu.memory_space<vmem>>, %arg11: memref<10240x128xf32, #tpu.memory_space<vmem_shared>>, %arg12: memref<!tpu.dma_semaphore, #tpu.memory_space<semaphore_mem>>, %arg13: memref<!tpu.dma_semaphore, #tpu.memory_space<semaphore_mem>>) attributes {dimension_semantics = [#tpu.dimension_semantics<core_parallel>, #tpu.dimension_semantics<subcore_parallel>], iteration_bounds = array<i64: 2, 16>, scalar_prefetch = 0 : i64, scratch_operands = 7 : i64, tpu.core_type = #tpu.core_type<sc_vector_subcore>, window_params = [{transform_indices = #map}, {transform_indices = #map}, {transform_indices = #map}, {transform_indices = #map}, {transform_indices = #map1}]} {
    %mul3A = arith.constant 640 : i32
    %mul3A_0 = arith.muli %arg0, %mul3A : i32
    %mul3A_1 = arith.constant 40 : i32
    %mul3A_2 = arith.muli %arg1, %mul3A_1 : i32
    %add3A = arith.addi %mul3A_0, %mul3A_2 : i32
    "tpu.region"() ({
      %run_scoped3A = tpu.sem_alloc : memref<!tpu.dma_semaphore, #tpu.memory_space<semaphore_mem>>
      %dma_start3A_19 = arith.constant 0 : i32
      %dma_start3A_20 = tpu.memref_slice %arg3[%add3A, %dma_start3A_19] : memref<1280x128xi32, #tpu.memory_space<hbm>> -> memref<40x128xi32, #tpu.memory_space<hbm>>
      %dma_start3A_21 = arith.constant 0 : i32
      %dma_start3A_22 = tpu.memref_slice %arg3[%add3A, %dma_start3A_21] : memref<1280x128xi32, #tpu.memory_space<hbm>> -> memref<40x128xi32, #tpu.memory_space<hbm>>
      tpu.enqueue_dma source(%dma_start3A_22 : memref<40x128xi32, #tpu.memory_space<hbm>>) target(%arg7 : memref<40x128xi32, #tpu.memory_space<vmem>>) target_semaphore(%run_scoped3A : memref<!tpu.dma_semaphore, #tpu.memory_space<semaphore_mem>>)
      %dma_wait3A = arith.constant 0 : i32
      %dma_wait3A_23 = tpu.memref_slice %arg3[%add3A, %dma_wait3A] : memref<1280x128xi32, #tpu.memory_space<hbm>> -> memref<40x128xi32, #tpu.memory_space<hbm>>
      %dma_wait3A_24 = arith.constant 0 : i32
      %dma_wait3A_25 = tpu.memref_slice %arg3[%add3A, %dma_wait3A_24] : memref<1280x128xi32, #tpu.memory_space<hbm>> -> memref<40x128xi32, #tpu.memory_space<hbm>>
      tpu.wait_dma2 semaphore(%run_scoped3A : memref<!tpu.dma_semaphore, #tpu.memory_space<semaphore_mem>>) src(%dma_wait3A_25 : memref<40x128xi32, #tpu.memory_space<hbm>>) dst(%arg7 : memref<40x128xi32, #tpu.memory_space<vmem>>)
      tpu.yield
    }) : () -> ()
    "tpu.region"() ({
      %run_scoped3A = tpu.sem_alloc : memref<!tpu.dma_semaphore, #tpu.memory_space<semaphore_mem>>
      %dma_start3A_19 = arith.constant 0 : i32
      %dma_start3A_20 = tpu.memref_slice %arg4[%add3A, %dma_start3A_19] : memref<1280x128xi32, #tpu.memory_space<hbm>> -> memref<40x128xi32, #tpu.memory_space<hbm>>
      %dma_start3A_21 = arith.constant 0 : i32
      %dma_start3A_22 = tpu.memref_slice %arg4[%add3A, %dma_start3A_21] : memref<1280x128xi32, #tpu.memory_space<hbm>> -> memref<40x128xi32, #tpu.memory_space<hbm>>
      tpu.enqueue_dma source(%dma_start3A_22 : memref<40x128xi32, #tpu.memory_space<hbm>>) target(%arg8 : memref<40x128xi32, #tpu.memory_space<vmem>>) target_semaphore(%run_scoped3A : memref<!tpu.dma_semaphore, #tpu.memory_space<semaphore_mem>>)
      %dma_wait3A = arith.constant 0 : i32
      %dma_wait3A_23 = tpu.memref_slice %arg4[%add3A, %dma_wait3A] : memref<1280x128xi32, #tpu.memory_space<hbm>> -> memref<40x128xi32, #tpu.memory_space<hbm>>
      %dma_wait3A_24 = arith.constant 0 : i32
      %dma_wait3A_25 = tpu.memref_slice %arg4[%add3A, %dma_wait3A_24] : memref<1280x128xi32, #tpu.memory_space<hbm>> -> memref<40x128xi32, #tpu.memory_space<hbm>>
      tpu.wait_dma2 semaphore(%run_scoped3A : memref<!tpu.dma_semaphore, #tpu.memory_space<semaphore_mem>>) src(%dma_wait3A_25 : memref<40x128xi32, #tpu.memory_space<hbm>>) dst(%arg8 : memref<40x128xi32, #tpu.memory_space<vmem>>)
      tpu.yield
    }) : () -> ()
    %mul3A_3 = arith.constant 640 : i32
    %mul3A_4 = arith.muli %arg1, %mul3A_3 : i32
    "tpu.region"() ({
      %run_scoped3A = tpu.sem_alloc : memref<!tpu.dma_semaphore, #tpu.memory_space<semaphore_mem>>
      %dma_start3A_19 = arith.constant 0 : i32
      %dma_start3A_20 = tpu.memref_slice %arg11[%mul3A_4, %dma_start3A_19] : memref<10240x128xf32, #tpu.memory_space<vmem_shared>> -> memref<640x128xf32, #tpu.memory_space<vmem_shared>>
      tpu.enqueue_dma source(%arg5 : memref<640x128xf32, #tpu.memory_space<hbm>>) target(%dma_start3A_20 : memref<640x128xf32, #tpu.memory_space<vmem_shared>>) target_semaphore(%run_scoped3A : memref<!tpu.dma_semaphore, #tpu.memory_space<semaphore_mem>>)
      %dma_wait3A = arith.constant 0 : i32
      %dma_wait3A_21 = tpu.memref_slice %arg11[%mul3A_4, %dma_wait3A] : memref<10240x128xf32, #tpu.memory_space<vmem_shared>> -> memref<640x128xf32, #tpu.memory_space<vmem_shared>>
      tpu.wait_dma2 semaphore(%run_scoped3A : memref<!tpu.dma_semaphore, #tpu.memory_space<semaphore_mem>>) src(%arg5 : memref<640x128xf32, #tpu.memory_space<hbm>>) dst(%dma_wait3A_21 : memref<640x128xf32, #tpu.memory_space<vmem_shared>>)
      tpu.yield
    }) : () -> ()
    %barrier3A = arith.constant 0 : index
    tpu.barrier barrier_id(%barrier3A)
    %dma_start3A = arith.constant 0 : i32
    %dma_start3A_5 = arith.constant 0 : i32
    %dma_start3A_6 = tpu.memref_slice %arg7[%dma_start3A, %dma_start3A_5] : memref<40x128xi32, #tpu.memory_space<vmem>> -> memref<1x128xi32, #tpu.memory_space<vmem>>
    %dma_start3A_7 = tpu.memref_squeeze %dma_start3A_6 : memref<1x128xi32, #tpu.memory_space<vmem>> -> memref<128xi32, #tpu.memory_space<vmem>>
    %dma_start3A_8 = arith.constant 0 : i32
    %dma_start3A_9 = arith.constant 0 : i32
    %dma_start3A_10 = tpu.memref_slice %arg2[%dma_start3A_8, %dma_start3A_9] : memref<10240x128xf32, #tpu.memory_space<hbm>> -> memref<10240x128xf32, #tpu.memory_space<hbm>>
    tpu.enqueue_indirect_dma source(%dma_start3A_10 : memref<10240x128xf32, #tpu.memory_space<hbm>>) target(%arg9 : memref<128x128xf32, #tpu.memory_space<vmem>>) offsets(%dma_start3A_7 : memref<128xi32, #tpu.memory_space<vmem>>) semaphore(%arg12 : memref<!tpu.dma_semaphore, #tpu.memory_space<semaphore_mem>>)
    %scan3A = arith.constant 0 : i32
    %scan3A_11 = arith.constant 0 : i32
    %scan3A_12 = arith.constant 20 : i32
    %scan3A_13 = arith.addi %scan3A_11, %scan3A_12 : i32
    %scan3A_14 = arith.constant 1 : i32
    scf.for %scan3A_19 = %scan3A_11 to %scan3A_13 step %scan3A_14  : i32 {
      %mul3A_20 = arith.constant 2 : i32
      %mul3A_21 = arith.muli %scan3A_19, %mul3A_20 : i32
      %add3A_22 = arith.constant 0 : i32
      %add3A_23 = arith.addi %mul3A_21, %add3A_22 : i32
      %add3A_24 = arith.constant 2 : i32
      %add3A_25 = arith.addi %add3A_23, %add3A_24 : i32
      %sub3A = arith.constant 1 : i32
      %sub3A_26 = arith.subi %add3A_25, %sub3A : i32
      %lt3A = arith.constant 40 : i32
      %lt3A_27 = arith.cmpi slt, %sub3A_26, %lt3A : i32
      %convert_element_type3A = arith.extui %lt3A_27 : i1 to i32
      %cond3A = arith.constant 0 : i32
      %cond3A_28 = arith.cmpi ne, %convert_element_type3A, %cond3A : i32
      scf.if %cond3A_28 {
        %dma_start3A_53 = arith.constant 0 : i32
        %dma_start3A_54 = tpu.memref_slice %arg7[%sub3A_26, %dma_start3A_53] : memref<40x128xi32, #tpu.memory_space<vmem>> -> memref<1x128xi32, #tpu.memory_space<vmem>>
        %dma_start3A_55 = tpu.memref_squeeze %dma_start3A_54 : memref<1x128xi32, #tpu.memory_space<vmem>> -> memref<128xi32, #tpu.memory_space<vmem>>
        %dma_start3A_56 = arith.constant 0 : i32
        %dma_start3A_57 = arith.constant 0 : i32
        %dma_start3A_58 = tpu.memref_slice %arg2[%dma_start3A_56, %dma_start3A_57] : memref<10240x128xf32, #tpu.memory_space<hbm>> -> memref<10240x128xf32, #tpu.memory_space<hbm>>
        tpu.enqueue_indirect_dma source(%dma_start3A_58 : memref<10240x128xf32, #tpu.memory_space<hbm>>) target(%arg10 : memref<128x128xf32, #tpu.memory_space<vmem>>) offsets(%dma_start3A_55 : memref<128xi32, #tpu.memory_space<vmem>>) semaphore(%arg13 : memref<!tpu.dma_semaphore, #tpu.memory_space<semaphore_mem>>)
      } else {
      }
      %dma_wait3A = arith.constant 0 : i32
      %dma_wait3A_29 = tpu.memref_slice %arg7[%add3A_23, %dma_wait3A] : memref<40x128xi32, #tpu.memory_space<vmem>> -> memref<1x128xi32, #tpu.memory_space<vmem>>
      %dma_wait3A_30 = tpu.memref_squeeze %dma_wait3A_29 : memref<1x128xi32, #tpu.memory_space<vmem>> -> memref<128xi32, #tpu.memory_space<vmem>>
      %dma_wait3A_31 = arith.constant 0 : i32
      %dma_wait3A_32 = arith.constant 0 : i32
      %dma_wait3A_33 = tpu.memref_slice %arg2[%dma_wait3A_31, %dma_wait3A_32] : memref<10240x128xf32, #tpu.memory_space<hbm>> -> memref<10240x128xf32, #tpu.memory_space<hbm>>
      tpu.wait_indirect_dma semaphore(%arg12 : memref<!tpu.dma_semaphore, #tpu.memory_space<semaphore_mem>>) src(%dma_wait3A_33 : memref<10240x128xf32, #tpu.memory_space<hbm>>) dst(%arg9 : memref<128x128xf32, #tpu.memory_space<vmem>>)
      "tpu.region"() ({
        %run_scoped3A = tpu.sem_alloc : memref<!tpu.dma_semaphore, #tpu.memory_space<semaphore_mem>>
        %dma_start3A_53 = arith.constant 0 : i32
        %dma_start3A_54 = tpu.memref_slice %arg8[%add3A_23, %dma_start3A_53] : memref<40x128xi32, #tpu.memory_space<vmem>> -> memref<1x128xi32, #tpu.memory_space<vmem>>
        %dma_start3A_55 = tpu.memref_squeeze %dma_start3A_54 : memref<1x128xi32, #tpu.memory_space<vmem>> -> memref<128xi32, #tpu.memory_space<vmem>>
        %dma_start3A_56 = arith.constant 0 : i32
        %dma_start3A_57 = arith.constant 0 : i32
        %dma_start3A_58 = tpu.memref_slice %arg11[%dma_start3A_56, %dma_start3A_57] : memref<10240x128xf32, #tpu.memory_space<vmem_shared>> -> memref<10240x128xf32, #tpu.memory_space<vmem_shared>>
        tpu.enqueue_indirect_dma source(%arg9 : memref<128x128xf32, #tpu.memory_space<vmem>>) target(%dma_start3A_58 : memref<10240x128xf32, #tpu.memory_space<vmem_shared>>) offsets(%dma_start3A_55 : memref<128xi32, #tpu.memory_space<vmem>>) semaphore(%run_scoped3A : memref<!tpu.dma_semaphore, #tpu.memory_space<semaphore_mem>>) {add = true}
        %dma_wait3A_59 = arith.constant 0 : i32
        %dma_wait3A_60 = tpu.memref_slice %arg8[%add3A_23, %dma_wait3A_59] : memref<40x128xi32, #tpu.memory_space<vmem>> -> memref<1x128xi32, #tpu.memory_space<vmem>>
        %dma_wait3A_61 = tpu.memref_squeeze %dma_wait3A_60 : memref<1x128xi32, #tpu.memory_space<vmem>> -> memref<128xi32, #tpu.memory_space<vmem>>
        %dma_wait3A_62 = arith.constant 0 : i32
        %dma_wait3A_63 = arith.constant 0 : i32
        %dma_wait3A_64 = tpu.memref_slice %arg11[%dma_wait3A_62, %dma_wait3A_63] : memref<10240x128xf32, #tpu.memory_space<vmem_shared>> -> memref<10240x128xf32, #tpu.memory_space<vmem_shared>>
        tpu.wait_indirect_dma semaphore(%run_scoped3A : memref<!tpu.dma_semaphore, #tpu.memory_space<semaphore_mem>>) src(%arg9 : memref<128x128xf32, #tpu.memory_space<vmem>>) dst(%dma_wait3A_64 : memref<10240x128xf32, #tpu.memory_space<vmem_shared>>)
        tpu.yield
      }) : () -> ()
      %mul3A_34 = arith.constant 2 : i32
      %mul3A_35 = arith.muli %scan3A_19, %mul3A_34 : i32
      %add3A_36 = arith.constant 1 : i32
      %add3A_37 = arith.addi %mul3A_35, %add3A_36 : i32
      %add3A_38 = arith.constant 2 : i32
      %add3A_39 = arith.addi %add3A_37, %add3A_38 : i32
      %sub3A_40 = arith.constant 1 : i32
      %sub3A_41 = arith.subi %add3A_39, %sub3A_40 : i32
      %lt3A_42 = arith.constant 40 : i32
      %lt3A_43 = arith.cmpi slt, %sub3A_41, %lt3A_42 : i32
      %convert_element_type3A_44 = arith.extui %lt3A_43 : i1 to i32
      %cond3A_45 = arith.constant 0 : i32
      %cond3A_46 = arith.cmpi ne, %convert_element_type3A_44, %cond3A_45 : i32
      scf.if %cond3A_46 {
        %dma_start3A_53 = arith.constant 0 : i32
        %dma_start3A_54 = tpu.memref_slice %arg7[%sub3A_41, %dma_start3A_53] : memref<40x128xi32, #tpu.memory_space<vmem>> -> memref<1x128xi32, #tpu.memory_space<vmem>>
        %dma_start3A_55 = tpu.memref_squeeze %dma_start3A_54 : memref<1x128xi32, #tpu.memory_space<vmem>> -> memref<128xi32, #tpu.memory_space<vmem>>
        %dma_start3A_56 = arith.constant 0 : i32
        %dma_start3A_57 = arith.constant 0 : i32
        %dma_start3A_58 = tpu.memref_slice %arg2[%dma_start3A_56, %dma_start3A_57] : memref<10240x128xf32, #tpu.memory_space<hbm>> -> memref<10240x128xf32, #tpu.memory_space<hbm>>
        tpu.enqueue_indirect_dma source(%dma_start3A_58 : memref<10240x128xf32, #tpu.memory_space<hbm>>) target(%arg9 : memref<128x128xf32, #tpu.memory_space<vmem>>) offsets(%dma_start3A_55 : memref<128xi32, #tpu.memory_space<vmem>>) semaphore(%arg12 : memref<!tpu.dma_semaphore, #tpu.memory_space<semaphore_mem>>)
      } else {
      }
      %dma_wait3A_47 = arith.constant 0 : i32
      %dma_wait3A_48 = tpu.memref_slice %arg7[%add3A_37, %dma_wait3A_47] : memref<40x128xi32, #tpu.memory_space<vmem>> -> memref<1x128xi32, #tpu.memory_space<vmem>>
      %dma_wait3A_49 = tpu.memref_squeeze %dma_wait3A_48 : memref<1x128xi32, #tpu.memory_space<vmem>> -> memref<128xi32, #tpu.memory_space<vmem>>
      %dma_wait3A_50 = arith.constant 0 : i32
      %dma_wait3A_51 = arith.constant 0 : i32
      %dma_wait3A_52 = tpu.memref_slice %arg2[%dma_wait3A_50, %dma_wait3A_51] : memref<10240x128xf32, #tpu.memory_space<hbm>> -> memref<10240x128xf32, #tpu.memory_space<hbm>>
      tpu.wait_indirect_dma semaphore(%arg13 : memref<!tpu.dma_semaphore, #tpu.memory_space<semaphore_mem>>) src(%dma_wait3A_52 : memref<10240x128xf32, #tpu.memory_space<hbm>>) dst(%arg10 : memref<128x128xf32, #tpu.memory_space<vmem>>)
      "tpu.region"() ({
        %run_scoped3A = tpu.sem_alloc : memref<!tpu.dma_semaphore, #tpu.memory_space<semaphore_mem>>
        %dma_start3A_53 = arith.constant 0 : i32
        %dma_start3A_54 = tpu.memref_slice %arg8[%add3A_37, %dma_start3A_53] : memref<40x128xi32, #tpu.memory_space<vmem>> -> memref<1x128xi32, #tpu.memory_space<vmem>>
        %dma_start3A_55 = tpu.memref_squeeze %dma_start3A_54 : memref<1x128xi32, #tpu.memory_space<vmem>> -> memref<128xi32, #tpu.memory_space<vmem>>
        %dma_start3A_56 = arith.constant 0 : i32
        %dma_start3A_57 = arith.constant 0 : i32
        %dma_start3A_58 = tpu.memref_slice %arg11[%dma_start3A_56, %dma_start3A_57] : memref<10240x128xf32, #tpu.memory_space<vmem_shared>> -> memref<10240x128xf32, #tpu.memory_space<vmem_shared>>
        tpu.enqueue_indirect_dma source(%arg10 : memref<128x128xf32, #tpu.memory_space<vmem>>) target(%dma_start3A_58 : memref<10240x128xf32, #tpu.memory_space<vmem_shared>>) offsets(%dma_start3A_55 : memref<128xi32, #tpu.memory_space<vmem>>) semaphore(%run_scoped3A : memref<!tpu.dma_semaphore, #tpu.memory_space<semaphore_mem>>) {add = true}
        %dma_wait3A_59 = arith.constant 0 : i32
        %dma_wait3A_60 = tpu.memref_slice %arg8[%add3A_37, %dma_wait3A_59] : memref<40x128xi32, #tpu.memory_space<vmem>> -> memref<1x128xi32, #tpu.memory_space<vmem>>
        %dma_wait3A_61 = tpu.memref_squeeze %dma_wait3A_60 : memref<1x128xi32, #tpu.memory_space<vmem>> -> memref<128xi32, #tpu.memory_space<vmem>>
        %dma_wait3A_62 = arith.constant 0 : i32
        %dma_wait3A_63 = arith.constant 0 : i32
        %dma_wait3A_64 = tpu.memref_slice %arg11[%dma_wait3A_62, %dma_wait3A_63] : memref<10240x128xf32, #tpu.memory_space<vmem_shared>> -> memref<10240x128xf32, #tpu.memory_space<vmem_shared>>
        tpu.wait_indirect_dma semaphore(%run_scoped3A : memref<!tpu.dma_semaphore, #tpu.memory_space<semaphore_mem>>) src(%arg10 : memref<128x128xf32, #tpu.memory_space<vmem>>) dst(%dma_wait3A_64 : memref<10240x128xf32, #tpu.memory_space<vmem_shared>>)
        tpu.yield
      }) : () -> ()
    }
    %scan3A_15 = arith.constant 20 : i32
    %barrier3A_16 = arith.constant 0 : index
    tpu.barrier barrier_id(%barrier3A_16)
    %mul3A_17 = arith.constant 640 : i32
    %mul3A_18 = arith.muli %arg1, %mul3A_17 : i32
    "tpu.region"() ({
      %run_scoped3A = tpu.sem_alloc : memref<!tpu.dma_semaphore, #tpu.memory_space<semaphore_mem>>
      %dma_start3A_19 = arith.constant 0 : i32
      %dma_start3A_20 = arith.constant 0 : i32
      %dma_start3A_21 = tpu.memref_slice %arg6[%arg0, %arg1, %dma_start3A_19, %dma_start3A_20] : memref<2x16x640x128xf32, #tpu.memory_space<hbm>> -> memref<1x1x640x128xf32, #tpu.memory_space<hbm>>
      %dma_start3A_22 = tpu.memref_squeeze %dma_start3A_21 : memref<1x1x640x128xf32, #tpu.memory_space<hbm>> -> memref<640x128xf32, #tpu.memory_space<hbm>>
      %dma_start3A_23 = arith.constant 0 : i32
      %dma_start3A_24 = tpu.memref_slice %arg11[%mul3A_18, %dma_start3A_23] : memref<10240x128xf32, #tpu.memory_space<vmem_shared>> -> memref<640x128xf32, #tpu.memory_space<vmem_shared>>
      tpu.enqueue_dma source(%dma_start3A_24 : memref<640x128xf32, #tpu.memory_space<vmem_shared>>) target(%dma_start3A_22 : memref<640x128xf32, #tpu.memory_space<hbm>>) target_semaphore(%run_scoped3A : memref<!tpu.dma_semaphore, #tpu.memory_space<semaphore_mem>>)
      %dma_wait3A = arith.constant 0 : i32
      %dma_wait3A_25 = arith.constant 0 : i32
      %dma_wait3A_26 = tpu.memref_slice %arg6[%arg0, %arg1, %dma_wait3A, %dma_wait3A_25] : memref<2x16x640x128xf32, #tpu.memory_space<hbm>> -> memref<1x1x640x128xf32, #tpu.memory_space<hbm>>
      %dma_wait3A_27 = tpu.memref_squeeze %dma_wait3A_26 : memref<1x1x640x128xf32, #tpu.memory_space<hbm>> -> memref<640x128xf32, #tpu.memory_space<hbm>>
      %dma_wait3A_28 = arith.constant 0 : i32
      %dma_wait3A_29 = tpu.memref_slice %arg11[%mul3A_18, %dma_wait3A_28] : memref<10240x128xf32, #tpu.memory_space<vmem_shared>> -> memref<640x128xf32, #tpu.memory_space<vmem_shared>>
      tpu.wait_dma2 semaphore(%run_scoped3A : memref<!tpu.dma_semaphore, #tpu.memory_space<semaphore_mem>>) src(%dma_wait3A_29 : memref<640x128xf32, #tpu.memory_space<vmem_shared>>) dst(%dma_wait3A_27 : memref<640x128xf32, #tpu.memory_space<hbm>>)
      tpu.yield
    }) : () -> ()
    return
  }
}

#map = affine_map<(d0, d1) -> (0, 0)>
#map1 = affine_map<(d0, d1) -> (0, 0, 0, 0)>
module attributes {stable_mosaic.version = 14 : i64} {
  func.func @k(%arg0: i32, %arg1: i32, %arg2: memref<10240x128xf32, #tpu.memory_space<hbm>>, %arg3: memref<1280x128xi32, #tpu.memory_space<hbm>>, %arg4: memref<1280x128xi32, #tpu.memory_space<hbm>>, %arg5: memref<640x128xf32, #tpu.memory_space<hbm>>, %arg6: memref<2x16x640x128xf32, #tpu.memory_space<hbm>>, %arg7: memref<40x128xi32, #tpu.memory_space<vmem>>, %arg8: memref<40x128xi32, #tpu.memory_space<vmem>>, %arg9: memref<128x128xf32, #tpu.memory_space<vmem>>, %arg10: memref<128x128xf32, #tpu.memory_space<vmem>>, %arg11: memref<10240x128xf32, #tpu.memory_space<vmem_shared>>, %arg12: memref<!tpu.dma_semaphore, #tpu.memory_space<semaphore_mem>>, %arg13: memref<!tpu.dma_semaphore, #tpu.memory_space<semaphore_mem>>) attributes {dimension_semantics = [#tpu.dimension_semantics<core_parallel>, #tpu.dimension_semantics<subcore_parallel>], iteration_bounds = array<i64: 2, 16>, scalar_prefetch = 0 : i64, scratch_operands = 7 : i64, tpu.core_type = #tpu.core_type<sc_vector_subcore>, window_params = [{transform_indices = #map}, {transform_indices = #map}, {transform_indices = #map}, {transform_indices = #map}, {transform_indices = #map1}]} {
    %mul3A = arith.constant 640 : i32
    %mul3A_0 = arith.muli %arg0, %mul3A : i32
    %mul3A_1 = arith.constant 40 : i32
    %mul3A_2 = arith.muli %arg1, %mul3A_1 : i32
    %add3A = arith.addi %mul3A_0, %mul3A_2 : i32
    "tpu.region"() ({
      %run_scoped3A = tpu.sem_alloc : memref<!tpu.dma_semaphore, #tpu.memory_space<semaphore_mem>>
      %dma_start3A_19 = arith.constant 0 : i32
      %dma_start3A_20 = tpu.memref_slice %arg3[%add3A, %dma_start3A_19] : memref<1280x128xi32, #tpu.memory_space<hbm>> -> memref<40x128xi32, #tpu.memory_space<hbm>>
      %dma_start3A_21 = arith.constant 0 : i32
      %dma_start3A_22 = tpu.memref_slice %arg3[%add3A, %dma_start3A_21] : memref<1280x128xi32, #tpu.memory_space<hbm>> -> memref<40x128xi32, #tpu.memory_space<hbm>>
      tpu.enqueue_dma source(%dma_start3A_22 : memref<40x128xi32, #tpu.memory_space<hbm>>) target(%arg7 : memref<40x128xi32, #tpu.memory_space<vmem>>) target_semaphore(%run_scoped3A : memref<!tpu.dma_semaphore, #tpu.memory_space<semaphore_mem>>)
      %dma_wait3A = arith.constant 0 : i32
      %dma_wait3A_23 = tpu.memref_slice %arg3[%add3A, %dma_wait3A] : memref<1280x128xi32, #tpu.memory_space<hbm>> -> memref<40x128xi32, #tpu.memory_space<hbm>>
      %dma_wait3A_24 = arith.constant 0 : i32
      %dma_wait3A_25 = tpu.memref_slice %arg3[%add3A, %dma_wait3A_24] : memref<1280x128xi32, #tpu.memory_space<hbm>> -> memref<40x128xi32, #tpu.memory_space<hbm>>
      tpu.wait_dma2 semaphore(%run_scoped3A : memref<!tpu.dma_semaphore, #tpu.memory_space<semaphore_mem>>) src(%dma_wait3A_25 : memref<40x128xi32, #tpu.memory_space<hbm>>) dst(%arg7 : memref<40x128xi32, #tpu.memory_space<vmem>>)
      tpu.yield
    }) : () -> ()
    "tpu.region"() ({
      %run_scoped3A = tpu.sem_alloc : memref<!tpu.dma_semaphore, #tpu.memory_space<semaphore_mem>>
      %dma_start3A_19 = arith.constant 0 : i32
      %dma_start3A_20 = tpu.memref_slice %arg4[%add3A, %dma_start3A_19] : memref<1280x128xi32, #tpu.memory_space<hbm>> -> memref<40x128xi32, #tpu.memory_space<hbm>>
      %dma_start3A_21 = arith.constant 0 : i32
      %dma_start3A_22 = tpu.memref_slice %arg4[%add3A, %dma_start3A_21] : memref<1280x128xi32, #tpu.memory_space<hbm>> -> memref<40x128xi32, #tpu.memory_space<hbm>>
      tpu.enqueue_dma source(%dma_start3A_22 : memref<40x128xi32, #tpu.memory_space<hbm>>) target(%arg8 : memref<40x128xi32, #tpu.memory_space<vmem>>) target_semaphore(%run_scoped3A : memref<!tpu.dma_semaphore, #tpu.memory_space<semaphore_mem>>)
      %dma_wait3A = arith.constant 0 : i32
      %dma_wait3A_23 = tpu.memref_slice %arg4[%add3A, %dma_wait3A] : memref<1280x128xi32, #tpu.memory_space<hbm>> -> memref<40x128xi32, #tpu.memory_space<hbm>>
      %dma_wait3A_24 = arith.constant 0 : i32
      %dma_wait3A_25 = tpu.memref_slice %arg4[%add3A, %dma_wait3A_24] : memref<1280x128xi32, #tpu.memory_space<hbm>> -> memref<40x128xi32, #tpu.memory_space<hbm>>
      tpu.wait_dma2 semaphore(%run_scoped3A : memref<!tpu.dma_semaphore, #tpu.memory_space<semaphore_mem>>) src(%dma_wait3A_25 : memref<40x128xi32, #tpu.memory_space<hbm>>) dst(%arg8 : memref<40x128xi32, #tpu.memory_space<vmem>>)
      tpu.yield
    }) : () -> ()
    %mul3A_3 = arith.constant 640 : i32
    %mul3A_4 = arith.muli %arg1, %mul3A_3 : i32
    "tpu.region"() ({
      %run_scoped3A = tpu.sem_alloc : memref<!tpu.dma_semaphore, #tpu.memory_space<semaphore_mem>>
      %dma_start3A_19 = arith.constant 0 : i32
      %dma_start3A_20 = tpu.memref_slice %arg11[%mul3A_4, %dma_start3A_19] : memref<10240x128xf32, #tpu.memory_space<vmem_shared>> -> memref<640x128xf32, #tpu.memory_space<vmem_shared>>
      tpu.enqueue_dma source(%arg5 : memref<640x128xf32, #tpu.memory_space<hbm>>) target(%dma_start3A_20 : memref<640x128xf32, #tpu.memory_space<vmem_shared>>) target_semaphore(%run_scoped3A : memref<!tpu.dma_semaphore, #tpu.memory_space<semaphore_mem>>)
      %dma_wait3A = arith.constant 0 : i32
      %dma_wait3A_21 = tpu.memref_slice %arg11[%mul3A_4, %dma_wait3A] : memref<10240x128xf32, #tpu.memory_space<vmem_shared>> -> memref<640x128xf32, #tpu.memory_space<vmem_shared>>
      tpu.wait_dma2 semaphore(%run_scoped3A : memref<!tpu.dma_semaphore, #tpu.memory_space<semaphore_mem>>) src(%arg5 : memref<640x128xf32, #tpu.memory_space<hbm>>) dst(%dma_wait3A_21 : memref<640x128xf32, #tpu.memory_space<vmem_shared>>)
      tpu.yield
    }) : () -> ()
    %barrier3A = arith.constant 0 : index
    tpu.barrier barrier_id(%barrier3A)
    %dma_start3A = arith.constant 0 : i32
    %dma_start3A_5 = arith.constant 0 : i32
    %dma_start3A_6 = tpu.memref_slice %arg7[%dma_start3A, %dma_start3A_5] : memref<40x128xi32, #tpu.memory_space<vmem>> -> memref<1x128xi32, #tpu.memory_space<vmem>>
    %dma_start3A_7 = tpu.memref_squeeze %dma_start3A_6 : memref<1x128xi32, #tpu.memory_space<vmem>> -> memref<128xi32, #tpu.memory_space<vmem>>
    %dma_start3A_8 = arith.constant 0 : i32
    %dma_start3A_9 = arith.constant 0 : i32
    %dma_start3A_10 = tpu.memref_slice %arg2[%dma_start3A_8, %dma_start3A_9] : memref<10240x128xf32, #tpu.memory_space<hbm>> -> memref<10240x128xf32, #tpu.memory_space<hbm>>
    tpu.enqueue_indirect_dma source(%dma_start3A_10 : memref<10240x128xf32, #tpu.memory_space<hbm>>) target(%arg9 : memref<128x128xf32, #tpu.memory_space<vmem>>) offsets(%dma_start3A_7 : memref<128xi32, #tpu.memory_space<vmem>>) semaphore(%arg12 : memref<!tpu.dma_semaphore, #tpu.memory_space<semaphore_mem>>)
    %scan3A = arith.constant 0 : i32
    %scan3A_11 = arith.constant 0 : i32
    %scan3A_12 = arith.constant 20 : i32
    %scan3A_13 = arith.addi %scan3A_11, %scan3A_12 : i32
    %scan3A_14 = arith.constant 1 : i32
    scf.for %scan3A_19 = %scan3A_11 to %scan3A_13 step %scan3A_14  : i32 {
      %mul3A_20 = arith.constant 2 : i32
      %mul3A_21 = arith.muli %scan3A_19, %mul3A_20 : i32
      %add3A_22 = arith.constant 0 : i32
      %add3A_23 = arith.addi %mul3A_21, %add3A_22 : i32
      %add3A_24 = arith.constant 2 : i32
      %add3A_25 = arith.addi %add3A_23, %add3A_24 : i32
      %sub3A = arith.constant 1 : i32
      %sub3A_26 = arith.subi %add3A_25, %sub3A : i32
      %lt3A = arith.constant 40 : i32
      %lt3A_27 = arith.cmpi slt, %sub3A_26, %lt3A : i32
      %convert_element_type3A = arith.extui %lt3A_27 : i1 to i32
      %cond3A = arith.constant 0 : i32
      %cond3A_28 = arith.cmpi ne, %convert_element_type3A, %cond3A : i32
      scf.if %cond3A_28 {
        %dma_start3A_53 = arith.constant 0 : i32
        %dma_start3A_54 = tpu.memref_slice %arg7[%sub3A_26, %dma_start3A_53] : memref<40x128xi32, #tpu.memory_space<vmem>> -> memref<1x128xi32, #tpu.memory_space<vmem>>
        %dma_start3A_55 = tpu.memref_squeeze %dma_start3A_54 : memref<1x128xi32, #tpu.memory_space<vmem>> -> memref<128xi32, #tpu.memory_space<vmem>>
        %dma_start3A_56 = arith.constant 0 : i32
        %dma_start3A_57 = arith.constant 0 : i32
        %dma_start3A_58 = tpu.memref_slice %arg2[%dma_start3A_56, %dma_start3A_57] : memref<10240x128xf32, #tpu.memory_space<hbm>> -> memref<10240x128xf32, #tpu.memory_space<hbm>>
        tpu.enqueue_indirect_dma source(%dma_start3A_58 : memref<10240x128xf32, #tpu.memory_space<hbm>>) target(%arg10 : memref<128x128xf32, #tpu.memory_space<vmem>>) offsets(%dma_start3A_55 : memref<128xi32, #tpu.memory_space<vmem>>) semaphore(%arg13 : memref<!tpu.dma_semaphore, #tpu.memory_space<semaphore_mem>>)
      } else {
      }
      %dma_wait3A = arith.constant 0 : i32
      %dma_wait3A_29 = tpu.memref_slice %arg7[%add3A_23, %dma_wait3A] : memref<40x128xi32, #tpu.memory_space<vmem>> -> memref<1x128xi32, #tpu.memory_space<vmem>>
      %dma_wait3A_30 = tpu.memref_squeeze %dma_wait3A_29 : memref<1x128xi32, #tpu.memory_space<vmem>> -> memref<128xi32, #tpu.memory_space<vmem>>
      %dma_wait3A_31 = arith.constant 0 : i32
      %dma_wait3A_32 = arith.constant 0 : i32
      %dma_wait3A_33 = tpu.memref_slice %arg2[%dma_wait3A_31, %dma_wait3A_32] : memref<10240x128xf32, #tpu.memory_space<hbm>> -> memref<10240x128xf32, #tpu.memory_space<hbm>>
      tpu.wait_indirect_dma semaphore(%arg12 : memref<!tpu.dma_semaphore, #tpu.memory_space<semaphore_mem>>) src(%dma_wait3A_33 : memref<10240x128xf32, #tpu.memory_space<hbm>>) dst(%arg9 : memref<128x128xf32, #tpu.memory_space<vmem>>)
      "tpu.region"() ({
        %run_scoped3A = tpu.sem_alloc : memref<!tpu.dma_semaphore, #tpu.memory_space<semaphore_mem>>
        %dma_start3A_53 = arith.constant 0 : i32
        %dma_start3A_54 = tpu.memref_slice %arg8[%add3A_23, %dma_start3A_53] : memref<40x128xi32, #tpu.memory_space<vmem>> -> memref<1x128xi32, #tpu.memory_space<vmem>>
        %dma_start3A_55 = tpu.memref_squeeze %dma_start3A_54 : memref<1x128xi32, #tpu.memory_space<vmem>> -> memref<128xi32, #tpu.memory_space<vmem>>
        %dma_start3A_56 = arith.constant 0 : i32
        %dma_start3A_57 = arith.constant 0 : i32
        %dma_start3A_58 = tpu.memref_slice %arg11[%dma_start3A_56, %dma_start3A_57] : memref<10240x128xf32, #tpu.memory_space<vmem_shared>> -> memref<10240x128xf32, #tpu.memory_space<vmem_shared>>
        tpu.enqueue_indirect_dma source(%arg9 : memref<128x128xf32, #tpu.memory_space<vmem>>) target(%dma_start3A_58 : memref<10240x128xf32, #tpu.memory_space<vmem_shared>>) offsets(%dma_start3A_55 : memref<128xi32, #tpu.memory_space<vmem>>) semaphore(%run_scoped3A : memref<!tpu.dma_semaphore, #tpu.memory_space<semaphore_mem>>) {add = true}
        %dma_wait3A_59 = arith.constant 0 : i32
        %dma_wait3A_60 = tpu.memref_slice %arg8[%add3A_23, %dma_wait3A_59] : memref<40x128xi32, #tpu.memory_space<vmem>> -> memref<1x128xi32, #tpu.memory_space<vmem>>
        %dma_wait3A_61 = tpu.memref_squeeze %dma_wait3A_60 : memref<1x128xi32, #tpu.memory_space<vmem>> -> memref<128xi32, #tpu.memory_space<vmem>>
        %dma_wait3A_62 = arith.constant 0 : i32
        %dma_wait3A_63 = arith.constant 0 : i32
        %dma_wait3A_64 = tpu.memref_slice %arg11[%dma_wait3A_62, %dma_wait3A_63] : memref<10240x128xf32, #tpu.memory_space<vmem_shared>> -> memref<10240x128xf32, #tpu.memory_space<vmem_shared>>
        tpu.wait_indirect_dma semaphore(%run_scoped3A : memref<!tpu.dma_semaphore, #tpu.memory_space<semaphore_mem>>) src(%arg9 : memref<128x128xf32, #tpu.memory_space<vmem>>) dst(%dma_wait3A_64 : memref<10240x128xf32, #tpu.memory_space<vmem_shared>>)
        tpu.yield
      }) : () -> ()
      %mul3A_34 = arith.constant 2 : i32
      %mul3A_35 = arith.muli %scan3A_19, %mul3A_34 : i32
      %add3A_36 = arith.constant 1 : i32
      %add3A_37 = arith.addi %mul3A_35, %add3A_36 : i32
      %add3A_38 = arith.constant 2 : i32
      %add3A_39 = arith.addi %add3A_37, %add3A_38 : i32
      %sub3A_40 = arith.constant 1 : i32
      %sub3A_41 = arith.subi %add3A_39, %sub3A_40 : i32
      %lt3A_42 = arith.constant 40 : i32
      %lt3A_43 = arith.cmpi slt, %sub3A_41, %lt3A_42 : i32
      %convert_element_type3A_44 = arith.extui %lt3A_43 : i1 to i32
      %cond3A_45 = arith.constant 0 : i32
      %cond3A_46 = arith.cmpi ne, %convert_element_type3A_44, %cond3A_45 : i32
      scf.if %cond3A_46 {
        %dma_start3A_53 = arith.constant 0 : i32
        %dma_start3A_54 = tpu.memref_slice %arg7[%sub3A_41, %dma_start3A_53] : memref<40x128xi32, #tpu.memory_space<vmem>> -> memref<1x128xi32, #tpu.memory_space<vmem>>
        %dma_start3A_55 = tpu.memref_squeeze %dma_start3A_54 : memref<1x128xi32, #tpu.memory_space<vmem>> -> memref<128xi32, #tpu.memory_space<vmem>>
        %dma_start3A_56 = arith.constant 0 : i32
        %dma_start3A_57 = arith.constant 0 : i32
        %dma_start3A_58 = tpu.memref_slice %arg2[%dma_start3A_56, %dma_start3A_57] : memref<10240x128xf32, #tpu.memory_space<hbm>> -> memref<10240x128xf32, #tpu.memory_space<hbm>>
        tpu.enqueue_indirect_dma source(%dma_start3A_58 : memref<10240x128xf32, #tpu.memory_space<hbm>>) target(%arg9 : memref<128x128xf32, #tpu.memory_space<vmem>>) offsets(%dma_start3A_55 : memref<128xi32, #tpu.memory_space<vmem>>) semaphore(%arg12 : memref<!tpu.dma_semaphore, #tpu.memory_space<semaphore_mem>>)
      } else {
      }
      %dma_wait3A_47 = arith.constant 0 : i32
      %dma_wait3A_48 = tpu.memref_slice %arg7[%add3A_37, %dma_wait3A_47] : memref<40x128xi32, #tpu.memory_space<vmem>> -> memref<1x128xi32, #tpu.memory_space<vmem>>
      %dma_wait3A_49 = tpu.memref_squeeze %dma_wait3A_48 : memref<1x128xi32, #tpu.memory_space<vmem>> -> memref<128xi32, #tpu.memory_space<vmem>>
      %dma_wait3A_50 = arith.constant 0 : i32
      %dma_wait3A_51 = arith.constant 0 : i32
      %dma_wait3A_52 = tpu.memref_slice %arg2[%dma_wait3A_50, %dma_wait3A_51] : memref<10240x128xf32, #tpu.memory_space<hbm>> -> memref<10240x128xf32, #tpu.memory_space<hbm>>
      tpu.wait_indirect_dma semaphore(%arg13 : memref<!tpu.dma_semaphore, #tpu.memory_space<semaphore_mem>>) src(%dma_wait3A_52 : memref<10240x128xf32, #tpu.memory_space<hbm>>) dst(%arg10 : memref<128x128xf32, #tpu.memory_space<vmem>>)
      "tpu.region"() ({
        %run_scoped3A = tpu.sem_alloc : memref<!tpu.dma_semaphore, #tpu.memory_space<semaphore_mem>>
        %dma_start3A_53 = arith.constant 0 : i32
        %dma_start3A_54 = tpu.memref_slice %arg8[%add3A_37, %dma_start3A_53] : memref<40x128xi32, #tpu.memory_space<vmem>> -> memref<1x128xi32, #tpu.memory_space<vmem>>
        %dma_start3A_55 = tpu.memref_squeeze %dma_start3A_54 : memref<1x128xi32, #tpu.memory_space<vmem>> -> memref<128xi32, #tpu.memory_space<vmem>>
        %dma_start3A_56 = arith.constant 0 : i32
        %dma_start3A_57 = arith.constant 0 : i32
        %dma_start3A_58 = tpu.memref_slice %arg11[%dma_start3A_56, %dma_start3A_57] : memref<10240x128xf32, #tpu.memory_space<vmem_shared>> -> memref<10240x128xf32, #tpu.memory_space<vmem_shared>>
        tpu.enqueue_indirect_dma source(%arg10 : memref<128x128xf32, #tpu.memory_space<vmem>>) target(%dma_start3A_58 : memref<10240x128xf32, #tpu.memory_space<vmem_shared>>) offsets(%dma_start3A_55 : memref<128xi32, #tpu.memory_space<vmem>>) semaphore(%run_scoped3A : memref<!tpu.dma_semaphore, #tpu.memory_space<semaphore_mem>>) {add = true}
        %dma_wait3A_59 = arith.constant 0 : i32
        %dma_wait3A_60 = tpu.memref_slice %arg8[%add3A_37, %dma_wait3A_59] : memref<40x128xi32, #tpu.memory_space<vmem>> -> memref<1x128xi32, #tpu.memory_space<vmem>>
        %dma_wait3A_61 = tpu.memref_squeeze %dma_wait3A_60 : memref<1x128xi32, #tpu.memory_space<vmem>> -> memref<128xi32, #tpu.memory_space<vmem>>
        %dma_wait3A_62 = arith.constant 0 : i32
        %dma_wait3A_63 = arith.constant 0 : i32
        %dma_wait3A_64 = tpu.memref_slice %arg11[%dma_wait3A_62, %dma_wait3A_63] : memref<10240x128xf32, #tpu.memory_space<vmem_shared>> -> memref<10240x128xf32, #tpu.memory_space<vmem_shared>>
        tpu.wait_indirect_dma semaphore(%run_scoped3A : memref<!tpu.dma_semaphore, #tpu.memory_space<semaphore_mem>>) src(%arg10 : memref<128x128xf32, #tpu.memory_space<vmem>>) dst(%dma_wait3A_64 : memref<10240x128xf32, #tpu.memory_space<vmem_shared>>)
        tpu.yield
      }) : () -> ()
    }
    %scan3A_15 = arith.constant 20 : i32
    %barrier3A_16 = arith.constant 0 : index
    tpu.barrier barrier_id(%barrier3A_16)
    %mul3A_17 = arith.constant 640 : i32
    %mul3A_18 = arith.muli %arg1, %mul3A_17 : i32
    "tpu.region"() ({
      %run_scoped3A = tpu.sem_alloc : memref<!tpu.dma_semaphore, #tpu.memory_space<semaphore_mem>>
      %dma_start3A_19 = arith.constant 0 : i32
      %dma_start3A_20 = arith.constant 0 : i32
      %dma_start3A_21 = tpu.memref_slice %arg6[%arg0, %arg1, %dma_start3A_19, %dma_start3A_20] : memref<2x16x640x128xf32, #tpu.memory_space<hbm>> -> memref<1x1x640x128xf32, #tpu.memory_space<hbm>>
      %dma_start3A_22 = tpu.memref_squeeze %dma_start3A_21 : memref<1x1x640x128xf32, #tpu.memory_space<hbm>> -> memref<640x128xf32, #tpu.memory_space<hbm>>
      %dma_start3A_23 = arith.constant 0 : i32
      %dma_start3A_24 = tpu.memref_slice %arg11[%mul3A_18, %dma_start3A_23] : memref<10240x128xf32, #tpu.memory_space<vmem_shared>> -> memref<640x128xf32, #tpu.memory_space<vmem_shared>>
      tpu.enqueue_dma source(%dma_start3A_24 : memref<640x128xf32, #tpu.memory_space<vmem_shared>>) target(%dma_start3A_22 : memref<640x128xf32, #tpu.memory_space<hbm>>) target_semaphore(%run_scoped3A : memref<!tpu.dma_semaphore, #tpu.memory_space<semaphore_mem>>)
      %dma_wait3A = arith.constant 0 : i32
      %dma_wait3A_25 = arith.constant 0 : i32
      %dma_wait3A_26 = tpu.memref_slice %arg6[%arg0, %arg1, %dma_wait3A, %dma_wait3A_25] : memref<2x16x640x128xf32, #tpu.memory_space<hbm>> -> memref<1x1x640x128xf32, #tpu.memory_space<hbm>>
      %dma_wait3A_27 = tpu.memref_squeeze %dma_wait3A_26 : memref<1x1x640x128xf32, #tpu.memory_space<hbm>> -> memref<640x128xf32, #tpu.memory_space<hbm>>
      %dma_wait3A_28 = arith.constant 0 : i32
      %dma_wait3A_29 = tpu.memref_slice %arg11[%mul3A_18, %dma_wait3A_28] : memref<10240x128xf32, #tpu.memory_space<vmem_shared>> -> memref<640x128xf32, #tpu.memory_space<vmem_shared>>
      tpu.wait_dma2 semaphore(%run_scoped3A : memref<!tpu.dma_semaphore, #tpu.memory_space<semaphore_mem>>) src(%dma_wait3A_29 : memref<640x128xf32, #tpu.memory_space<vmem_shared>>) dst(%dma_wait3A_27 : memref<640x128xf32, #tpu.memory_space<hbm>>)
      tpu.yield
    }) : () -> ()
    return
  }
}

#map = affine_map<(d0, d1) -> (0, 0)>
#map1 = affine_map<(d0, d1) -> (0, 0, 0, 0)>
module attributes {stable_mosaic.version = 14 : i64} {
  func.func @k(%arg0: i32, %arg1: i32, %arg2: memref<10240x64xf32, #tpu.memory_space<hbm>>, %arg3: memref<1280x128xi32, #tpu.memory_space<hbm>>, %arg4: memref<1280x128xi32, #tpu.memory_space<hbm>>, %arg5: memref<640x64xf32, #tpu.memory_space<hbm>>, %arg6: memref<2x16x640x64xf32, #tpu.memory_space<hbm>>, %arg7: memref<40x128xi32, #tpu.memory_space<vmem>>, %arg8: memref<40x128xi32, #tpu.memory_space<vmem>>, %arg9: memref<128x64xf32, #tpu.memory_space<vmem>>, %arg10: memref<128x64xf32, #tpu.memory_space<vmem>>, %arg11: memref<10240x64xf32, #tpu.memory_space<vmem_shared>>, %arg12: memref<!tpu.dma_semaphore, #tpu.memory_space<semaphore_mem>>, %arg13: memref<!tpu.dma_semaphore, #tpu.memory_space<semaphore_mem>>) attributes {dimension_semantics = [#tpu.dimension_semantics<core_parallel>, #tpu.dimension_semantics<subcore_parallel>], iteration_bounds = array<i64: 2, 16>, scalar_prefetch = 0 : i64, scratch_operands = 7 : i64, tpu.core_type = #tpu.core_type<sc_vector_subcore>, window_params = [{transform_indices = #map}, {transform_indices = #map}, {transform_indices = #map}, {transform_indices = #map}, {transform_indices = #map1}]} {
    %mul3A = arith.constant 640 : i32
    %mul3A_0 = arith.muli %arg0, %mul3A : i32
    %mul3A_1 = arith.constant 40 : i32
    %mul3A_2 = arith.muli %arg1, %mul3A_1 : i32
    %add3A = arith.addi %mul3A_0, %mul3A_2 : i32
    "tpu.region"() ({
      %run_scoped3A = tpu.sem_alloc : memref<!tpu.dma_semaphore, #tpu.memory_space<semaphore_mem>>
      %dma_start3A_19 = arith.constant 0 : i32
      %dma_start3A_20 = tpu.memref_slice %arg3[%add3A, %dma_start3A_19] : memref<1280x128xi32, #tpu.memory_space<hbm>> -> memref<40x128xi32, #tpu.memory_space<hbm>>
      %dma_start3A_21 = arith.constant 0 : i32
      %dma_start3A_22 = tpu.memref_slice %arg3[%add3A, %dma_start3A_21] : memref<1280x128xi32, #tpu.memory_space<hbm>> -> memref<40x128xi32, #tpu.memory_space<hbm>>
      tpu.enqueue_dma source(%dma_start3A_22 : memref<40x128xi32, #tpu.memory_space<hbm>>) target(%arg7 : memref<40x128xi32, #tpu.memory_space<vmem>>) target_semaphore(%run_scoped3A : memref<!tpu.dma_semaphore, #tpu.memory_space<semaphore_mem>>)
      %dma_wait3A = arith.constant 0 : i32
      %dma_wait3A_23 = tpu.memref_slice %arg3[%add3A, %dma_wait3A] : memref<1280x128xi32, #tpu.memory_space<hbm>> -> memref<40x128xi32, #tpu.memory_space<hbm>>
      %dma_wait3A_24 = arith.constant 0 : i32
      %dma_wait3A_25 = tpu.memref_slice %arg3[%add3A, %dma_wait3A_24] : memref<1280x128xi32, #tpu.memory_space<hbm>> -> memref<40x128xi32, #tpu.memory_space<hbm>>
      tpu.wait_dma2 semaphore(%run_scoped3A : memref<!tpu.dma_semaphore, #tpu.memory_space<semaphore_mem>>) src(%dma_wait3A_25 : memref<40x128xi32, #tpu.memory_space<hbm>>) dst(%arg7 : memref<40x128xi32, #tpu.memory_space<vmem>>)
      tpu.yield
    }) : () -> ()
    "tpu.region"() ({
      %run_scoped3A = tpu.sem_alloc : memref<!tpu.dma_semaphore, #tpu.memory_space<semaphore_mem>>
      %dma_start3A_19 = arith.constant 0 : i32
      %dma_start3A_20 = tpu.memref_slice %arg4[%add3A, %dma_start3A_19] : memref<1280x128xi32, #tpu.memory_space<hbm>> -> memref<40x128xi32, #tpu.memory_space<hbm>>
      %dma_start3A_21 = arith.constant 0 : i32
      %dma_start3A_22 = tpu.memref_slice %arg4[%add3A, %dma_start3A_21] : memref<1280x128xi32, #tpu.memory_space<hbm>> -> memref<40x128xi32, #tpu.memory_space<hbm>>
      tpu.enqueue_dma source(%dma_start3A_22 : memref<40x128xi32, #tpu.memory_space<hbm>>) target(%arg8 : memref<40x128xi32, #tpu.memory_space<vmem>>) target_semaphore(%run_scoped3A : memref<!tpu.dma_semaphore, #tpu.memory_space<semaphore_mem>>)
      %dma_wait3A = arith.constant 0 : i32
      %dma_wait3A_23 = tpu.memref_slice %arg4[%add3A, %dma_wait3A] : memref<1280x128xi32, #tpu.memory_space<hbm>> -> memref<40x128xi32, #tpu.memory_space<hbm>>
      %dma_wait3A_24 = arith.constant 0 : i32
      %dma_wait3A_25 = tpu.memref_slice %arg4[%add3A, %dma_wait3A_24] : memref<1280x128xi32, #tpu.memory_space<hbm>> -> memref<40x128xi32, #tpu.memory_space<hbm>>
      tpu.wait_dma2 semaphore(%run_scoped3A : memref<!tpu.dma_semaphore, #tpu.memory_space<semaphore_mem>>) src(%dma_wait3A_25 : memref<40x128xi32, #tpu.memory_space<hbm>>) dst(%arg8 : memref<40x128xi32, #tpu.memory_space<vmem>>)
      tpu.yield
    }) : () -> ()
    %mul3A_3 = arith.constant 640 : i32
    %mul3A_4 = arith.muli %arg1, %mul3A_3 : i32
    "tpu.region"() ({
      %run_scoped3A = tpu.sem_alloc : memref<!tpu.dma_semaphore, #tpu.memory_space<semaphore_mem>>
      %dma_start3A_19 = arith.constant 0 : i32
      %dma_start3A_20 = tpu.memref_slice %arg11[%mul3A_4, %dma_start3A_19] : memref<10240x64xf32, #tpu.memory_space<vmem_shared>> -> memref<640x64xf32, #tpu.memory_space<vmem_shared>>
      tpu.enqueue_dma source(%arg5 : memref<640x64xf32, #tpu.memory_space<hbm>>) target(%dma_start3A_20 : memref<640x64xf32, #tpu.memory_space<vmem_shared>>) target_semaphore(%run_scoped3A : memref<!tpu.dma_semaphore, #tpu.memory_space<semaphore_mem>>)
      %dma_wait3A = arith.constant 0 : i32
      %dma_wait3A_21 = tpu.memref_slice %arg11[%mul3A_4, %dma_wait3A] : memref<10240x64xf32, #tpu.memory_space<vmem_shared>> -> memref<640x64xf32, #tpu.memory_space<vmem_shared>>
      tpu.wait_dma2 semaphore(%run_scoped3A : memref<!tpu.dma_semaphore, #tpu.memory_space<semaphore_mem>>) src(%arg5 : memref<640x64xf32, #tpu.memory_space<hbm>>) dst(%dma_wait3A_21 : memref<640x64xf32, #tpu.memory_space<vmem_shared>>)
      tpu.yield
    }) : () -> ()
    %barrier3A = arith.constant 0 : index
    tpu.barrier barrier_id(%barrier3A)
    %dma_start3A = arith.constant 0 : i32
    %dma_start3A_5 = arith.constant 0 : i32
    %dma_start3A_6 = tpu.memref_slice %arg7[%dma_start3A, %dma_start3A_5] : memref<40x128xi32, #tpu.memory_space<vmem>> -> memref<1x128xi32, #tpu.memory_space<vmem>>
    %dma_start3A_7 = tpu.memref_squeeze %dma_start3A_6 : memref<1x128xi32, #tpu.memory_space<vmem>> -> memref<128xi32, #tpu.memory_space<vmem>>
    %dma_start3A_8 = arith.constant 0 : i32
    %dma_start3A_9 = arith.constant 0 : i32
    %dma_start3A_10 = tpu.memref_slice %arg2[%dma_start3A_8, %dma_start3A_9] : memref<10240x64xf32, #tpu.memory_space<hbm>> -> memref<10240x64xf32, #tpu.memory_space<hbm>>
    tpu.enqueue_indirect_dma source(%dma_start3A_10 : memref<10240x64xf32, #tpu.memory_space<hbm>>) target(%arg9 : memref<128x64xf32, #tpu.memory_space<vmem>>) offsets(%dma_start3A_7 : memref<128xi32, #tpu.memory_space<vmem>>) semaphore(%arg12 : memref<!tpu.dma_semaphore, #tpu.memory_space<semaphore_mem>>)
    %scan3A = arith.constant 0 : i32
    %scan3A_11 = arith.constant 0 : i32
    %scan3A_12 = arith.constant 20 : i32
    %scan3A_13 = arith.addi %scan3A_11, %scan3A_12 : i32
    %scan3A_14 = arith.constant 1 : i32
    scf.for %scan3A_19 = %scan3A_11 to %scan3A_13 step %scan3A_14  : i32 {
      %mul3A_20 = arith.constant 2 : i32
      %mul3A_21 = arith.muli %scan3A_19, %mul3A_20 : i32
      %add3A_22 = arith.constant 0 : i32
      %add3A_23 = arith.addi %mul3A_21, %add3A_22 : i32
      %add3A_24 = arith.constant 2 : i32
      %add3A_25 = arith.addi %add3A_23, %add3A_24 : i32
      %sub3A = arith.constant 1 : i32
      %sub3A_26 = arith.subi %add3A_25, %sub3A : i32
      %lt3A = arith.constant 40 : i32
      %lt3A_27 = arith.cmpi slt, %sub3A_26, %lt3A : i32
      %convert_element_type3A = arith.extui %lt3A_27 : i1 to i32
      %cond3A = arith.constant 0 : i32
      %cond3A_28 = arith.cmpi ne, %convert_element_type3A, %cond3A : i32
      scf.if %cond3A_28 {
        %dma_start3A_53 = arith.constant 0 : i32
        %dma_start3A_54 = tpu.memref_slice %arg7[%sub3A_26, %dma_start3A_53] : memref<40x128xi32, #tpu.memory_space<vmem>> -> memref<1x128xi32, #tpu.memory_space<vmem>>
        %dma_start3A_55 = tpu.memref_squeeze %dma_start3A_54 : memref<1x128xi32, #tpu.memory_space<vmem>> -> memref<128xi32, #tpu.memory_space<vmem>>
        %dma_start3A_56 = arith.constant 0 : i32
        %dma_start3A_57 = arith.constant 0 : i32
        %dma_start3A_58 = tpu.memref_slice %arg2[%dma_start3A_56, %dma_start3A_57] : memref<10240x64xf32, #tpu.memory_space<hbm>> -> memref<10240x64xf32, #tpu.memory_space<hbm>>
        tpu.enqueue_indirect_dma source(%dma_start3A_58 : memref<10240x64xf32, #tpu.memory_space<hbm>>) target(%arg10 : memref<128x64xf32, #tpu.memory_space<vmem>>) offsets(%dma_start3A_55 : memref<128xi32, #tpu.memory_space<vmem>>) semaphore(%arg13 : memref<!tpu.dma_semaphore, #tpu.memory_space<semaphore_mem>>)
      } else {
      }
      %dma_wait3A = arith.constant 0 : i32
      %dma_wait3A_29 = tpu.memref_slice %arg7[%add3A_23, %dma_wait3A] : memref<40x128xi32, #tpu.memory_space<vmem>> -> memref<1x128xi32, #tpu.memory_space<vmem>>
      %dma_wait3A_30 = tpu.memref_squeeze %dma_wait3A_29 : memref<1x128xi32, #tpu.memory_space<vmem>> -> memref<128xi32, #tpu.memory_space<vmem>>
      %dma_wait3A_31 = arith.constant 0 : i32
      %dma_wait3A_32 = arith.constant 0 : i32
      %dma_wait3A_33 = tpu.memref_slice %arg2[%dma_wait3A_31, %dma_wait3A_32] : memref<10240x64xf32, #tpu.memory_space<hbm>> -> memref<10240x64xf32, #tpu.memory_space<hbm>>
      tpu.wait_indirect_dma semaphore(%arg12 : memref<!tpu.dma_semaphore, #tpu.memory_space<semaphore_mem>>) src(%dma_wait3A_33 : memref<10240x64xf32, #tpu.memory_space<hbm>>) dst(%arg9 : memref<128x64xf32, #tpu.memory_space<vmem>>)
      "tpu.region"() ({
        %run_scoped3A = tpu.sem_alloc : memref<!tpu.dma_semaphore, #tpu.memory_space<semaphore_mem>>
        %dma_start3A_53 = arith.constant 0 : i32
        %dma_start3A_54 = tpu.memref_slice %arg8[%add3A_23, %dma_start3A_53] : memref<40x128xi32, #tpu.memory_space<vmem>> -> memref<1x128xi32, #tpu.memory_space<vmem>>
        %dma_start3A_55 = tpu.memref_squeeze %dma_start3A_54 : memref<1x128xi32, #tpu.memory_space<vmem>> -> memref<128xi32, #tpu.memory_space<vmem>>
        %dma_start3A_56 = arith.constant 0 : i32
        %dma_start3A_57 = arith.constant 0 : i32
        %dma_start3A_58 = tpu.memref_slice %arg11[%dma_start3A_56, %dma_start3A_57] : memref<10240x64xf32, #tpu.memory_space<vmem_shared>> -> memref<10240x64xf32, #tpu.memory_space<vmem_shared>>
        tpu.enqueue_indirect_dma source(%arg9 : memref<128x64xf32, #tpu.memory_space<vmem>>) target(%dma_start3A_58 : memref<10240x64xf32, #tpu.memory_space<vmem_shared>>) offsets(%dma_start3A_55 : memref<128xi32, #tpu.memory_space<vmem>>) semaphore(%run_scoped3A : memref<!tpu.dma_semaphore, #tpu.memory_space<semaphore_mem>>) {add = true}
        %dma_wait3A_59 = arith.constant 0 : i32
        %dma_wait3A_60 = tpu.memref_slice %arg8[%add3A_23, %dma_wait3A_59] : memref<40x128xi32, #tpu.memory_space<vmem>> -> memref<1x128xi32, #tpu.memory_space<vmem>>
        %dma_wait3A_61 = tpu.memref_squeeze %dma_wait3A_60 : memref<1x128xi32, #tpu.memory_space<vmem>> -> memref<128xi32, #tpu.memory_space<vmem>>
        %dma_wait3A_62 = arith.constant 0 : i32
        %dma_wait3A_63 = arith.constant 0 : i32
        %dma_wait3A_64 = tpu.memref_slice %arg11[%dma_wait3A_62, %dma_wait3A_63] : memref<10240x64xf32, #tpu.memory_space<vmem_shared>> -> memref<10240x64xf32, #tpu.memory_space<vmem_shared>>
        tpu.wait_indirect_dma semaphore(%run_scoped3A : memref<!tpu.dma_semaphore, #tpu.memory_space<semaphore_mem>>) src(%arg9 : memref<128x64xf32, #tpu.memory_space<vmem>>) dst(%dma_wait3A_64 : memref<10240x64xf32, #tpu.memory_space<vmem_shared>>)
        tpu.yield
      }) : () -> ()
      %mul3A_34 = arith.constant 2 : i32
      %mul3A_35 = arith.muli %scan3A_19, %mul3A_34 : i32
      %add3A_36 = arith.constant 1 : i32
      %add3A_37 = arith.addi %mul3A_35, %add3A_36 : i32
      %add3A_38 = arith.constant 2 : i32
      %add3A_39 = arith.addi %add3A_37, %add3A_38 : i32
      %sub3A_40 = arith.constant 1 : i32
      %sub3A_41 = arith.subi %add3A_39, %sub3A_40 : i32
      %lt3A_42 = arith.constant 40 : i32
      %lt3A_43 = arith.cmpi slt, %sub3A_41, %lt3A_42 : i32
      %convert_element_type3A_44 = arith.extui %lt3A_43 : i1 to i32
      %cond3A_45 = arith.constant 0 : i32
      %cond3A_46 = arith.cmpi ne, %convert_element_type3A_44, %cond3A_45 : i32
      scf.if %cond3A_46 {
        %dma_start3A_53 = arith.constant 0 : i32
        %dma_start3A_54 = tpu.memref_slice %arg7[%sub3A_41, %dma_start3A_53] : memref<40x128xi32, #tpu.memory_space<vmem>> -> memref<1x128xi32, #tpu.memory_space<vmem>>
        %dma_start3A_55 = tpu.memref_squeeze %dma_start3A_54 : memref<1x128xi32, #tpu.memory_space<vmem>> -> memref<128xi32, #tpu.memory_space<vmem>>
        %dma_start3A_56 = arith.constant 0 : i32
        %dma_start3A_57 = arith.constant 0 : i32
        %dma_start3A_58 = tpu.memref_slice %arg2[%dma_start3A_56, %dma_start3A_57] : memref<10240x64xf32, #tpu.memory_space<hbm>> -> memref<10240x64xf32, #tpu.memory_space<hbm>>
        tpu.enqueue_indirect_dma source(%dma_start3A_58 : memref<10240x64xf32, #tpu.memory_space<hbm>>) target(%arg9 : memref<128x64xf32, #tpu.memory_space<vmem>>) offsets(%dma_start3A_55 : memref<128xi32, #tpu.memory_space<vmem>>) semaphore(%arg12 : memref<!tpu.dma_semaphore, #tpu.memory_space<semaphore_mem>>)
      } else {
      }
      %dma_wait3A_47 = arith.constant 0 : i32
      %dma_wait3A_48 = tpu.memref_slice %arg7[%add3A_37, %dma_wait3A_47] : memref<40x128xi32, #tpu.memory_space<vmem>> -> memref<1x128xi32, #tpu.memory_space<vmem>>
      %dma_wait3A_49 = tpu.memref_squeeze %dma_wait3A_48 : memref<1x128xi32, #tpu.memory_space<vmem>> -> memref<128xi32, #tpu.memory_space<vmem>>
      %dma_wait3A_50 = arith.constant 0 : i32
      %dma_wait3A_51 = arith.constant 0 : i32
      %dma_wait3A_52 = tpu.memref_slice %arg2[%dma_wait3A_50, %dma_wait3A_51] : memref<10240x64xf32, #tpu.memory_space<hbm>> -> memref<10240x64xf32, #tpu.memory_space<hbm>>
      tpu.wait_indirect_dma semaphore(%arg13 : memref<!tpu.dma_semaphore, #tpu.memory_space<semaphore_mem>>) src(%dma_wait3A_52 : memref<10240x64xf32, #tpu.memory_space<hbm>>) dst(%arg10 : memref<128x64xf32, #tpu.memory_space<vmem>>)
      "tpu.region"() ({
        %run_scoped3A = tpu.sem_alloc : memref<!tpu.dma_semaphore, #tpu.memory_space<semaphore_mem>>
        %dma_start3A_53 = arith.constant 0 : i32
        %dma_start3A_54 = tpu.memref_slice %arg8[%add3A_37, %dma_start3A_53] : memref<40x128xi32, #tpu.memory_space<vmem>> -> memref<1x128xi32, #tpu.memory_space<vmem>>
        %dma_start3A_55 = tpu.memref_squeeze %dma_start3A_54 : memref<1x128xi32, #tpu.memory_space<vmem>> -> memref<128xi32, #tpu.memory_space<vmem>>
        %dma_start3A_56 = arith.constant 0 : i32
        %dma_start3A_57 = arith.constant 0 : i32
        %dma_start3A_58 = tpu.memref_slice %arg11[%dma_start3A_56, %dma_start3A_57] : memref<10240x64xf32, #tpu.memory_space<vmem_shared>> -> memref<10240x64xf32, #tpu.memory_space<vmem_shared>>
        tpu.enqueue_indirect_dma source(%arg10 : memref<128x64xf32, #tpu.memory_space<vmem>>) target(%dma_start3A_58 : memref<10240x64xf32, #tpu.memory_space<vmem_shared>>) offsets(%dma_start3A_55 : memref<128xi32, #tpu.memory_space<vmem>>) semaphore(%run_scoped3A : memref<!tpu.dma_semaphore, #tpu.memory_space<semaphore_mem>>) {add = true}
        %dma_wait3A_59 = arith.constant 0 : i32
        %dma_wait3A_60 = tpu.memref_slice %arg8[%add3A_37, %dma_wait3A_59] : memref<40x128xi32, #tpu.memory_space<vmem>> -> memref<1x128xi32, #tpu.memory_space<vmem>>
        %dma_wait3A_61 = tpu.memref_squeeze %dma_wait3A_60 : memref<1x128xi32, #tpu.memory_space<vmem>> -> memref<128xi32, #tpu.memory_space<vmem>>
        %dma_wait3A_62 = arith.constant 0 : i32
        %dma_wait3A_63 = arith.constant 0 : i32
        %dma_wait3A_64 = tpu.memref_slice %arg11[%dma_wait3A_62, %dma_wait3A_63] : memref<10240x64xf32, #tpu.memory_space<vmem_shared>> -> memref<10240x64xf32, #tpu.memory_space<vmem_shared>>
        tpu.wait_indirect_dma semaphore(%run_scoped3A : memref<!tpu.dma_semaphore, #tpu.memory_space<semaphore_mem>>) src(%arg10 : memref<128x64xf32, #tpu.memory_space<vmem>>) dst(%dma_wait3A_64 : memref<10240x64xf32, #tpu.memory_space<vmem_shared>>)
        tpu.yield
      }) : () -> ()
    }
    %scan3A_15 = arith.constant 20 : i32
    %barrier3A_16 = arith.constant 0 : index
    tpu.barrier barrier_id(%barrier3A_16)
    %mul3A_17 = arith.constant 640 : i32
    %mul3A_18 = arith.muli %arg1, %mul3A_17 : i32
    "tpu.region"() ({
      %run_scoped3A = tpu.sem_alloc : memref<!tpu.dma_semaphore, #tpu.memory_space<semaphore_mem>>
      %dma_start3A_19 = arith.constant 0 : i32
      %dma_start3A_20 = arith.constant 0 : i32
      %dma_start3A_21 = tpu.memref_slice %arg6[%arg0, %arg1, %dma_start3A_19, %dma_start3A_20] : memref<2x16x640x64xf32, #tpu.memory_space<hbm>> -> memref<1x1x640x64xf32, #tpu.memory_space<hbm>>
      %dma_start3A_22 = tpu.memref_squeeze %dma_start3A_21 : memref<1x1x640x64xf32, #tpu.memory_space<hbm>> -> memref<640x64xf32, #tpu.memory_space<hbm>>
      %dma_start3A_23 = arith.constant 0 : i32
      %dma_start3A_24 = tpu.memref_slice %arg11[%mul3A_18, %dma_start3A_23] : memref<10240x64xf32, #tpu.memory_space<vmem_shared>> -> memref<640x64xf32, #tpu.memory_space<vmem_shared>>
      tpu.enqueue_dma source(%dma_start3A_24 : memref<640x64xf32, #tpu.memory_space<vmem_shared>>) target(%dma_start3A_22 : memref<640x64xf32, #tpu.memory_space<hbm>>) target_semaphore(%run_scoped3A : memref<!tpu.dma_semaphore, #tpu.memory_space<semaphore_mem>>)
      %dma_wait3A = arith.constant 0 : i32
      %dma_wait3A_25 = arith.constant 0 : i32
      %dma_wait3A_26 = tpu.memref_slice %arg6[%arg0, %arg1, %dma_wait3A, %dma_wait3A_25] : memref<2x16x640x64xf32, #tpu.memory_space<hbm>> -> memref<1x1x640x64xf32, #tpu.memory_space<hbm>>
      %dma_wait3A_27 = tpu.memref_squeeze %dma_wait3A_26 : memref<1x1x640x64xf32, #tpu.memory_space<hbm>> -> memref<640x64xf32, #tpu.memory_space<hbm>>
      %dma_wait3A_28 = arith.constant 0 : i32
      %dma_wait3A_29 = tpu.memref_slice %arg11[%mul3A_18, %dma_wait3A_28] : memref<10240x64xf32, #tpu.memory_space<vmem_shared>> -> memref<640x64xf32, #tpu.memory_space<vmem_shared>>
      tpu.wait_dma2 semaphore(%run_scoped3A : memref<!tpu.dma_semaphore, #tpu.memory_space<semaphore_mem>>) src(%dma_wait3A_29 : memref<640x64xf32, #tpu.memory_space<vmem_shared>>) dst(%dma_wait3A_27 : memref<640x64xf32, #tpu.memory_space<hbm>>)
      tpu.yield
    }) : () -> ()
    return
  }
}

module attributes {stable_mosaic.version = 14 : i64} {
  func.func @body(%arg0: i32, %arg1: memref<2x1024x16xf32, #tpu.memory_space<vmem>>, %arg2: memref<1024x256xf32, #tpu.memory_space<vmem>>, %arg3: memref<256x256xf32, #tpu.memory_space<vmem>>, %arg4: memref<1024x128xf32, #tpu.memory_space<vmem>>, %arg5: memref<1024x128xf32, #tpu.memory_space<vmem>>) attributes {dimension_semantics = [#tpu.dimension_semantics<arbitrary>], iteration_bounds = array<i64: 10>, scalar_prefetch = 0 : i64, scratch_operands = 0 : i64, tpu.core_type = #tpu.core_type<tc>, window_params = [{transform_indices = @transform_0, window_bounds = array<i64: 2, 1024, 16>}, {transform_indices = @transform_1, window_bounds = array<i64: 1024, 256>}, {pipeline_mode = #tpu.pipeline_mode<synchronous>, transform_indices = @transform_2, window_bounds = array<i64: 256, 256>}, {transform_indices = @transform_3, window_bounds = array<i64: 1024, 128>}, {transform_indices = @transform_4, window_bounds = array<i64: 1024, 128>}]} {
    %get3A = arith.constant 0 : index
    %get3A_0 = arith.constant 0 : index
    %get3A_1 = arith.constant 0 : index
    %get3A_2 = vector.load %arg1[%get3A, %get3A_0, %get3A_1] : memref<2x1024x16xf32, #tpu.memory_space<vmem>>, vector<1x1024x16xf32>
    %get3A_3 = vector.shape_cast %get3A_2 : vector<1x1024x16xf32> to vector<1024x16xf32>
    %slice3A = vector.extract_strided_slice %get3A_3 {offsets = [0, 0], sizes = [1024, 1], strides = [1, 1]} : vector<1024x16xf32> to vector<1024x1xf32>
    %get3A_4 = arith.constant 1 : index
    %get3A_5 = arith.constant 0 : index
    %get3A_6 = arith.constant 0 : index
    %get3A_7 = vector.load %arg1[%get3A_4, %get3A_5, %get3A_6] : memref<2x1024x16xf32, #tpu.memory_space<vmem>>, vector<1x1024x16xf32>
    %get3A_8 = vector.shape_cast %get3A_7 : vector<1x1024x16xf32> to vector<1024x16xf32>
    %slice3A_9 = vector.extract_strided_slice %get3A_8 {offsets = [0, 0], sizes = [1024, 1], strides = [1, 1]} : vector<1024x16xf32> to vector<1024x1xf32>
    %add3A = arith.addf %slice3A, %slice3A_9 : vector<1024x1xf32>
    %add3A_10 = arith.constant 1.000000e+00 : f32
    %add3A_11 = vector.broadcast %add3A_10 : f32 to vector<1024x1xf32>
    %add3A_12 = arith.addf %add3A, %add3A_11 : vector<1024x1xf32>
    %rsqrt3A = math.rsqrt %add3A_12 : vector<1024x1xf32>
    %get3A_13 = arith.constant 0 : index
    %get3A_14 = arith.constant 0 : index
    %get3A_15 = vector.load %arg2[%get3A_13, %get3A_14] : memref<1024x256xf32, #tpu.memory_space<vmem>>, vector<1024x256xf32>
    %get3A_16 = arith.constant 0 : index
    %get3A_17 = arith.constant 0 : index
    %get3A_18 = vector.load %arg3[%get3A_16, %get3A_17] : memref<256x256xf32, #tpu.memory_space<vmem>>, vector<256x256xf32>
    %dot_general3A = arith.constant dense<0.000000e+00> : vector<1024x256xf32>
    %dot_general3A_19 = tpu.matmul %get3A_15, %get3A_18, %dot_general3A {dimension_numbers = #tpu.dot_dimension_numbers<[1], [0], [0], [1], [0, 0, 1, 1], [], []>, transpose_lhs_hint = false} : vector<1024x256xf32>, vector<256x256xf32>, vector<1024x256xf32> -> vector<1024x256xf32>
    %mul3A = vector.broadcast %rsqrt3A : vector<1024x1xf32> to vector<1024x256xf32>
    %mul3A_20 = arith.mulf %dot_general3A_19, %mul3A : vector<1024x256xf32>
    %slice3A_21 = vector.extract_strided_slice %mul3A_20 {offsets = [0, 0], sizes = [1024, 128], strides = [1, 1]} : vector<1024x256xf32> to vector<1024x128xf32>
    %swap3A = arith.constant 0 : index
    %swap3A_22 = arith.constant 0 : index
    %swap3A_23 = vector.load %arg4[%swap3A, %swap3A_22] : memref<1024x128xf32, #tpu.memory_space<vmem>>, vector<1024x128xf32>
    tpu.vector_store %arg4[%swap3A, %swap3A_22], %slice3A_21 {strides = array<i32>} : memref<1024x128xf32, #tpu.memory_space<vmem>>, vector<1024x128xf32>,
    %slice3A_24 = vector.extract_strided_slice %mul3A_20 {offsets = [0, 128], sizes = [1024, 128], strides = [1, 1]} : vector<1024x256xf32> to vector<1024x128xf32>
    %swap3A_25 = arith.constant 0 : index
    %swap3A_26 = arith.constant 0 : index
    %swap3A_27 = vector.load %arg5[%swap3A_25, %swap3A_26] : memref<1024x128xf32, #tpu.memory_space<vmem>>, vector<1024x128xf32>
    tpu.vector_store %arg5[%swap3A_25, %swap3A_26], %slice3A_24 {strides = array<i32>} : memref<1024x128xf32, #tpu.memory_space<vmem>>, vector<1024x128xf32>,
    return
  }
  func.func @transform_0(%arg0: i32) -> (i32, i32, i32) {
    %c0_i32 = arith.constant 0 : i32
    %c0_i32_0 = arith.constant 0 : i32
    %c0_i32_1 = arith.constant 0 : i32
    return %c0_i32, %arg0, %c0_i32_0 : i32, i32, i32
  }
  func.func @transform_1(%arg0: i32) -> (i32, i32) {
    %c0_i32 = arith.constant 0 : i32
    %c0_i32_0 = arith.constant 0 : i32
    return %arg0, %c0_i32 : i32, i32
  }
  func.func @transform_2(%arg0: i32) -> (i32, i32) {
    %c0_i32 = arith.constant 0 : i32
    %c0_i32_0 = arith.constant 0 : i32
    %c0_i32_1 = arith.constant 0 : i32
    return %c0_i32, %c0_i32_0 : i32, i32
  }
  func.func @transform_3(%arg0: i32) -> (i32, i32) {
    %c0_i32 = arith.constant 0 : i32
    %c0_i32_0 = arith.constant 0 : i32
    return %arg0, %c0_i32 : i32, i32
  }
  func.func @transform_4(%arg0: i32) -> (i32, i32) {
    %c0_i32 = arith.constant 0 : i32
    %c0_i32_0 = arith.constant 0 : i32
    return %arg0, %c0_i32 : i32, i32
  }
}

module attributes {stable_mosaic.version = 14 : i64} {
  func.func @body(%arg0: i32, %arg1: memref<2x1024x16xf32, #tpu.memory_space<vmem>>, %arg2: memref<2x1024x128xf32, #tpu.memory_space<vmem>>, %arg3: memref<2x1024x128xf32, #tpu.memory_space<vmem>>, %arg4: memref<1024x128xf32, #tpu.memory_space<vmem>>, %arg5: memref<1024x128xf32, #tpu.memory_space<vmem>>, %arg6: memref<1x256xf32, #tpu.memory_space<vmem>>, %arg7: memref<256x128xf32, #tpu.memory_space<vmem>>, %arg8: memref<1024x128xf32, #tpu.memory_space<vmem>>) attributes {dimension_semantics = [#tpu.dimension_semantics<arbitrary>], iteration_bounds = array<i64: 10>, scalar_prefetch = 0 : i64, scratch_operands = 0 : i64, tpu.core_type = #tpu.core_type<tc>, window_params = [{transform_indices = @transform_0, window_bounds = array<i64: 2, 1024, 16>}, {transform_indices = @transform_1, window_bounds = array<i64: 2, 1024, 128>}, {transform_indices = @transform_2, window_bounds = array<i64: 2, 1024, 128>}, {transform_indices = @transform_3, window_bounds = array<i64: 1024, 128>}, {transform_indices = @transform_4, window_bounds = array<i64: 1024, 128>}, {pipeline_mode = #tpu.pipeline_mode<synchronous>, transform_indices = @transform_5, window_bounds = array<i64: 1, 256>}, {pipeline_mode = #tpu.pipeline_mode<synchronous>, transform_indices = @transform_6, window_bounds = array<i64: 256, 128>}, {transform_indices = @transform_7, window_bounds = array<i64: 1024, 128>}]} {
    %get3A = arith.constant 0 : index
    %get3A_0 = arith.constant 0 : index
    %get3A_1 = arith.constant 0 : index
    %get3A_2 = vector.load %arg1[%get3A, %get3A_0, %get3A_1] : memref<2x1024x16xf32, #tpu.memory_space<vmem>>, vector<1x1024x16xf32>
    %get3A_3 = vector.shape_cast %get3A_2 : vector<1x1024x16xf32> to vector<1024x16xf32>
    %slice3A = vector.extract_strided_slice %get3A_3 {offsets = [0, 0], sizes = [1024, 1], strides = [1, 1]} : vector<1024x16xf32> to vector<1024x1xf32>
    %get3A_4 = arith.constant 1 : index
    %get3A_5 = arith.constant 0 : index
    %get3A_6 = arith.constant 0 : index
    %get3A_7 = vector.load %arg1[%get3A_4, %get3A_5, %get3A_6] : memref<2x1024x16xf32, #tpu.memory_space<vmem>>, vector<1x1024x16xf32>
    %get3A_8 = vector.shape_cast %get3A_7 : vector<1x1024x16xf32> to vector<1024x16xf32>
    %slice3A_9 = vector.extract_strided_slice %get3A_8 {offsets = [0, 0], sizes = [1024, 1], strides = [1, 1]} : vector<1024x16xf32> to vector<1024x1xf32>
    %add3A = arith.addf %slice3A, %slice3A_9 : vector<1024x1xf32>
    %add3A_10 = arith.constant 1.000000e+00 : f32
    %add3A_11 = vector.broadcast %add3A_10 : f32 to vector<1024x1xf32>
    %add3A_12 = arith.addf %add3A, %add3A_11 : vector<1024x1xf32>
    %rsqrt3A = math.rsqrt %add3A_12 : vector<1024x1xf32>
    %get3A_13 = arith.constant 0 : index
    %get3A_14 = arith.constant 0 : index
    %get3A_15 = arith.constant 0 : index
    %get3A_16 = vector.load %arg2[%get3A_13, %get3A_14, %get3A_15] : memref<2x1024x128xf32, #tpu.memory_space<vmem>>, vector<1x1024x128xf32>
    %get3A_17 = vector.shape_cast %get3A_16 : vector<1x1024x128xf32> to vector<1024x128xf32>
    %get3A_18 = arith.constant 1 : index
    %get3A_19 = arith.constant 0 : index
    %get3A_20 = arith.constant 0 : index
    %get3A_21 = vector.load %arg2[%get3A_18, %get3A_19, %get3A_20] : memref<2x1024x128xf32, #tpu.memory_space<vmem>>, vector<1x1024x128xf32>
    %get3A_22 = vector.shape_cast %get3A_21 : vector<1x1024x128xf32> to vector<1024x128xf32>
    %add3A_23 = arith.addf %get3A_17, %get3A_22 : vector<1024x128xf32>
    %get3A_24 = arith.constant 0 : index
    %get3A_25 = arith.constant 0 : index
    %get3A_26 = vector.load %arg4[%get3A_24, %get3A_25] : memref<1024x128xf32, #tpu.memory_space<vmem>>, vector<1024x128xf32>
    %add3A_27 = arith.addf %add3A_23, %get3A_26 : vector<1024x128xf32>
    %mul3A = vector.broadcast %rsqrt3A : vector<1024x1xf32> to vector<1024x128xf32>
    %mul3A_28 = arith.mulf %add3A_27, %mul3A : vector<1024x128xf32>
    %get3A_29 = arith.constant 0 : index
    %get3A_30 = arith.constant 0 : index
    %get3A_31 = vector.load %arg6[%get3A_29, %get3A_30] : memref<1x256xf32, #tpu.memory_space<vmem>>, vector<1x128xf32>
    %add3A_32 = vector.broadcast %get3A_31 : vector<1x128xf32> to vector<1024x128xf32>
    %add3A_33 = arith.addf %mul3A_28, %add3A_32 : vector<1024x128xf32>
    %get3A_34 = arith.constant 0 : index
    %get3A_35 = arith.constant 0 : index
    %get3A_36 = arith.constant 0 : index
    %get3A_37 = vector.load %arg3[%get3A_34, %get3A_35, %get3A_36] : memref<2x1024x128xf32, #tpu.memory_space<vmem>>, vector<1x1024x128xf32>
    %get3A_38 = vector.shape_cast %get3A_37 : vector<1x1024x128xf32> to vector<1024x128xf32>
    %get3A_39 = arith.constant 1 : index
    %get3A_40 = arith.constant 0 : index
    %get3A_41 = arith.constant 0 : index
    %get3A_42 = vector.load %arg3[%get3A_39, %get3A_40, %get3A_41] : memref<2x1024x128xf32, #tpu.memory_space<vmem>>, vector<1x1024x128xf32>
    %get3A_43 = vector.shape_cast %get3A_42 : vector<1x1024x128xf32> to vector<1024x128xf32>
    %add3A_44 = arith.addf %get3A_38, %get3A_43 : vector<1024x128xf32>
    %get3A_45 = arith.constant 0 : index
    %get3A_46 = arith.constant 0 : index
    %get3A_47 = vector.load %arg5[%get3A_45, %get3A_46] : memref<1024x128xf32, #tpu.memory_space<vmem>>, vector<1024x128xf32>
    %add3A_48 = arith.addf %add3A_44, %get3A_47 : vector<1024x128xf32>
    %mul3A_49 = vector.broadcast %rsqrt3A : vector<1024x1xf32> to vector<1024x128xf32>
    %mul3A_50 = arith.mulf %add3A_48, %mul3A_49 : vector<1024x128xf32>
    %get3A_51 = arith.constant 0 : index
    %get3A_52 = arith.constant 128 : index
    %get3A_53 = vector.load %arg6[%get3A_51, %get3A_52] : memref<1x256xf32, #tpu.memory_space<vmem>>, vector<1x128xf32>
    %add3A_54 = vector.broadcast %get3A_53 : vector<1x128xf32> to vector<1024x128xf32>
    %add3A_55 = arith.addf %mul3A_50, %add3A_54 : vector<1024x128xf32>
    %ge3A = arith.constant 0.000000e+00 : f32
    %ge3A_56 = vector.broadcast %ge3A : f32 to vector<1024x128xf32>
    %ge3A_57 = arith.cmpf oge, %add3A_33, %ge3A_56 : vector<1024x128xf32>
    %mul3A_58 = arith.constant 0.00999999977 : f32
    %mul3A_59 = vector.broadcast %mul3A_58 : f32 to vector<1024x128xf32>
    %mul3A_60 = arith.mulf %mul3A_59, %add3A_33 : vector<1024x128xf32>
    %select_n3A = arith.select %ge3A_57, %add3A_33, %mul3A_60 : vector<1024x128xi1>, vector<1024x128xf32>
    %ge3A_61 = arith.constant 0.000000e+00 : f32
    %ge3A_62 = vector.broadcast %ge3A_61 : f32 to vector<1024x128xf32>
    %ge3A_63 = arith.cmpf oge, %add3A_55, %ge3A_62 : vector<1024x128xf32>
    %mul3A_64 = arith.constant 0.00999999977 : f32
    %mul3A_65 = vector.broadcast %mul3A_64 : f32 to vector<1024x128xf32>
    %mul3A_66 = arith.mulf %mul3A_65, %add3A_55 : vector<1024x128xf32>
    %select_n3A_67 = arith.select %ge3A_63, %add3A_55, %mul3A_66 : vector<1024x128xi1>, vector<1024x128xf32>
    %get3A_68 = arith.constant 0 : index
    %get3A_69 = arith.constant 0 : index
    %get3A_70 = vector.load %arg7[%get3A_68, %get3A_69] : memref<256x128xf32, #tpu.memory_space<vmem>>, vector<128x128xf32>
    %dot_general3A = arith.constant dense<0.000000e+00> : vector<1024x128xf32>
    %dot_general3A_71 = tpu.matmul %select_n3A, %get3A_70, %dot_general3A {dimension_numbers = #tpu.dot_dimension_numbers<[1], [0], [0], [1], [0, 0, 1, 1], [], []>, transpose_lhs_hint = false} : vector<1024x128xf32>, vector<128x128xf32>, vector<1024x128xf32> -> vector<1024x128xf32>
    %get3A_72 = arith.constant 128 : index
    %get3A_73 = arith.constant 0 : index
    %get3A_74 = vector.load %arg7[%get3A_72, %get3A_73] : memref<256x128xf32, #tpu.memory_space<vmem>>, vector<128x128xf32>
    %dot_general3A_75 = arith.constant dense<0.000000e+00> : vector<1024x128xf32>
    %dot_general3A_76 = tpu.matmul %select_n3A_67, %get3A_74, %dot_general3A_75 {dimension_numbers = #tpu.dot_dimension_numbers<[1], [0], [0], [1], [0, 0, 1, 1], [], []>, transpose_lhs_hint = false} : vector<1024x128xf32>, vector<128x128xf32>, vector<1024x128xf32> -> vector<1024x128xf32>
    %add3A_77 = arith.addf %dot_general3A_71, %dot_general3A_76 : vector<1024x128xf32>
    %mul3A_78 = vector.broadcast %rsqrt3A : vector<1024x1xf32> to vector<1024x128xf32>
    %mul3A_79 = arith.mulf %add3A_77, %mul3A_78 : vector<1024x128xf32>
    %swap3A = arith.constant 0 : index
    %swap3A_80 = arith.constant 0 : index
    %swap3A_81 = vector.load %arg8[%swap3A, %swap3A_80] : memref<1024x128xf32, #tpu.memory_space<vmem>>, vector<1024x128xf32>
    tpu.vector_store %arg8[%swap3A, %swap3A_80], %mul3A_79 {strides = array<i32>} : memref<1024x128xf32, #tpu.memory_space<vmem>>, vector<1024x128xf32>,
    return
  }
  func.func @transform_0(%arg0: i32) -> (i32, i32, i32) {
    %c0_i32 = arith.constant 0 : i32
    %c0_i32_0 = arith.constant 0 : i32
    %c0_i32_1 = arith.constant 0 : i32
    return %c0_i32, %arg0, %c0_i32_0 : i32, i32, i32
  }
  func.func @transform_1(%arg0: i32) -> (i32, i32, i32) {
    %c0_i32 = arith.constant 0 : i32
    %c0_i32_0 = arith.constant 0 : i32
    %c0_i32_1 = arith.constant 0 : i32
    return %c0_i32, %arg0, %c0_i32_0 : i32, i32, i32
  }
  func.func @transform_2(%arg0: i32) -> (i32, i32, i32) {
    %c0_i32 = arith.constant 0 : i32
    %c0_i32_0 = arith.constant 0 : i32
    %c0_i32_1 = arith.constant 0 : i32
    return %c0_i32, %arg0, %c0_i32_0 : i32, i32, i32
  }
  func.func @transform_3(%arg0: i32) -> (i32, i32) {
    %c0_i32 = arith.constant 0 : i32
    %c0_i32_0 = arith.constant 0 : i32
    return %arg0, %c0_i32 : i32, i32
  }
  func.func @transform_4(%arg0: i32) -> (i32, i32) {
    %c0_i32 = arith.constant 0 : i32
    %c0_i32_0 = arith.constant 0 : i32
    return %arg0, %c0_i32 : i32, i32
  }
  func.func @transform_5(%arg0: i32) -> (i32, i32) {
    %c0_i32 = arith.constant 0 : i32
    %c0_i32_0 = arith.constant 0 : i32
    %c0_i32_1 = arith.constant 0 : i32
    return %c0_i32, %c0_i32_0 : i32, i32
  }
  func.func @transform_6(%arg0: i32) -> (i32, i32) {
    %c0_i32 = arith.constant 0 : i32
    %c0_i32_0 = arith.constant 0 : i32
    %c0_i32_1 = arith.constant 0 : i32
    return %c0_i32, %c0_i32_0 : i32, i32
  }
  func.func @transform_7(%arg0: i32) -> (i32, i32) {
    %c0_i32 = arith.constant 0 : i32
    %c0_i32_0 = arith.constant 0 : i32
    return %arg0, %c0_i32 : i32, i32
  }
}

module attributes {stable_mosaic.version = 14 : i64} {
  func.func @body(%arg0: i32, %arg1: memref<2x1024x16xf32, #tpu.memory_space<vmem>>, %arg2: memref<2x1024x128xf32, #tpu.memory_space<vmem>>, %arg3: memref<1024x128xf32, #tpu.memory_space<vmem>>, %arg4: memref<1x128xf32, #tpu.memory_space<vmem>>, %arg5: memref<128x64xf32, #tpu.memory_space<vmem>>, %arg6: memref<1024x64xf32, #tpu.memory_space<vmem>>) attributes {dimension_semantics = [#tpu.dimension_semantics<arbitrary>], iteration_bounds = array<i64: 10>, scalar_prefetch = 0 : i64, scratch_operands = 0 : i64, tpu.core_type = #tpu.core_type<tc>, window_params = [{transform_indices = @transform_0, window_bounds = array<i64: 2, 1024, 16>}, {transform_indices = @transform_1, window_bounds = array<i64: 2, 1024, 128>}, {transform_indices = @transform_2, window_bounds = array<i64: 1024, 128>}, {pipeline_mode = #tpu.pipeline_mode<synchronous>, transform_indices = @transform_3, window_bounds = array<i64: 1, 128>}, {pipeline_mode = #tpu.pipeline_mode<synchronous>, transform_indices = @transform_4, window_bounds = array<i64: 128, 64>}, {transform_indices = @transform_5, window_bounds = array<i64: 1024, 64>}]} {
    %get3A = arith.constant 0 : index
    %get3A_0 = arith.constant 0 : index
    %get3A_1 = arith.constant 0 : index
    %get3A_2 = vector.load %arg1[%get3A, %get3A_0, %get3A_1] : memref<2x1024x16xf32, #tpu.memory_space<vmem>>, vector<1x1024x16xf32>
    %get3A_3 = vector.shape_cast %get3A_2 : vector<1x1024x16xf32> to vector<1024x16xf32>
    %slice3A = vector.extract_strided_slice %get3A_3 {offsets = [0, 0], sizes = [1024, 1], strides = [1, 1]} : vector<1024x16xf32> to vector<1024x1xf32>
    %get3A_4 = arith.constant 1 : index
    %get3A_5 = arith.constant 0 : index
    %get3A_6 = arith.constant 0 : index
    %get3A_7 = vector.load %arg1[%get3A_4, %get3A_5, %get3A_6] : memref<2x1024x16xf32, #tpu.memory_space<vmem>>, vector<1x1024x16xf32>
    %get3A_8 = vector.shape_cast %get3A_7 : vector<1x1024x16xf32> to vector<1024x16xf32>
    %slice3A_9 = vector.extract_strided_slice %get3A_8 {offsets = [0, 0], sizes = [1024, 1], strides = [1, 1]} : vector<1024x16xf32> to vector<1024x1xf32>
    %add3A = arith.addf %slice3A, %slice3A_9 : vector<1024x1xf32>
    %add3A_10 = arith.constant 1.000000e+00 : f32
    %add3A_11 = vector.broadcast %add3A_10 : f32 to vector<1024x1xf32>
    %add3A_12 = arith.addf %add3A, %add3A_11 : vector<1024x1xf32>
    %rsqrt3A = math.rsqrt %add3A_12 : vector<1024x1xf32>
    %get3A_13 = arith.constant 0 : index
    %get3A_14 = arith.constant 0 : index
    %get3A_15 = arith.constant 0 : index
    %get3A_16 = vector.load %arg2[%get3A_13, %get3A_14, %get3A_15] : memref<2x1024x128xf32, #tpu.memory_space<vmem>>, vector<1x1024x128xf32>
    %get3A_17 = vector.shape_cast %get3A_16 : vector<1x1024x128xf32> to vector<1024x128xf32>
    %get3A_18 = arith.constant 1 : index
    %get3A_19 = arith.constant 0 : index
    %get3A_20 = arith.constant 0 : index
    %get3A_21 = vector.load %arg2[%get3A_18, %get3A_19, %get3A_20] : memref<2x1024x128xf32, #tpu.memory_space<vmem>>, vector<1x1024x128xf32>
    %get3A_22 = vector.shape_cast %get3A_21 : vector<1x1024x128xf32> to vector<1024x128xf32>
    %add3A_23 = arith.addf %get3A_17, %get3A_22 : vector<1024x128xf32>
    %get3A_24 = arith.constant 0 : index
    %get3A_25 = arith.constant 0 : index
    %get3A_26 = vector.load %arg3[%get3A_24, %get3A_25] : memref<1024x128xf32, #tpu.memory_space<vmem>>, vector<1024x128xf32>
    %add3A_27 = arith.addf %add3A_23, %get3A_26 : vector<1024x128xf32>
    %mul3A = vector.broadcast %rsqrt3A : vector<1024x1xf32> to vector<1024x128xf32>
    %mul3A_28 = arith.mulf %add3A_27, %mul3A : vector<1024x128xf32>
    %get3A_29 = arith.constant 0 : index
    %get3A_30 = arith.constant 0 : index
    %get3A_31 = vector.load %arg4[%get3A_29, %get3A_30] : memref<1x128xf32, #tpu.memory_space<vmem>>, vector<1x128xf32>
    %add3A_32 = vector.broadcast %get3A_31 : vector<1x128xf32> to vector<1024x128xf32>
    %add3A_33 = arith.addf %mul3A_28, %add3A_32 : vector<1024x128xf32>
    %ge3A = arith.constant 0.000000e+00 : f32
    %ge3A_34 = vector.broadcast %ge3A : f32 to vector<1024x128xf32>
    %ge3A_35 = arith.cmpf oge, %add3A_33, %ge3A_34 : vector<1024x128xf32>
    %mul3A_36 = arith.constant 0.00999999977 : f32
    %mul3A_37 = vector.broadcast %mul3A_36 : f32 to vector<1024x128xf32>
    %mul3A_38 = arith.mulf %mul3A_37, %add3A_33 : vector<1024x128xf32>
    %select_n3A = arith.select %ge3A_35, %add3A_33, %mul3A_38 : vector<1024x128xi1>, vector<1024x128xf32>
    %get3A_39 = arith.constant 0 : index
    %get3A_40 = arith.constant 0 : index
    %get3A_41 = vector.load %arg5[%get3A_39, %get3A_40] : memref<128x64xf32, #tpu.memory_space<vmem>>, vector<128x64xf32>
    %dot_general3A = arith.constant dense<0.000000e+00> : vector<1024x64xf32>
    %dot_general3A_42 = tpu.matmul %select_n3A, %get3A_41, %dot_general3A {dimension_numbers = #tpu.dot_dimension_numbers<[1], [0], [0], [1], [0, 0, 1, 1], [], []>, transpose_lhs_hint = false} : vector<1024x128xf32>, vector<128x64xf32>, vector<1024x64xf32> -> vector<1024x64xf32>
    %mul3A_43 = vector.broadcast %rsqrt3A : vector<1024x1xf32> to vector<1024x64xf32>
    %mul3A_44 = arith.mulf %dot_general3A_42, %mul3A_43 : vector<1024x64xf32>
    %swap3A = arith.constant 0 : index
    %swap3A_45 = arith.constant 0 : index
    %swap3A_46 = vector.load %arg6[%swap3A, %swap3A_45] : memref<1024x64xf32, #tpu.memory_space<vmem>>, vector<1024x64xf32>
    tpu.vector_store %arg6[%swap3A, %swap3A_45], %mul3A_44 {strides = array<i32>} : memref<1024x64xf32, #tpu.memory_space<vmem>>, vector<1024x64xf32>,
    return
  }
  func.func @transform_0(%arg0: i32) -> (i32, i32, i32) {
    %c0_i32 = arith.constant 0 : i32
    %c0_i32_0 = arith.constant 0 : i32
    %c0_i32_1 = arith.constant 0 : i32
    return %c0_i32, %arg0, %c0_i32_0 : i32, i32, i32
  }
  func.func @transform_1(%arg0: i32) -> (i32, i32, i32) {
    %c0_i32 = arith.constant 0 : i32
    %c0_i32_0 = arith.constant 0 : i32
    %c0_i32_1 = arith.constant 0 : i32
    return %c0_i32, %arg0, %c0_i32_0 : i32, i32, i32
  }
  func.func @transform_2(%arg0: i32) -> (i32, i32) {
    %c0_i32 = arith.constant 0 : i32
    %c0_i32_0 = arith.constant 0 : i32
    return %arg0, %c0_i32 : i32, i32
  }
  func.func @transform_3(%arg0: i32) -> (i32, i32) {
    %c0_i32 = arith.constant 0 : i32
    %c0_i32_0 = arith.constant 0 : i32
    %c0_i32_1 = arith.constant 0 : i32
    return %c0_i32, %c0_i32_0 : i32, i32
  }
  func.func @transform_4(%arg0: i32) -> (i32, i32) {
    %c0_i32 = arith.constant 0 : i32
    %c0_i32_0 = arith.constant 0 : i32
    %c0_i32_1 = arith.constant 0 : i32
    return %c0_i32, %c0_i32_0 : i32, i32
  }
  func.func @transform_5(%arg0: i32) -> (i32, i32) {
    %c0_i32 = arith.constant 0 : i32
    %c0_i32_0 = arith.constant 0 : i32
    return %arg0, %c0_i32 : i32, i32
  }
}

module attributes {stable_mosaic.version = 14 : i64} {
  func.func @body(%arg0: i32, %arg1: memref<2x1024x16xf32, #tpu.memory_space<vmem>>, %arg2: memref<2x1024x64xf32, #tpu.memory_space<vmem>>, %arg3: memref<1024x64xf32, #tpu.memory_space<vmem>>, %arg4: memref<1x64xf32, #tpu.memory_space<vmem>>, %arg5: memref<64x128xf32, #tpu.memory_space<vmem>>, %arg6: memref<1x128xf32, #tpu.memory_space<vmem>>, %arg7: memref<128x256xf32, #tpu.memory_space<vmem>>, %arg8: memref<1x256xf32, #tpu.memory_space<vmem>>, %arg9: memref<256x256xf32, #tpu.memory_space<vmem>>, %arg10: memref<1x256xf32, #tpu.memory_space<vmem>>, %arg11: memref<1024x64xf32, #tpu.memory_space<vmem>>, %arg12: memref<1024x256xf32, #tpu.memory_space<vmem>>) attributes {dimension_semantics = [#tpu.dimension_semantics<arbitrary>], iteration_bounds = array<i64: 10>, scalar_prefetch = 0 : i64, scratch_operands = 0 : i64, tpu.core_type = #tpu.core_type<tc>, window_params = [{transform_indices = @transform_0, window_bounds = array<i64: 2, 1024, 16>}, {transform_indices = @transform_1, window_bounds = array<i64: 2, 1024, 64>}, {transform_indices = @transform_2, window_bounds = array<i64: 1024, 64>}, {pipeline_mode = #tpu.pipeline_mode<synchronous>, transform_indices = @transform_3, window_bounds = array<i64: 1, 64>}, {pipeline_mode = #tpu.pipeline_mode<synchronous>, transform_indices = @transform_4, window_bounds = array<i64: 64, 128>}, {pipeline_mode = #tpu.pipeline_mode<synchronous>, transform_indices = @transform_5, window_bounds = array<i64: 1, 128>}, {pipeline_mode = #tpu.pipeline_mode<synchronous>, transform_indices = @transform_6, window_bounds = array<i64: 128, 256>}, {pipeline_mode = #tpu.pipeline_mode<synchronous>, transform_indices = @transform_7, window_bounds = array<i64: 1, 256>}, {pipeline_mode = #tpu.pipeline_mode<synchronous>, transform_indices = @transform_8, window_bounds = array<i64: 256, 256>}, {pipeline_mode = #tpu.pipeline_mode<synchronous>, transform_indices = @transform_9, window_bounds = array<i64: 1, 256>}, {transform_indices = @transform_10, window_bounds = array<i64: 1024, 64>}, {transform_indices = @transform_11, window_bounds = array<i64: 1024, 256>}]} {
    %get3A = arith.constant 0 : index
    %get3A_0 = arith.constant 0 : index
    %get3A_1 = arith.constant 0 : index
    %get3A_2 = vector.load %arg1[%get3A, %get3A_0, %get3A_1] : memref<2x1024x16xf32, #tpu.memory_space<vmem>>, vector<1x1024x16xf32>
    %get3A_3 = vector.shape_cast %get3A_2 : vector<1x1024x16xf32> to vector<1024x16xf32>
    %slice3A = vector.extract_strided_slice %get3A_3 {offsets = [0, 0], sizes = [1024, 1], strides = [1, 1]} : vector<1024x16xf32> to vector<1024x1xf32>
    %get3A_4 = arith.constant 1 : index
    %get3A_5 = arith.constant 0 : index
    %get3A_6 = arith.constant 0 : index
    %get3A_7 = vector.load %arg1[%get3A_4, %get3A_5, %get3A_6] : memref<2x1024x16xf32, #tpu.memory_space<vmem>>, vector<1x1024x16xf32>
    %get3A_8 = vector.shape_cast %get3A_7 : vector<1x1024x16xf32> to vector<1024x16xf32>
    %slice3A_9 = vector.extract_strided_slice %get3A_8 {offsets = [0, 0], sizes = [1024, 1], strides = [1, 1]} : vector<1024x16xf32> to vector<1024x1xf32>
    %add3A = arith.addf %slice3A, %slice3A_9 : vector<1024x1xf32>
    %add3A_10 = arith.constant 1.000000e+00 : f32
    %add3A_11 = vector.broadcast %add3A_10 : f32 to vector<1024x1xf32>
    %add3A_12 = arith.addf %add3A, %add3A_11 : vector<1024x1xf32>
    %rsqrt3A = math.rsqrt %add3A_12 : vector<1024x1xf32>
    %get3A_13 = arith.constant 0 : index
    %get3A_14 = arith.constant 0 : index
    %get3A_15 = arith.constant 0 : index
    %get3A_16 = vector.load %arg2[%get3A_13, %get3A_14, %get3A_15] : memref<2x1024x64xf32, #tpu.memory_space<vmem>>, vector<1x1024x64xf32>
    %get3A_17 = vector.shape_cast %get3A_16 : vector<1x1024x64xf32> to vector<1024x64xf32>
    %get3A_18 = arith.constant 1 : index
    %get3A_19 = arith.constant 0 : index
    %get3A_20 = arith.constant 0 : index
    %get3A_21 = vector.load %arg2[%get3A_18, %get3A_19, %get3A_20] : memref<2x1024x64xf32, #tpu.memory_space<vmem>>, vector<1x1024x64xf32>
    %get3A_22 = vector.shape_cast %get3A_21 : vector<1x1024x64xf32> to vector<1024x64xf32>
    %add3A_23 = arith.addf %get3A_17, %get3A_22 : vector<1024x64xf32>
    %get3A_24 = arith.constant 0 : index
    %get3A_25 = arith.constant 0 : index
    %get3A_26 = vector.load %arg3[%get3A_24, %get3A_25] : memref<1024x64xf32, #tpu.memory_space<vmem>>, vector<1024x64xf32>
    %add3A_27 = arith.addf %add3A_23, %get3A_26 : vector<1024x64xf32>
    %mul3A = vector.broadcast %rsqrt3A : vector<1024x1xf32> to vector<1024x64xf32>
    %mul3A_28 = arith.mulf %add3A_27, %mul3A : vector<1024x64xf32>
    %get3A_29 = arith.constant 0 : index
    %get3A_30 = arith.constant 0 : index
    %get3A_31 = vector.load %arg4[%get3A_29, %get3A_30] : memref<1x64xf32, #tpu.memory_space<vmem>>, vector<1x64xf32>
    %add3A_32 = vector.broadcast %get3A_31 : vector<1x64xf32> to vector<1024x64xf32>
    %add3A_33 = arith.addf %mul3A_28, %add3A_32 : vector<1024x64xf32>
    %swap3A = arith.constant 0 : index
    %swap3A_34 = arith.constant 0 : index
    %swap3A_35 = vector.load %arg11[%swap3A, %swap3A_34] : memref<1024x64xf32, #tpu.memory_space<vmem>>, vector<1024x64xf32>
    tpu.vector_store %arg11[%swap3A, %swap3A_34], %add3A_33 {strides = array<i32>} : memref<1024x64xf32, #tpu.memory_space<vmem>>, vector<1024x64xf32>,
    %get3A_36 = arith.constant 0 : index
    %get3A_37 = arith.constant 0 : index
    %get3A_38 = vector.load %arg5[%get3A_36, %get3A_37] : memref<64x128xf32, #tpu.memory_space<vmem>>, vector<64x128xf32>
    %dot_general3A = arith.constant dense<0.000000e+00> : vector<1024x128xf32>
    %dot_general3A_39 = tpu.matmul %add3A_33, %get3A_38, %dot_general3A {dimension_numbers = #tpu.dot_dimension_numbers<[1], [0], [0], [1], [0, 0, 1, 1], [], []>, transpose_lhs_hint = false} : vector<1024x64xf32>, vector<64x128xf32>, vector<1024x128xf32> -> vector<1024x128xf32>
    %get3A_40 = arith.constant 0 : index
    %get3A_41 = arith.constant 0 : index
    %get3A_42 = vector.load %arg6[%get3A_40, %get3A_41] : memref<1x128xf32, #tpu.memory_space<vmem>>, vector<1x128xf32>
    %add3A_43 = vector.broadcast %get3A_42 : vector<1x128xf32> to vector<1024x128xf32>
    %add3A_44 = arith.addf %dot_general3A_39, %add3A_43 : vector<1024x128xf32>
    %ge3A = arith.constant 0.000000e+00 : f32
    %ge3A_45 = vector.broadcast %ge3A : f32 to vector<1024x128xf32>
    %ge3A_46 = arith.cmpf oge, %add3A_44, %ge3A_45 : vector<1024x128xf32>
    %mul3A_47 = arith.constant 0.00999999977 : f32
    %mul3A_48 = vector.broadcast %mul3A_47 : f32 to vector<1024x128xf32>
    %mul3A_49 = arith.mulf %mul3A_48, %add3A_44 : vector<1024x128xf32>
    %select_n3A = arith.select %ge3A_46, %add3A_44, %mul3A_49 : vector<1024x128xi1>, vector<1024x128xf32>
    %get3A_50 = arith.constant 0 : index
    %get3A_51 = arith.constant 0 : index
    %get3A_52 = vector.load %arg7[%get3A_50, %get3A_51] : memref<128x256xf32, #tpu.memory_space<vmem>>, vector<128x256xf32>
    %dot_general3A_53 = arith.constant dense<0.000000e+00> : vector<1024x256xf32>
    %dot_general3A_54 = tpu.matmul %select_n3A, %get3A_52, %dot_general3A_53 {dimension_numbers = #tpu.dot_dimension_numbers<[1], [0], [0], [1], [0, 0, 1, 1], [], []>, transpose_lhs_hint = false} : vector<1024x128xf32>, vector<128x256xf32>, vector<1024x256xf32> -> vector<1024x256xf32>
    %get3A_55 = arith.constant 0 : index
    %get3A_56 = arith.constant 0 : index
    %get3A_57 = vector.load %arg8[%get3A_55, %get3A_56] : memref<1x256xf32, #tpu.memory_space<vmem>>, vector<1x256xf32>
    %add3A_58 = vector.broadcast %get3A_57 : vector<1x256xf32> to vector<1024x256xf32>
    %add3A_59 = arith.addf %dot_general3A_54, %add3A_58 : vector<1024x256xf32>
    %ge3A_60 = arith.constant 0.000000e+00 : f32
    %ge3A_61 = vector.broadcast %ge3A_60 : f32 to vector<1024x256xf32>
    %ge3A_62 = arith.cmpf oge, %add3A_59, %ge3A_61 : vector<1024x256xf32>
    %mul3A_63 = arith.constant 0.00999999977 : f32
    %mul3A_64 = vector.broadcast %mul3A_63 : f32 to vector<1024x256xf32>
    %mul3A_65 = arith.mulf %mul3A_64, %add3A_59 : vector<1024x256xf32>
    %select_n3A_66 = arith.select %ge3A_62, %add3A_59, %mul3A_65 : vector<1024x256xi1>, vector<1024x256xf32>
    %get3A_67 = arith.constant 0 : index
    %get3A_68 = arith.constant 0 : index
    %get3A_69 = vector.load %arg9[%get3A_67, %get3A_68] : memref<256x256xf32, #tpu.memory_space<vmem>>, vector<256x256xf32>
    %dot_general3A_70 = arith.constant dense<0.000000e+00> : vector<1024x256xf32>
    %dot_general3A_71 = tpu.matmul %select_n3A_66, %get3A_69, %dot_general3A_70 {dimension_numbers = #tpu.dot_dimension_numbers<[1], [0], [0], [1], [0, 0, 1, 1], [], []>, transpose_lhs_hint = false} : vector<1024x256xf32>, vector<256x256xf32>, vector<1024x256xf32> -> vector<1024x256xf32>
    %get3A_72 = arith.constant 0 : index
    %get3A_73 = arith.constant 0 : index
    %get3A_74 = vector.load %arg10[%get3A_72, %get3A_73] : memref<1x256xf32, #tpu.memory_space<vmem>>, vector<1x256xf32>
    %add3A_75 = vector.broadcast %get3A_74 : vector<1x256xf32> to vector<1024x256xf32>
    %add3A_76 = arith.addf %dot_general3A_71, %add3A_75 : vector<1024x256xf32>
    %swap3A_77 = arith.constant 0 : index
    %swap3A_78 = arith.constant 0 : index
    %swap3A_79 = vector.load %arg12[%swap3A_77, %swap3A_78] : memref<1024x256xf32, #tpu.memory_space<vmem>>, vector<1024x256xf32>
    tpu.vector_store %arg12[%swap3A_77, %swap3A_78], %add3A_76 {strides = array<i32>} : memref<1024x256xf32, #tpu.memory_space<vmem>>, vector<1024x256xf32>,
    return
  }
  func.func @transform_0(%arg0: i32) -> (i32, i32, i32) {
    %c0_i32 = arith.constant 0 : i32
    %c0_i32_0 = arith.constant 0 : i32
    %c0_i32_1 = arith.constant 0 : i32
    return %c0_i32, %arg0, %c0_i32_0 : i32, i32, i32
  }
  func.func @transform_1(%arg0: i32) -> (i32, i32, i32) {
    %c0_i32 = arith.constant 0 : i32
    %c0_i32_0 = arith.constant 0 : i32
    %c0_i32_1 = arith.constant 0 : i32
    return %c0_i32, %arg0, %c0_i32_0 : i32, i32, i32
  }
  func.func @transform_2(%arg0: i32) -> (i32, i32) {
    %c0_i32 = arith.constant 0 : i32
    %c0_i32_0 = arith.constant 0 : i32
    return %arg0, %c0_i32 : i32, i32
  }
  func.func @transform_3(%arg0: i32) -> (i32, i32) {
    %c0_i32 = arith.constant 0 : i32
    %c0_i32_0 = arith.constant 0 : i32
    %c0_i32_1 = arith.constant 0 : i32
    return %c0_i32, %c0_i32_0 : i32, i32
  }
  func.func @transform_4(%arg0: i32) -> (i32, i32) {
    %c0_i32 = arith.constant 0 : i32
    %c0_i32_0 = arith.constant 0 : i32
    %c0_i32_1 = arith.constant 0 : i32
    return %c0_i32, %c0_i32_0 : i32, i32
  }
  func.func @transform_5(%arg0: i32) -> (i32, i32) {
    %c0_i32 = arith.constant 0 : i32
    %c0_i32_0 = arith.constant 0 : i32
    %c0_i32_1 = arith.constant 0 : i32
    return %c0_i32, %c0_i32_0 : i32, i32
  }
  func.func @transform_6(%arg0: i32) -> (i32, i32) {
    %c0_i32 = arith.constant 0 : i32
    %c0_i32_0 = arith.constant 0 : i32
    %c0_i32_1 = arith.constant 0 : i32
    return %c0_i32, %c0_i32_0 : i32, i32
  }
  func.func @transform_7(%arg0: i32) -> (i32, i32) {
    %c0_i32 = arith.constant 0 : i32
    %c0_i32_0 = arith.constant 0 : i32
    %c0_i32_1 = arith.constant 0 : i32
    return %c0_i32, %c0_i32_0 : i32, i32
  }
  func.func @transform_8(%arg0: i32) -> (i32, i32) {
    %c0_i32 = arith.constant 0 : i32
    %c0_i32_0 = arith.constant 0 : i32
    %c0_i32_1 = arith.constant 0 : i32
    return %c0_i32, %c0_i32_0 : i32, i32
  }
  func.func @transform_9(%arg0: i32) -> (i32, i32) {
    %c0_i32 = arith.constant 0 : i32
    %c0_i32_0 = arith.constant 0 : i32
    %c0_i32_1 = arith.constant 0 : i32
    return %c0_i32, %c0_i32_0 : i32, i32
  }
  func.func @transform_10(%arg0: i32) -> (i32, i32) {
    %c0_i32 = arith.constant 0 : i32
    %c0_i32_0 = arith.constant 0 : i32
    return %arg0, %c0_i32 : i32, i32
  }
  func.func @transform_11(%arg0: i32) -> (i32, i32) {
    %c0_i32 = arith.constant 0 : i32
    %c0_i32_0 = arith.constant 0 : i32
    return %arg0, %c0_i32 : i32, i32
  }
}

</mosaic_0001>

<sc_bundles>
// kernel: kernel.11.cloned.1.call-start
scs
__scs_entry_jumppad:
0x0: {  	(pc) =	sbr.rel $0x88, $3  }
0x1: {  	(tag) =	ssettag $0x0;
	lr =	simm.s32 $0x1  }
0x2: {  	[smem:$0x3F93] =	sst lr;
	_ =	strace $0xD0000000  }
0x3: {  	_ = 	snop  }
0x4: {  	_ = 	snop  }
0x5: {  	_ = 	snop  }
0x6: {  	_ = 	snop  }
0x7: {  	_ = 	snop  }
__scs_overlays_trampoline_lowered:
0x8: {  	[smem:$0x3FA2] =	sst s0  }
0x9: {  	[smem:$0x3FA3] =	sst s1  }
0xa: {  	[smem:$0x3FA4] =	sst s2  }
0xb: {  	[smem:$0x3FA5] =	sst s3  }
0xc: {  	[smem:$0x3FA6] =	sst s4  }
0xd: {  	[smem:$0x3FA7] =	sst s5  }
0xe: {  	[smem:$0x3FA8] =	sst s6  }
0xf: {  	[smem:$0x3FA9] =	sst s7  }
0x10: {  	[smem:$0x3FAA] =	sst s8  }
0x11: {  	[smem:$0x3FAB] =	sst s9;
	s0 =	simm.s32 @!p0 $0x0  }
0x12: {  	s1 =	sld [smem:$0x3F91];
	s0 =	simm.s32 @p0 $0x1  }
0x13: {  	[smem:$0x3FAC] =	sst s0;
	s0 =	simm.s32 @!p1 $0x0  }
0x14: {  	s2 =	sld [smem:$0x3F90];
	s0 =	simm.s32 @p1 $0x1  }
0x15: {  	[smem:$0x3FAD] =	sst s0;
	s0 =	simm.s32 @!p2 $0x0  }
0x16: {  	s3 =	sld [smem:$0x3FDB];
	s0 =	simm.s32 @p2 $0x1  }
0x17: {  	s4 =	simm.s32 $0x1BF5;
	[smem:$0x3FAF] =	sst s0  }
0x18: {  	s0 =	sld [smem:$0x3F92];
	_ =	swait.ge [sflag:s4], $0x0  }
0x19: {  	s7 =	sld [smem:$0x3F93]  }
0x1a: {  	s8 =	sadd.s32 $0xFFFFE003, lr  }
0x1b: {  	s9 =	sadd.s32 $0xFFFFFEF7, lr;
	s5 =	simm.s32 $0xFFFFFFFF;
	p2 =	slt.u32 s8, $0xFFFFF086  }
0x1c: {  	p1 =	slt.u32 s9, $0xF7A;
	s5 =	simm.s32 @!p2 $0x0  }
0x1d: {  	s5 =	simm.s32 @p1 $0x1;
	p0 =	seq.s32 s7, s2  }
0x1e: {  	s7 =	smul.u32 @!p0 $0xF7A, s2;
	p2 =	seq.s32 @!p0 s5, $0x0  }
0x1f: {  	s9 =	smul.u32 $0xF7A, s1;
	s8 =	simm.s32 @!p0 $0x1BF5;
	p2 =	por !p2, p0  }
0x20: {  	[sflag:s8] =	ssyncset.s32 @!p0 $0xFFFFF086;
	s6 =	sadd.s32 @!p0 s3, s7;
	s7 =	simm.s32 @!p0 $0x108  }
0x21: {  	s3 =	sadd.s32 s3, s9;
	s6 =	sadd.s32 @!p0 $0x88, s6;
	s7 =	simm.s32 @p2 $0x1082  }
0x22: {  	[simem:s7], [sflag:s8] =	dma.local @!p0 [hbm:s6], $0xF7A  }
0x23: {  	s9 =	sor.u32 $0xD0000000, s2;
	s6 =	simm.s32 $0x108;
	_ =	swait.ge @!p0 [sflag:s8], $0x0  }
0x24: {  	s3 =	sadd.s32 $0x88, s3;
	s6 =	simm.s32 @!p1 $0x1082;
	[sflag:s4] =	ssyncset.s32 $0xFFFFF086  }
0x25: {  	[simem:s6], [sflag:s4] =	dma.local [hbm:s3], $0xF7A  }
0x26: {  	[smem:$0x3F93] =	sst s1;
	(tag) =	ssettag s2;
	_ =	strace s9  }
0x27: {  	s1 =	sld [smem:$0x3FA3]  }
0x28: {  	s2 =	sld [smem:$0x3FA4]  }
0x29: {  	s4 =	sld [smem:$0x3FA6]  }
0x2a: {  	p0 =	seq.s32 s5, $0x0;
	s5 =	sld [smem:$0x3FA7]  }
0x2b: {  	s6 =	sld [smem:$0x3FA8]  }
0x2c: {  	s7 =	sld [smem:$0x3FA9]  }
0x2d: {  	s3 =	simm.s32 $0x108;
	s8 =	sld [smem:$0x3FAA]  }
0x2e: {  	s3 =	simm.s32 @!p0 $0x1082;
	s9 =	sld [smem:$0x3FAB]  }
0x2f: {  	lr =	sadd.s32 s0, s3;
	s0 =	sld [smem:$0x3FA2]  }
0x30: {  	s3 =	sld [smem:$0x3FA5]  }
0x31: {  	[smem:$0x3FAE] =	sst s10  }
0x32: {  	s10 =	sld [smem:$0x3FAC];
	_ =	sdelay $0x3  }
0x33: {  	p0 =	seq.s32 s10, $0x1;
	s10 =	sld [smem:$0x3FAE];
	_ =	sdelay $0x3  }
0x34: {  	[smem:$0x3FAE] =	sst s10  }
0x35: {  	s10 =	sld [smem:$0x3FAD];
	_ =	sdelay $0x3  }
0x36: {  	p1 =	seq.s32 s10, $0x1;
	s10 =	sld [smem:$0x3FAE];
	_ =	sdelay $0x3  }
0x37: {  	[smem:$0x3FAE] =	sst s10  }
0x38: {  	s10 =	sld [smem:$0x3FAF]  }
0x39: {  	_ = 	snop;
	(pc) =	sbr.ind lr, $3  }
0x3a: {  	_ = 	snop  }
0x3b: {  	_ = 	snop  }
0x3c: {  	p2 =	seq.s32 s10, $0x1;
	s10 =	sld [smem:$0x3FAE]  }
0x3d: {  	_ =	shalt  }
0x3e: {  	_ =	shalt  }
0x3f: {  	_ =	shalt  }
0x40: {  	_ =	shalt  }
0x41: {  	_ =	shalt  }
0x42: {  	_ =	shalt  }
0x43: {  	_ =	shalt  }
0x44: {  	_ =	shalt  }
0x45: {  	_ =	shalt  }
0x46: {  	_ =	shalt  }
0x47: {  	_ =	shalt  }
0x48: {  	_ =	shalt  }
0x49: {  	_ =	shalt  }
0x4a: {  	_ =	shalt  }
0x4b: {  	_ =	shalt  }
0x4c: {  	_ =	shalt  }
0x4d: {  	_ =	shalt  }
0x4e: {  	_ =	shalt  }
0x4f: {  	_ =	shalt  }
0x50: {  	_ =	shalt  }
0x51: {  	_ =	shalt  }
0x52: {  	_ =	shalt  }
0x53: {  	_ =	shalt  }
0x54: {  	_ =	shalt  }
0x55: {  	_ =	shalt  }
0x56: {  	_ =	shalt  }
0x57: {  	_ =	shalt  }
0x58: {  	_ =	shalt  }
0x59: {  	_ =	shalt  }
0x5a: {  	_ =	shalt  }
0x5b: {  	_ =	shalt  }
0x5c: {  	_ =	shalt  }
0x5d: {  	_ =	shalt  }
0x5e: {  	_ =	shalt  }
0x5f: {  	_ =	shalt  }
0x60: {  	_ =	shalt  }
0x61: {  	_ =	shalt  }
0x62: {  	_ =	shalt  }
0x63: {  	_ =	shalt  }
0x64: {  	_ =	shalt  }
0x65: {  	_ =	shalt  }
0x66: {  	_ =	shalt  }
0x67: {  	_ =	shalt  }
0x68: {  	_ =	shalt  }
0x69: {  	_ =	shalt  }
0x6a: {  	_ =	shalt  }
0x6b: {  	_ =	shalt  }
0x6c: {  	_ =	shalt  }
0x6d: {  	_ =	shalt  }
0x6e: {  	_ =	shalt  }
0x6f: {  	_ =	shalt  }
0x70: {  	_ =	shalt  }
0x71: {  	_ =	shalt  }
0x72: {  	_ =	shalt  }
0x73: {  	_ =	shalt  }
0x74: {  	_ =	shalt  }
0x75: {  	_ =	shalt  }
0x76: {  	_ =	shalt  }
0x77: {  	_ =	shalt  }
0x78: {  	_ =	shalt  }
0x79: {  	_ =	shalt  }
0x7a: {  	_ =	shalt  }
0x7b: {  	_ =	shalt  }
0x7c: {  	_ =	shalt  }
0x7d: {  	_ =	shalt  }
0x7e: {  	_ =	shalt  }
0x7f: {  	_ =	shalt  }
0x80: {  	_ =	shalt  }
0x81: {  	_ =	shalt  }
0x82: {  	_ =	shalt  }
0x83: {  	_ =	shalt  }
0x84: {  	_ =	shalt  }
0x85: {  	_ =	shalt  }
0x86: {  	_ =	shalt  }
0x87: {  	_ =	shalt  }
.Lfunc_end0:
.L_simem_size_0:
called_computation_lowered:
.L_overlay_start_0:
0x88: {  	s2 =	sld [smem:$0x3FD9]  }
0x89: {  	s3 =	sld [smem:$0x3FFE];
	_ =	sdelay $0x1  }
0x8a: {  	s1 =	srdreg.scid  }
0x8b: {  	s0 =	sand.u32 $0x1, s1  }
0x8c: {  	s14 =	sshll.u32 s0, $0xA;
	s2 =	sadd.s32 s3, s2  }
0x8d: {  	s2 =	sadd.s32 s2, s14  }
0x8e: {  	[smem:$0x3FBA] =	sst s2  }
0x8f: {  	_ = 	snop  }
0x90: {  	s2 =	sld [smem:$0x3FD0];
	_ =	sdelay $0x2  }
0x91: {  	s15 =	simm.s32 $0xB;
	s4 =	simm.s32 $0x10  }
0x92: {  	[smem:s4], [sflag:s15] =	dma.local [hbm:s2], $0x1  }
0x93: {  	_ =	swait.eq [sflag:s15], $0x1  }
0x94: {  	[sflag:s15] =	ssyncset.done $0x0  }
0x95: {  	s16 =	sld [smem:$0x10];
	[sflag:s15] =	ssyncadd.s32 $0xFFFFFFFF  }
0x96: {  	s17 =	sld [smem:$0x11];
	(tm) =	ssettm $0x1  }
0x97: {  	s18 =	sld [smem:$0x3FFB];
	_ =	sdelay $0x3  }
0x98: {  	_ =	strace s18  }
0x99: {  	s4 =	sld [smem:$0x3FFC];
	_ =	sdelay $0x3  }
0x9a: {  	_ =	strace s4  }
0x9b: {  	s4 =	sld [smem:$0x3FFD];
	_ =	sdelay $0x3  }
0x9c: {  	_ =	strace s4  }
0x9d: {  	_ =	strace $0x8FFFFFFF  }
0x9e: {  	s19 =	sld [smem:$0x3FDB];
	_ =	sdelay $0x1  }
0x9f: {  	s5 =	simm.s32 $_scs_section_size  }
0xa0: {  	s6 =	simm.s32 $_size__tile_overlayer_lowered;
	s7 =	simm.s32 $_tile_overlayer_lowered  }
0xa1: {  	s22 =	simm.s32 $0x1BFF;
	s21 =	sshll.u32 s7, $0x1;
	s4 =	sadd.s32 s5, s19  }
0xa2: {  	s8 =	simm.s32 $0x0;
	s20 =	sshll.u32 s6, $0x1;
	s6 =	sadd.s32 s21, s4  }
0xa3: {  	[timem:s8], [sflag:s22] =	dma.local [hbm:s6], s20  }
0xa4: {  	_ =	swait.ge [sflag:s22], s20  }
0xa5: {  	s5 =	ssub.s32 $0x0, s20;
	[sflag:s22] =	ssyncset.done $0x0  }
0xa6: {  	[sflag:s22] =	ssyncadd.s32 s5;
	_ =	sdelay $0x1  }
0xa7: {  	s23 =	simm.s32 $0x1B8B  }
0xa8: {  	_ =	swait.ge [sflag:s23], $0x1  }
0xa9: {  	[sflag:s23] =	ssyncset.done $0x0  }
0xaa: {  	s25 =	simm.s32 $0x1B8E;
	s24 =	sld [smem:$0x3FFE];
	[sflag:s23] =	ssyncadd.s32 $0xFFFFFFFF  }
0xab: {  	s26 =	simm.s32 $execute0_lowered;
	[smem:$0x3FD2] =	sst s25  }
0xac: {  	s6 =	sshll.u32 s26, $0x1;
	_ =	strace $0x80000046;
	[dreg:$0x1] =	wrdreg $0xFFFFFFFF  }
0xad: {  	s28 =	simm.s32 $_size_execute0_lowered;
	s4 =	sadd.s32 s4, s6;
	[dreg:$0x0] =	wrdreg $0x0  }
0xae: {  	s6 =	sshll.u32 s28, $0x1;
	[dreg:$0x2] =	wrdreg s4  }
0xaf: {  	[dreg:$0x3] =	wrdreg s6  }
0xb0: {  	[dreg:$0x4] =	wrdreg $0xC0  }
0xb1: {  	_ =	task [dreg:s8], $0x5FFFF  }
0xb2: {  	[dreg:$0x1] =	wrdreg $0xFFFFFFFF  }
0xb3: {  	[dreg:$0x0] =	wrdreg $0x60  }
0xb4: {  	[dreg:$0x2] =	wrdreg s16  }
0xb5: {  	[dreg:$0x3] =	wrdreg s24  }
0xb6: {  	[dreg:$0x4] =	wrdreg s17  }
0xb7: {  	[dreg:$0x5] =	wrdreg $0x38000  }
0xb8: {  	[dreg:$0x6] =	wrdreg $0x9  }
0xb9: {  	_ =	task.clear_ibuf [dreg:s8], $0x7FFFF;
	_ =	strace $0x90000046  }
0xba: {  	s29 =	simm.s32 $0x9;
	_ =	strace $0x80000048  }
0xbb: {  	_ =	swait.ge [sflag:s29], $0x1  }
0xbc: {  	[sflag:s29] =	ssyncadd.s32 $0xFFFFFFFF  }
0xbd: {  	_ =	strace $0x90000048  }
0xbe: {  	_ =	sfence  }
0xbf: {  	s30 =	sld [smem:$0x0];
	_ =	sdelay $0x2  }
0xc0: {  	s31 =	sshll.u32 s1, $0xD;
	s1 =	sshrl.u32 s1, $0x2  }
0xc1: {  	s3 =	sand.u32 $0x4000, s31;
	s1 =	sadd.s32 s1, s30  }
0xc2: {  	s0 =	sor.u32 s3, s0;
	s1 =	sshll.u32 s1, $0x11  }
0xc3: {  	s0 =	sor.u32 s1, s0  }
0xc4: {  	s0 =	sadd.s32 $0x8F2B, s0  }
0xc5: {  	[sflag:s0] =	ssyncadd.remote.s32 $0x1  }
0xc6: {  	_ =	sfence.sel $0xFFFF  }
0xc7: {  	[dreg:$0x0] =	wrdreg $0xFFFFFFFF;
	(pc) =	sbr.abs _section_cstart, $3  }
0xc8: {  	[dreg:$0x1] =	wrdreg $0xFFFFFFFF  }
0xc9: {  	_ =	task.clear_ibuf [dreg:s8], $0x2FFFF;
	_ =	strace $0x9FFFFFFF  }
0xca: {  	(tm) =	ssettm $0x7FFFFFFF  }
0xcb: {  	_ =	shalt  }
tec
execute0_lowered:
.L_overlay_start_1:
0x0: {  	(tag) =	ssettag $0x1  }
0x1: {  	s0 =	rddreg [dreg:$0x0]  }
0x2: {  	s5 =	rddreg [dreg:$0x1]  }
0x3: {  	s8 =	rddreg [dreg:$0x2];
	s1 =	srdreg.scid  }
0x4: {  	s3 =	rddreg [dreg:$0x3];
	s2 =	stileid.u32  }
0x5: {  	s4 =	simm.s32 $0x0;
	s14 =	simm.s32 $0x80;
	s15 =	simm.s32 $0x2800  }
0x6: {  	s16 =	simm.s32 $0x3000;
	s17 =	simm.s32 $0x1;
	s18 =	simm.s32 $0x2  }
0x7: {  	s19 =	simm.s32 $0x1380;
	s20 =	simm.s32 $0x2700;
	s9 =	smul.u32 $0x28, s2  }
0x8: {  	s21 =	simm.s32 $0x2780;
	s22 =	simm.s32 $0x0;
	s10 =	smul.u32 $0x2800, s2  }
0x9: {  	s6 =	sand.u32 $0x1, s1;
	s1 =	rddreg [dreg:$0x4];
	s12 =	smul.u32 $0xA000, s2  }
0xa: {  	[smem:$0x7FF] =	sst s4;
	s31 =	sshll.u32 s2, $0x6;
	s7 =	smul.u32 $0x280, s6  }
0xb: {  	_ =	strace $0x80000047;
	s29 =	smul.u32 $0x28000, s6;
	s6 =	ssub.s32 $0x2, s6  }
0xc: {  	s11 =	sshrl.u32 s6, $0x1;
	s30 =	sshrl.u32 s12, $0x2;
	s12 =	sor.u32 $0x1C03, s31  }
0xd: {  	s7 =	sadd.s32 s9, s7;
	s11 =	ssub.s32 s6, s11;
	s9 =	sadd.s32 s10, s29  }
0xe: {  	s13 =	sadd.s32 s30, s3;
	s10 =	simm.s32 $0x3;
	s7 =	sshll.u32 s7, $0x4  }
0xf: {  	s9 =	sshrl.u32 s9, $0x3;
	s13 =	sshrl.u32 s13, $0x3;
	s7 =	sadd.s32 s7, s5  }
0x10: {  	s5 =	sadd.s32 $0xEE00, s5;
	s8 =	sadd.s32 s8, s9;
	s9 =	smax.u32 s11, $0x1  }
0x11: {  	s11 =	simm.s32 $0x1400;
	s6 =	sadd.s32 $0x9E00, s7;
	s7 =	sadd.s32 $0x4E00, s7  }
.LBB2_1:
0x12: {  	[tilespmem:s4], [sflag:$0x3] =	stream.linear.gather [hbm4b:s6+s4], $0x1400, $0x38;
	[tilespmem:$0x6000] =	vst v63  }
0x13: {  	_ =	swait.ge [sflag:s10], $0x1400  }
0x14: {  	[sflag:s10] =	ssyncset.done $0x0  }
0x15: {  	[sflag:s10] =	ssyncadd.s32 $0xFFFFEC00  }
0x16: {  	[tilespmem:s11], [sflag:$0x3] =	stream.linear.gather [hbm4b:s7+s4], $0x1400, $0x38;
	[tilespmem:$0x6000] =	vst v63  }
0x17: {  	_ =	swait.ge [sflag:s10], $0x1400  }
0x18: {  	[sflag:s10] =	ssyncset.done $0x0  }
0x19: {  	[sflag:s10] =	ssyncadd.s32 $0xFFFFEC00  }
0x1a: {  	[spmem:s13], [sflag:s12] =	dma.local [hbm:s5], $0x500  }
0x1b: {  	_ =	swait.ge [sflag:s10], $0x500  }
0x1c: {  	[sflag:s10] =	ssyncset.done $0x0  }
0x1d: {  	[sflag:s10] =	ssyncadd.s32 $0xFFFFFB00  }
0x1e: {  	[bflag:$0x0] =	sbarrier.arrive $0xFFFF  }
0x1f: {  	[tilespmem:s15], [sflag:$0x1] =	stream.indirect.gather [hbm4b:s0+s14], $0x10, s4, s14, $0xb8;
	[tilespmem:$0x6000] =	vst v63  }
0x20: {  	s23 =	simm.s32 $0x80  }
0x21: {  	[tilespmem:s16], [sflag:$0x2] =	stream.indirect.gather [hbm4b:s0+s14], $0x10, s23, s14, $0xb8;
	[tilespmem:$0x6000] =	vst v63  }
0x22: {  	_ =	swait.ge [sflag:s17], $0x800  }
0x23: {  	[sflag:s17] =	ssyncset.done $0x0  }
0x24: {  	s29 =	simm.s32 $0x1400;
	[sflag:s17] =	ssyncadd.s32 $0xFFFFF800  }
0x25: {  	[spmem:s3] =	stream.indirect.scatter.add.f32 [tilespmem:s15], [sflag:$0x3], $0x10, s29, s14, $0xb8;
	[tilespmem:$0x6000] =	vst v63  }
0x26: {  	_ =	swait.ge [sflag:s10], $0x800  }
0x27: {  	[sflag:s10] =	ssyncset.done $0x0  }
0x28: {  	s30 =	simm.s32 $0x100;
	[sflag:s10] =	ssyncadd.s32 $0xFFFFF800  }
0x29: {  	[tilespmem:s15], [sflag:$0x1] =	stream.indirect.gather [hbm4b:s0+s14], $0x10, s30, s14, $0xb8;
	[tilespmem:$0x6000] =	vst v63  }
0x2a: {  	_ =	swait.ge [sflag:s18], $0x800  }
0x2b: {  	[sflag:s18] =	ssyncset.done $0x0  }
0x2c: {  	s31 =	simm.s32 $0x1480;
	[sflag:s18] =	ssyncadd.s32 $0xFFFFF800  }
0x2d: {  	[spmem:s3] =	stream.indirect.scatter.add.f32 [tilespmem:s16], [sflag:$0x3], $0x10, s31, s14, $0xb8;
	[tilespmem:$0x6000] =	vst v63  }
0x2e: {  	_ =	swait.ge [sflag:s10], $0x800  }
0x2f: {  	s24 =	simm.s32 $0x800;
	s23 =	simm.s32 $0x100;
	[sflag:s10] =	ssyncset.done $0x0  }
.LBB2_2:
0x30: {  	s25 =	sadd.s32 $0x80, s23  }
0x31: {  	[sflag:s10] =	ssyncadd.s32 $0xFFFFF800;
	s26 =	smov.u32 s24;
	s28 =	sadd.s32 $0x400, s24  }
0x32: {  	[tilespmem:s16], [sflag:$0x2] =	stream.indirect.gather [hbm4b:s0+s14], $0x10, s25, s14, $0xb8;
	[tilespmem:$0x6000] =	vst v63  }
0x33: {  	p0 =	sne.s32 s24, $0x4800;
	_ =	swait.ge [sflag:s17], $0x800  }
0x34: {  	[sflag:s17] =	ssyncset.done $0x0  }
0x35: {  	s24 =	sadd.s32 $0x1400, s23;
	[sflag:s17] =	ssyncadd.s32 $0xFFFFF800  }
0x36: {  	[spmem:s3] =	stream.indirect.scatter.add.f32 [tilespmem:s15], [sflag:$0x3], $0x10, s24, s14, $0xb8;
	[tilespmem:$0x6000] =	vst v63  }
0x37: {  	_ =	swait.ge [sflag:s10], $0x800  }
0x38: {  	[sflag:s10] =	ssyncset.done $0x0  }
0x39: {  	s24 =	sadd.s32 $0x100, s23;
	[sflag:s10] =	ssyncadd.s32 $0xFFFFF800  }
0x3a: {  	[tilespmem:s15], [sflag:$0x1] =	stream.indirect.gather [hbm4b:s0+s14], $0x10, s24, s14, $0xb8;
	[tilespmem:$0x6000] =	vst v63  }
0x3b: {  	_ =	swait.ge [sflag:s18], $0x800  }
.Ltmp0:
0x3c: {  	[sflag:s18] =	ssyncset.done $0x0;
	(pc) =	sbr.rel @p0 .LBB2_2-.Ltmp0, $4  }
0x3d: {  	s23 =	sadd.s32 $0x1480, s23;
	[sflag:s18] =	ssyncadd.s32 $0xFFFFF800  }
0x3e: {  	[spmem:s3] =	stream.indirect.scatter.add.f32 [tilespmem:s16], [sflag:$0x3], $0x10, s23, s14, $0xb8;
	[tilespmem:$0x6000] =	vst v63  }
0x3f: {  	_ =	swait.ge [sflag:s10], $0x800  }
0x40: {  	s24 =	smov.u32 s28;
	s23 =	sshra.s32 s26, $0x2;
	[sflag:s10] =	ssyncset.done $0x0  }
0x41: {  	s24 =	sadd.s32 $0x80, s23;
	[sflag:s10] =	ssyncadd.s32 $0xFFFFF800  }
0x42: {  	[tilespmem:s16], [sflag:$0x2] =	stream.indirect.gather [hbm4b:s0+s14], $0x10, s24, s14, $0xb8;
	[tilespmem:$0x6000] =	vst v63  }
0x43: {  	_ =	swait.ge [sflag:s17], $0x800  }
0x44: {  	[sflag:s17] =	ssyncset.done $0x0  }
0x45: {  	s29 =	sadd.s32 $0x1400, s23;
	[sflag:s17] =	ssyncadd.s32 $0xFFFFF800  }
0x46: {  	[spmem:s3] =	stream.indirect.scatter.add.f32 [tilespmem:s15], [sflag:$0x3], $0x10, s29, s14, $0xb8;
	[tilespmem:$0x6000] =	vst v63  }
0x47: {  	_ =	swait.ge [sflag:s10], $0x800  }
0x48: {  	[sflag:s10] =	ssyncset.done $0x0  }
0x49: {  	s30 =	sadd.s32 $0x100, s23;
	[sflag:s10] =	ssyncadd.s32 $0xFFFFF800  }
0x4a: {  	[tilespmem:s15], [sflag:$0x1] =	stream.indirect.gather [hbm4b:s0+s14], $0x10, s30, s14, $0xb8;
	[tilespmem:$0x6000] =	vst v63  }
0x4b: {  	_ =	swait.ge [sflag:s18], $0x800  }
0x4c: {  	[sflag:s18] =	ssyncset.done $0x0  }
0x4d: {  	s31 =	sadd.s32 $0x1480, s23;
	[sflag:s18] =	ssyncadd.s32 $0xFFFFF800  }
0x4e: {  	[spmem:s3] =	stream.indirect.scatter.add.f32 [tilespmem:s16], [sflag:$0x3], $0x10, s31, s14, $0xb8;
	[tilespmem:$0x6000] =	vst v63  }
0x4f: {  	_ =	swait.ge [sflag:s10], $0x800  }
0x50: {  	[sflag:s10] =	ssyncset.done $0x0  }
0x51: {  	[sflag:s10] =	ssyncadd.s32 $0xFFFFF800  }
0x52: {  	[tilespmem:s16], [sflag:$0x2] =	stream.indirect.gather [hbm4b:s0+s14], $0x10, s19, s14, $0xb8;
	[tilespmem:$0x6000] =	vst v63  }
0x53: {  	_ =	swait.ge [sflag:s17], $0x800  }
0x54: {  	[sflag:s17] =	ssyncset.done $0x0  }
0x55: {  	[sflag:s17] =	ssyncadd.s32 $0xFFFFF800  }
0x56: {  	[spmem:s3] =	stream.indirect.scatter.add.f32 [tilespmem:s15], [sflag:$0x3], $0x10, s20, s14, $0xb8;
	[tilespmem:$0x6000] =	vst v63  }
0x57: {  	_ =	swait.ge [sflag:s10], $0x800  }
0x58: {  	[sflag:s10] =	ssyncset.done $0x0  }
0x59: {  	[sflag:s10] =	ssyncadd.s32 $0xFFFFF800  }
0x5a: {  	_ =	swait.ge [sflag:s18], $0x800  }
0x5b: {  	[sflag:s18] =	ssyncset.done $0x0  }
0x5c: {  	[sflag:s18] =	ssyncadd.s32 $0xFFFFF800  }
0x5d: {  	[spmem:s3] =	stream.indirect.scatter.add.f32 [tilespmem:s16], [sflag:$0x3], $0x10, s21, s14, $0xb8;
	[tilespmem:$0x6000] =	vst v63  }
0x5e: {  	_ =	swait.ge [sflag:s10], $0x800  }
0x5f: {  	s22 =	sadd.s32 $0x1, s22;
	[sflag:s10] =	ssyncset.done $0x0  }
0x60: {  	p0 =	sne.s32 s22, s9;
	[sflag:s10] =	ssyncadd.s32 $0xFFFFF800  }
.Ltmp1:
0x61: {  	[bflag:$0x0] =	sbarrier.arrive $0xFFFF;
	(pc) =	sbr.rel @p0 .LBB2_1-.Ltmp1, $4  }
0x62: {  	[hbm:s8], [sflag:s12] =	dma.local [spmem:s13], $0x500  }
0x63: {  	_ =	swait.ge [sflag:s10], $0x500  }
0x64: {  	[sflag:s10] =	ssyncset.done $0x0  }
0x65: {  	[sflag:s10] =	ssyncadd.s32 $0xFFFFFB00  }
0x66: {  	_ =	sfence.sel $0x180000  }
0x67: {  	[bflag:$0x0] =	sbarrier.arrive $0xFFFF  }
0x68: {  	p0 =	sne.s32 s2, $0x0;
	_ =	strace $0x90000047  }
0x69: {  	s0 =	sadd.s32 @!p0 $0x100000, s1;
	[bflag:$0x2] =	sbarrier.arrive $0xFFFF  }
0x6a: {  	[sflag:s0] =	ssyncadd.tile.s32 @!p0 $0x1;
	_ =	shalt  }
.Lfunc_end2:
_tile_overlayer_lowered:
.L_overlay_start_2:
0x6b: {  	(tag) =	ssettag $0x2  }
0x6c: {  	s0 =	rddreg [dreg:$0x0];
	s2 =	stileid.u32  }
0x6d: {  	s1 =	rddreg [dreg:$0x1];
	p0 =	sne.s32 s2, $0x0  }
0x6e: {  	s3 =	rddreg [dreg:$0x2];
	[bflag:$0x3] =	sbarrier.arrive $0xFFFF;
	s2 =	simm.s32 @!p0 $0x1C03  }
0x6f: {  	[timem:s3], [sflag:s2] =	dma.local @!p0 [hbm:s0], s1  }
0x70: {  	s0 =	simm.s32 @!p0 $0x3  }
0x71: {  	_ =	swait.ge @!p0 [sflag:s0], s1  }
0x72: {  	s1 =	ssub.s32 @!p0 $0x0, s1;
	[sflag:s0] =	ssyncset.done @!p0 $0x0  }
0x73: {  	[sflag:s0] =	ssyncadd.s32 @!p0 s1  }
0x74: {  	[bflag:$0x3] =	sbarrier.arrive $0xFFFF  }
0x75: {  	_ =	shalt  }

// kernel: kernel.14.cloned.1.call-start
scs
__scs_entry_jumppad:
0x0: {  	(pc) =	sbr.rel $0x88, $3  }
0x1: {  	(tag) =	ssettag $0x0;
	lr =	simm.s32 $0x1  }
0x2: {  	[smem:$0x3F93] =	sst lr;
	_ =	strace $0xD0000000  }
0x3: {  	_ = 	snop  }
0x4: {  	_ = 	snop  }
0x5: {  	_ = 	snop  }
0x6: {  	_ = 	snop  }
0x7: {  	_ = 	snop  }
__scs_overlays_trampoline_lowered:
0x8: {  	[smem:$0x3FA2] =	sst s0  }
0x9: {  	[smem:$0x3FA3] =	sst s1  }
0xa: {  	[smem:$0x3FA4] =	sst s2  }
0xb: {  	[smem:$0x3FA5] =	sst s3  }
0xc: {  	[smem:$0x3FA6] =	sst s4  }
0xd: {  	[smem:$0x3FA7] =	sst s5  }
0xe: {  	[smem:$0x3FA8] =	sst s6  }
0xf: {  	[smem:$0x3FA9] =	sst s7  }
0x10: {  	[smem:$0x3FAA] =	sst s8  }
0x11: {  	[smem:$0x3FAB] =	sst s9;
	s0 =	simm.s32 @!p0 $0x0  }
0x12: {  	s1 =	sld [smem:$0x3F91];
	s0 =	simm.s32 @p0 $0x1  }
0x13: {  	[smem:$0x3FAC] =	sst s0;
	s0 =	simm.s32 @!p1 $0x0  }
0x14: {  	s2 =	sld [smem:$0x3F90];
	s0 =	simm.s32 @p1 $0x1  }
0x15: {  	[smem:$0x3FAD] =	sst s0;
	s0 =	simm.s32 @!p2 $0x0  }
0x16: {  	s3 =	sld [smem:$0x3FDB];
	s0 =	simm.s32 @p2 $0x1  }
0x17: {  	s4 =	simm.s32 $0x1BF5;
	[smem:$0x3FAF] =	sst s0  }
0x18: {  	s0 =	sld [smem:$0x3F92];
	_ =	swait.ge [sflag:s4], $0x0  }
0x19: {  	s7 =	sld [smem:$0x3F93]  }
0x1a: {  	s8 =	sadd.s32 $0xFFFFE003, lr  }
0x1b: {  	s9 =	sadd.s32 $0xFFFFFEF7, lr;
	s5 =	simm.s32 $0xFFFFFFFF;
	p2 =	slt.u32 s8, $0xFFFFF086  }
0x1c: {  	p1 =	slt.u32 s9, $0xF7A;
	s5 =	simm.s32 @!p2 $0x0  }
0x1d: {  	s5 =	simm.s32 @p1 $0x1;
	p0 =	seq.s32 s7, s2  }
0x1e: {  	s7 =	smul.u32 @!p0 $0xF7A, s2;
	p2 =	seq.s32 @!p0 s5, $0x0  }
0x1f: {  	s9 =	smul.u32 $0xF7A, s1;
	s8 =	simm.s32 @!p0 $0x1BF5;
	p2 =	por !p2, p0  }
0x20: {  	[sflag:s8] =	ssyncset.s32 @!p0 $0xFFFFF086;
	s6 =	sadd.s32 @!p0 s3, s7;
	s7 =	simm.s32 @!p0 $0x108  }
0x21: {  	s3 =	sadd.s32 s3, s9;
	s6 =	sadd.s32 @!p0 $0x88, s6;
	s7 =	simm.s32 @p2 $0x1082  }
0x22: {  	[simem:s7], [sflag:s8] =	dma.local @!p0 [hbm:s6], $0xF7A  }
0x23: {  	s9 =	sor.u32 $0xD0000000, s2;
	s6 =	simm.s32 $0x108;
	_ =	swait.ge @!p0 [sflag:s8], $0x0  }
0x24: {  	s3 =	sadd.s32 $0x88, s3;
	s6 =	simm.s32 @!p1 $0x1082;
	[sflag:s4] =	ssyncset.s32 $0xFFFFF086  }
0x25: {  	[simem:s6], [sflag:s4] =	dma.local [hbm:s3], $0xF7A  }
0x26: {  	[smem:$0x3F93] =	sst s1;
	(tag) =	ssettag s2;
	_ =	strace s9  }
0x27: {  	s1 =	sld [smem:$0x3FA3]  }
0x28: {  	s2 =	sld [smem:$0x3FA4]  }
0x29: {  	s4 =	sld [smem:$0x3FA6]  }
0x2a: {  	p0 =	seq.s32 s5, $0x0;
	s5 =	sld [smem:$0x3FA7]  }
0x2b: {  	s6 =	sld [smem:$0x3FA8]  }
0x2c: {  	s7 =	sld [smem:$0x3FA9]  }
0x2d: {  	s3 =	simm.s32 $0x108;
	s8 =	sld [smem:$0x3FAA]  }
0x2e: {  	s3 =	simm.s32 @!p0 $0x1082;
	s9 =	sld [smem:$0x3FAB]  }
0x2f: {  	lr =	sadd.s32 s0, s3;
	s0 =	sld [smem:$0x3FA2]  }
0x30: {  	s3 =	sld [smem:$0x3FA5]  }
0x31: {  	[smem:$0x3FAE] =	sst s10  }
0x32: {  	s10 =	sld [smem:$0x3FAC];
	_ =	sdelay $0x3  }
0x33: {  	p0 =	seq.s32 s10, $0x1;
	s10 =	sld [smem:$0x3FAE];
	_ =	sdelay $0x3  }
0x34: {  	[smem:$0x3FAE] =	sst s10  }
0x35: {  	s10 =	sld [smem:$0x3FAD];
	_ =	sdelay $0x3  }
0x36: {  	p1 =	seq.s32 s10, $0x1;
	s10 =	sld [smem:$0x3FAE];
	_ =	sdelay $0x3  }
0x37: {  	[smem:$0x3FAE] =	sst s10  }
0x38: {  	s10 =	sld [smem:$0x3FAF]  }
0x39: {  	_ = 	snop;
	(pc) =	sbr.ind lr, $3  }
0x3a: {  	_ = 	snop  }
0x3b: {  	_ = 	snop  }
0x3c: {  	p2 =	seq.s32 s10, $0x1;
	s10 =	sld [smem:$0x3FAE]  }
0x3d: {  	_ =	shalt  }
0x3e: {  	_ =	shalt  }
0x3f: {  	_ =	shalt  }
0x40: {  	_ =	shalt  }
0x41: {  	_ =	shalt  }
0x42: {  	_ =	shalt  }
0x43: {  	_ =	shalt  }
0x44: {  	_ =	shalt  }
0x45: {  	_ =	shalt  }
0x46: {  	_ =	shalt  }
0x47: {  	_ =	shalt  }
0x48: {  	_ =	shalt  }
0x49: {  	_ =	shalt  }
0x4a: {  	_ =	shalt  }
0x4b: {  	_ =	shalt  }
0x4c: {  	_ =	shalt  }
0x4d: {  	_ =	shalt  }
0x4e: {  	_ =	shalt  }
0x4f: {  	_ =	shalt  }
0x50: {  	_ =	shalt  }
0x51: {  	_ =	shalt  }
0x52: {  	_ =	shalt  }
0x53: {  	_ =	shalt  }
0x54: {  	_ =	shalt  }
0x55: {  	_ =	shalt  }
0x56: {  	_ =	shalt  }
0x57: {  	_ =	shalt  }
0x58: {  	_ =	shalt  }
0x59: {  	_ =	shalt  }
0x5a: {  	_ =	shalt  }
0x5b: {  	_ =	shalt  }
0x5c: {  	_ =	shalt  }
0x5d: {  	_ =	shalt  }
0x5e: {  	_ =	shalt  }
0x5f: {  	_ =	shalt  }
0x60: {  	_ =	shalt  }
0x61: {  	_ =	shalt  }
0x62: {  	_ =	shalt  }
0x63: {  	_ =	shalt  }
0x64: {  	_ =	shalt  }
0x65: {  	_ =	shalt  }
0x66: {  	_ =	shalt  }
0x67: {  	_ =	shalt  }
0x68: {  	_ =	shalt  }
0x69: {  	_ =	shalt  }
0x6a: {  	_ =	shalt  }
0x6b: {  	_ =	shalt  }
0x6c: {  	_ =	shalt  }
0x6d: {  	_ =	shalt  }
0x6e: {  	_ =	shalt  }
0x6f: {  	_ =	shalt  }
0x70: {  	_ =	shalt  }
0x71: {  	_ =	shalt  }
0x72: {  	_ =	shalt  }
0x73: {  	_ =	shalt  }
0x74: {  	_ =	shalt  }
0x75: {  	_ =	shalt  }
0x76: {  	_ =	shalt  }
0x77: {  	_ =	shalt  }
0x78: {  	_ =	shalt  }
0x79: {  	_ =	shalt  }
0x7a: {  	_ =	shalt  }
0x7b: {  	_ =	shalt  }
0x7c: {  	_ =	shalt  }
0x7d: {  	_ =	shalt  }
0x7e: {  	_ =	shalt  }
0x7f: {  	_ =	shalt  }
0x80: {  	_ =	shalt  }
0x81: {  	_ =	shalt  }
0x82: {  	_ =	shalt  }
0x83: {  	_ =	shalt  }
0x84: {  	_ =	shalt  }
0x85: {  	_ =	shalt  }
0x86: {  	_ =	shalt  }
0x87: {  	_ =	shalt  }
.Lfunc_end0:
.L_simem_size_0:
called_computation.1_lowered:
.L_overlay_start_0:
0x88: {  	s2 =	sld [smem:$0x3FD9]  }
0x89: {  	s3 =	sld [smem:$0x3FFE];
	_ =	sdelay $0x1  }
0x8a: {  	s1 =	srdreg.scid  }
0x8b: {  	s0 =	sand.u32 $0x1, s1  }
0x8c: {  	s15 =	sshll.u32 s0, $0xA;
	s2 =	sadd.s32 s3, s2  }
0x8d: {  	s2 =	sadd.s32 s2, s15  }
0x8e: {  	[smem:$0x3FBA] =	sst s2  }
0x8f: {  	_ = 	snop  }
0x90: {  	s2 =	sld [smem:$0x3FD0];
	_ =	sdelay $0x2  }
0x91: {  	s4 =	simm.s32 $0xB;
	s16 =	simm.s32 $0x10  }
0x92: {  	[smem:s16], [sflag:s4] =	dma.local [hbm:s2], $0x1  }
0x93: {  	_ =	swait.eq [sflag:s4], $0x1  }
0x94: {  	[sflag:s4] =	ssyncset.done $0x0  }
0x95: {  	s17 =	sld [smem:$0x10];
	[sflag:s4] =	ssyncadd.s32 $0xFFFFFFFF  }
0x96: {  	s18 =	sld [smem:$0x11];
	(tm) =	ssettm $0x1  }
0x97: {  	s19 =	sld [smem:$0x3FFB];
	_ =	sdelay $0x3  }
0x98: {  	_ =	strace s19  }
0x99: {  	s2 =	sld [smem:$0x3FFC];
	_ =	sdelay $0x3  }
0x9a: {  	_ =	strace s2  }
0x9b: {  	s2 =	sld [smem:$0x3FFD];
	_ =	sdelay $0x3  }
0x9c: {  	_ =	strace s2  }
0x9d: {  	_ =	strace $0x8FFFFFFF  }
0x9e: {  	s20 =	sld [smem:$0x3FDB];
	_ =	sdelay $0x1  }
0x9f: {  	s5 =	simm.s32 $_scs_section_size  }
0xa0: {  	s6 =	simm.s32 $_size__tile_overlayer_lowered;
	s7 =	simm.s32 $_tile_overlayer_lowered  }
0xa1: {  	s8 =	simm.s32 $0x1BFF;
	s21 =	sshll.u32 s7, $0x1;
	s5 =	sadd.s32 s5, s20  }
0xa2: {  	s22 =	simm.s32 $0x0;
	s6 =	sshll.u32 s6, $0x1;
	s7 =	sadd.s32 s21, s5  }
0xa3: {  	[timem:s22], [sflag:s8] =	dma.local [hbm:s7], s6  }
0xa4: {  	_ =	swait.ge [sflag:s8], s6  }
0xa5: {  	s6 =	ssub.s32 $0x0, s6;
	[sflag:s8] =	ssyncset.done $0x0  }
0xa6: {  	[sflag:s8] =	ssyncadd.s32 s6;
	_ =	sdelay $0x1  }
0xa7: {  	s23 =	simm.s32 $0x1B8B  }
0xa8: {  	_ =	swait.ge [sflag:s23], $0x1  }
0xa9: {  	[sflag:s23] =	ssyncset.done $0x0  }
0xaa: {  	[sflag:s23] =	ssyncadd.s32 $0xFFFFFFFF  }
0xab: {  	s6 =	sld [smem:$0x0]  }
0xac: {  	s7 =	sand.u32 $0xFFFFFFFE, s1  }
0xad: {  	p0 =	sne.s32 s1, s7  }
0xae: {  	s7 =	sshll.u32 @p0 s7, $0xE  }
0xaf: {  	s7 =	sadd.s32 @p0 $0x11B8D, s7;
	s8 =	sshll.u32 @p0 s6, $0x11  }
0xb0: {  	s7 =	sor.u32 @p0 s8, s7  }
0xb1: {  	[sflag:s7] =	ssyncadd.remote.s32 @p0 $0x1;
	_ =	sdelay $0x1  }
0xb2: {  	s7 =	simm.s32 @p0 $0x1B8D  }
0xb3: {  	_ =	swait.eq @p0 [sflag:s7], $0x1  }
0xb4: {  	[sflag:s7] =	ssyncadd.s32 @p0 $0xFFFFFFFF  }
0xb5: {  	s8 =	sshll.u32 @!p0 s1, $0xE  }
0xb6: {  	s8 =	sor.u32 @!p0 $0x4000, s8;
	s7 =	simm.s32 @!p0 $0x1B8D  }
0xb7: {  	s6 =	sshll.u32 @!p0 s6, $0x11;
	s8 =	sadd.s32 @!p0 $0x11B8D, s8;
	_ =	swait.eq @!p0 [sflag:s7], $0x1  }
0xb8: {  	s6 =	sor.u32 @!p0 s6, s8;
	[sflag:s7] =	ssyncadd.s32 @!p0 $0xFFFFFFFF  }
0xb9: {  	s25 =	simm.s32 $0x1B8E;
	s24 =	sld [smem:$0x3FFE];
	[sflag:s6] =	ssyncadd.remote.s32 @!p0 $0x1  }
0xba: {  	s26 =	simm.s32 $execute0_lowered;
	[smem:$0x3FD2] =	sst s25  }
0xbb: {  	s7 =	sshll.u32 s26, $0x1;
	_ =	strace $0x8000004C;
	[dreg:$0x1] =	wrdreg $0xFFFFFFFF  }
0xbc: {  	s28 =	simm.s32 $_size_execute0_lowered;
	s5 =	sadd.s32 s5, s7;
	[dreg:$0x0] =	wrdreg $0x0  }
0xbd: {  	s7 =	sshll.u32 s28, $0x1;
	[dreg:$0x2] =	wrdreg s5  }
0xbe: {  	[dreg:$0x3] =	wrdreg s7  }
0xbf: {  	[dreg:$0x4] =	wrdreg $0xC0  }
0xc0: {  	_ =	task [dreg:s22], $0x5FFFF  }
0xc1: {  	[dreg:$0x1] =	wrdreg $0xFFFFFFFF  }
0xc2: {  	[dreg:$0x0] =	wrdreg $0x60  }
0xc3: {  	[dreg:$0x2] =	wrdreg s17  }
0xc4: {  	[dreg:$0x3] =	wrdreg s24  }
0xc5: {  	[dreg:$0x4] =	wrdreg s18  }
0xc6: {  	[dreg:$0x5] =	wrdreg $0xA8000  }
0xc7: {  	[dreg:$0x6] =	wrdreg $0x9  }
0xc8: {  	_ =	task.clear_ibuf [dreg:s22], $0x7FFFF;
	_ =	strace $0x9000004C  }
0xc9: {  	s29 =	simm.s32 $0x9;
	_ =	strace $0x8000004E  }
0xca: {  	_ =	swait.ge [sflag:s29], $0x1  }
0xcb: {  	[sflag:s29] =	ssyncadd.s32 $0xFFFFFFFF  }
0xcc: {  	_ =	strace $0x9000004E  }
0xcd: {  	_ =	sfence  }
0xce: {  	s30 =	sld [smem:$0x0];
	_ =	sdelay $0x2  }
0xcf: {  	s31 =	sshll.u32 s1, $0xD;
	s1 =	sshrl.u32 s1, $0x2  }
0xd0: {  	s4 =	sand.u32 $0x4000, s31;
	s1 =	sadd.s32 s1, s30  }
0xd1: {  	s0 =	sor.u32 s4, s0;
	s1 =	sshll.u32 s1, $0x11  }
0xd2: {  	s0 =	sor.u32 s1, s0  }
0xd3: {  	s0 =	sadd.s32 $0x8F2B, s0  }
0xd4: {  	[sflag:s0] =	ssyncadd.remote.s32 $0x1  }
0xd5: {  	_ =	sfence.sel $0xFFFF  }
0xd6: {  	[dreg:$0x0] =	wrdreg $0xFFFFFFFF;
	(pc) =	sbr.abs _section_cstart, $3  }
0xd7: {  	[dreg:$0x1] =	wrdreg $0xFFFFFFFF  }
0xd8: {  	_ =	task.clear_ibuf [dreg:s22], $0x2FFFF;
	_ =	strace $0x9FFFFFFF  }
0xd9: {  	(tm) =	ssettm $0x7FFFFFFF  }
tec
execute0_lowered:
.L_overlay_start_1:
0x0: {  	(tag) =	ssettag $0x1  }
0x1: {  	s1 =	rddreg [dreg:$0x0]  }
0x2: {  	s6 =	rddreg [dreg:$0x1]  }
0x3: {  	s3 =	rddreg [dreg:$0x2]  }
0x4: {  	s4 =	rddreg [dreg:$0x3]  }
0x5: {  	s0 =	srdreg.scid;
	s2 =	rddreg [dreg:$0x4]  }
0x6: {  	s5 =	simm.s32 $0x0;
	s14 =	simm.s32 $0x80;
	s15 =	simm.s32 $0x2800  }
0x7: {  	s16 =	simm.s32 $0x6800;
	s17 =	simm.s32 $0x1;
	s7 =	sand.u32 $0x1, s0  }
0x8: {  	s18 =	simm.s32 $0x2;
	s0 =	stileid.u32;
	s8 =	smul.u32 $0x280, s7  }
0x9: {  	s19 =	simm.s32 $0x1380;
	s20 =	simm.s32 $0x2700;
	s9 =	smul.u32 $0x28, s0  }
0xa: {  	s21 =	simm.s32 $0x2780;
	[smem:$0x7FF] =	sst s5;
	s10 =	smul.u32 $0x140000, s7  }
0xb: {  	s22 =	simm.s32 $0x0;
	s11 =	smul.u32 $0x14000, s0;
	_ =	strace $0x8000004D  }
0xc: {  	s7 =	ssub.s32 $0x2, s7;
	s29 =	smul.u32 $0x50000, s0;
	s12 =	sshll.u32 s0, $0x6  }
0xd: {  	s30 =	sshrl.u32 s7, $0x1;
	s12 =	sor.u32 $0x1C03, s12;
	s8 =	sadd.s32 s9, s8  }
0xe: {  	s28 =	sadd.s32 s11, s10;
	s31 =	ssub.s32 s7, s30;
	s10 =	sshrl.u32 s29, $0x2  }
0xf: {  	s11 =	simm.s32 $0x1400;
	s8 =	sshll.u32 s8, $0x4;
	s9 =	sshrl.u32 s28, $0x3  }
0x10: {  	s13 =	sadd.s32 s10, s4;
	s10 =	simm.s32 $0x3;
	s8 =	sadd.s32 s8, s6  }
0x11: {  	s9 =	sadd.s32 s9, s6;
	s13 =	sshrl.u32 s13, $0x3;
	s6 =	sadd.s32 $0x9E00, s8  }
0x12: {  	s7 =	sadd.s32 $0x4E00, s8;
	s8 =	sadd.s32 $0xFF400, s9;
	s9 =	smax.u32 s31, $0x1  }
.LBB2_1:
0x13: {  	[tilespmem:s5], [sflag:$0x3] =	stream.linear.gather [hbm4b:s6+s5], $0x1400, $0x38;
	[tilespmem:$0x1E800] =	vst v63  }
0x14: {  	_ =	swait.ge [sflag:s10], $0x1400  }
0x15: {  	[sflag:s10] =	ssyncset.done $0x0  }
0x16: {  	[sflag:s10] =	ssyncadd.s32 $0xFFFFEC00  }
0x17: {  	[tilespmem:s11], [sflag:$0x3] =	stream.linear.gather [hbm4b:s7+s5], $0x1400, $0x38;
	[tilespmem:$0x1E800] =	vst v63  }
0x18: {  	_ =	swait.ge [sflag:s10], $0x1400  }
0x19: {  	[sflag:s10] =	ssyncset.done $0x0  }
0x1a: {  	[sflag:s10] =	ssyncadd.s32 $0xFFFFEC00  }
0x1b: {  	[spmem:s13], [sflag:s12] =	dma.local [hbm:s3], $0x2800  }
0x1c: {  	_ =	swait.ge [sflag:s10], $0x2800  }
0x1d: {  	[sflag:s10] =	ssyncset.done $0x0  }
0x1e: {  	[sflag:s10] =	ssyncadd.s32 $0xFFFFD800  }
0x1f: {  	[bflag:$0x0] =	sbarrier.arrive $0xFFFF  }
0x20: {  	[tilespmem:s15], [sflag:$0x1] =	stream.indirect.gather [hbm4b:s1+s14], $0x80, s5, s14, $0xb8;
	[tilespmem:$0x1E800] =	vst v63  }
0x21: {  	s23 =	simm.s32 $0x80  }
0x22: {  	[tilespmem:s16], [sflag:$0x2] =	stream.indirect.gather [hbm4b:s1+s14], $0x80, s23, s14, $0xb8;
	[tilespmem:$0x1E800] =	vst v63  }
0x23: {  	_ =	swait.ge [sflag:s17], $0x4000  }
0x24: {  	[sflag:s17] =	ssyncset.done $0x0  }
0x25: {  	s29 =	simm.s32 $0x1400;
	[sflag:s17] =	ssyncadd.s32 $0xFFFFC000  }
0x26: {  	[spmem:s4] =	stream.indirect.scatter.add.f32 [tilespmem:s15], [sflag:$0x3], $0x80, s29, s14, $0xb8;
	[tilespmem:$0x1E800] =	vst v63  }
0x27: {  	_ =	swait.ge [sflag:s10], $0x4000  }
0x28: {  	[sflag:s10] =	ssyncset.done $0x0  }
0x29: {  	s30 =	simm.s32 $0x100;
	[sflag:s10] =	ssyncadd.s32 $0xFFFFC000  }
0x2a: {  	[tilespmem:s15], [sflag:$0x1] =	stream.indirect.gather [hbm4b:s1+s14], $0x80, s30, s14, $0xb8;
	[tilespmem:$0x1E800] =	vst v63  }
0x2b: {  	_ =	swait.ge [sflag:s18], $0x4000  }
0x2c: {  	[sflag:s18] =	ssyncset.done $0x0  }
0x2d: {  	s31 =	simm.s32 $0x1480;
	[sflag:s18] =	ssyncadd.s32 $0xFFFFC000  }
0x2e: {  	[spmem:s4] =	stream.indirect.scatter.add.f32 [tilespmem:s16], [sflag:$0x3], $0x80, s31, s14, $0xb8;
	[tilespmem:$0x1E800] =	vst v63  }
0x2f: {  	_ =	swait.ge [sflag:s10], $0x4000  }
0x30: {  	s24 =	simm.s32 $0x800;
	s23 =	simm.s32 $0x100;
	[sflag:s10] =	ssyncset.done $0x0  }
.LBB2_2:
0x31: {  	s25 =	sadd.s32 $0x80, s23  }
0x32: {  	[sflag:s10] =	ssyncadd.s32 $0xFFFFC000;
	s26 =	smov.u32 s24;
	s28 =	sadd.s32 $0x400, s24  }
0x33: {  	[tilespmem:s16], [sflag:$0x2] =	stream.indirect.gather [hbm4b:s1+s14], $0x80, s25, s14, $0xb8;
	[tilespmem:$0x1E800] =	vst v63  }
0x34: {  	p0 =	sne.s32 s24, $0x4800;
	_ =	swait.ge [sflag:s17], $0x4000  }
0x35: {  	[sflag:s17] =	ssyncset.done $0x0  }
0x36: {  	s24 =	sadd.s32 $0x1400, s23;
	[sflag:s17] =	ssyncadd.s32 $0xFFFFC000  }
0x37: {  	[spmem:s4] =	stream.indirect.scatter.add.f32 [tilespmem:s15], [sflag:$0x3], $0x80, s24, s14, $0xb8;
	[tilespmem:$0x1E800] =	vst v63  }
0x38: {  	_ =	swait.ge [sflag:s10], $0x4000  }
0x39: {  	[sflag:s10] =	ssyncset.done $0x0  }
0x3a: {  	s24 =	sadd.s32 $0x100, s23;
	[sflag:s10] =	ssyncadd.s32 $0xFFFFC000  }
0x3b: {  	[tilespmem:s15], [sflag:$0x1] =	stream.indirect.gather [hbm4b:s1+s14], $0x80, s24, s14, $0xb8;
	[tilespmem:$0x1E800] =	vst v63  }
0x3c: {  	_ =	swait.ge [sflag:s18], $0x4000  }
.Ltmp0:
0x3d: {  	[sflag:s18] =	ssyncset.done $0x0;
	(pc) =	sbr.rel @p0 .LBB2_2-.Ltmp0, $4  }
0x3e: {  	s23 =	sadd.s32 $0x1480, s23;
	[sflag:s18] =	ssyncadd.s32 $0xFFFFC000  }
0x3f: {  	[spmem:s4] =	stream.indirect.scatter.add.f32 [tilespmem:s16], [sflag:$0x3], $0x80, s23, s14, $0xb8;
	[tilespmem:$0x1E800] =	vst v63  }
0x40: {  	_ =	swait.ge [sflag:s10], $0x4000  }
0x41: {  	s24 =	smov.u32 s28;
	s23 =	sshra.s32 s26, $0x2;
	[sflag:s10] =	ssyncset.done $0x0  }
0x42: {  	s24 =	sadd.s32 $0x80, s23;
	[sflag:s10] =	ssyncadd.s32 $0xFFFFC000  }
0x43: {  	[tilespmem:s16], [sflag:$0x2] =	stream.indirect.gather [hbm4b:s1+s14], $0x80, s24, s14, $0xb8;
	[tilespmem:$0x1E800] =	vst v63  }
0x44: {  	_ =	swait.ge [sflag:s17], $0x4000  }
0x45: {  	[sflag:s17] =	ssyncset.done $0x0  }
0x46: {  	s29 =	sadd.s32 $0x1400, s23;
	[sflag:s17] =	ssyncadd.s32 $0xFFFFC000  }
0x47: {  	[spmem:s4] =	stream.indirect.scatter.add.f32 [tilespmem:s15], [sflag:$0x3], $0x80, s29, s14, $0xb8;
	[tilespmem:$0x1E800] =	vst v63  }
0x48: {  	_ =	swait.ge [sflag:s10], $0x4000  }
0x49: {  	[sflag:s10] =	ssyncset.done $0x0  }
0x4a: {  	s30 =	sadd.s32 $0x100, s23;
	[sflag:s10] =	ssyncadd.s32 $0xFFFFC000  }
0x4b: {  	[tilespmem:s15], [sflag:$0x1] =	stream.indirect.gather [hbm4b:s1+s14], $0x80, s30, s14, $0xb8;
	[tilespmem:$0x1E800] =	vst v63  }
0x4c: {  	_ =	swait.ge [sflag:s18], $0x4000  }
0x4d: {  	[sflag:s18] =	ssyncset.done $0x0  }
0x4e: {  	s31 =	sadd.s32 $0x1480, s23;
	[sflag:s18] =	ssyncadd.s32 $0xFFFFC000  }
0x4f: {  	[spmem:s4] =	stream.indirect.scatter.add.f32 [tilespmem:s16], [sflag:$0x3], $0x80, s31, s14, $0xb8;
	[tilespmem:$0x1E800] =	vst v63  }
0x50: {  	_ =	swait.ge [sflag:s10], $0x4000  }
0x51: {  	[sflag:s10] =	ssyncset.done $0x0  }
0x52: {  	[sflag:s10] =	ssyncadd.s32 $0xFFFFC000  }
0x53: {  	[tilespmem:s16], [sflag:$0x2] =	stream.indirect.gather [hbm4b:s1+s14], $0x80, s19, s14, $0xb8;
	[tilespmem:$0x1E800] =	vst v63  }
0x54: {  	_ =	swait.ge [sflag:s17], $0x4000  }
0x55: {  	[sflag:s17] =	ssyncset.done $0x0  }
0x56: {  	[sflag:s17] =	ssyncadd.s32 $0xFFFFC000  }
0x57: {  	[spmem:s4] =	stream.indirect.scatter.add.f32 [tilespmem:s15], [sflag:$0x3], $0x80, s20, s14, $0xb8;
	[tilespmem:$0x1E800] =	vst v63  }
0x58: {  	_ =	swait.ge [sflag:s10], $0x4000  }
0x59: {  	[sflag:s10] =	ssyncset.done $0x0  }
0x5a: {  	[sflag:s10] =	ssyncadd.s32 $0xFFFFC000  }
0x5b: {  	_ =	swait.ge [sflag:s18], $0x4000  }
0x5c: {  	[sflag:s18] =	ssyncset.done $0x0  }
0x5d: {  	[sflag:s18] =	ssyncadd.s32 $0xFFFFC000  }
0x5e: {  	[spmem:s4] =	stream.indirect.scatter.add.f32 [tilespmem:s16], [sflag:$0x3], $0x80, s21, s14, $0xb8;
	[tilespmem:$0x1E800] =	vst v63  }
0x5f: {  	_ =	swait.ge [sflag:s10], $0x4000  }
0x60: {  	s22 =	sadd.s32 $0x1, s22;
	[sflag:s10] =	ssyncset.done $0x0  }
0x61: {  	p0 =	sne.s32 s22, s9;
	[sflag:s10] =	ssyncadd.s32 $0xFFFFC000  }
.Ltmp1:
0x62: {  	[bflag:$0x0] =	sbarrier.arrive $0xFFFF;
	(pc) =	sbr.rel @p0 .LBB2_1-.Ltmp1, $4  }
0x63: {  	[hbm:s8], [sflag:s12] =	dma.local [spmem:s13], $0x2800  }
0x64: {  	_ =	swait.ge [sflag:s10], $0x2800  }
0x65: {  	[sflag:s10] =	ssyncset.done $0x0  }
0x66: {  	[sflag:s10] =	ssyncadd.s32 $0xFFFFD800  }
0x67: {  	_ =	sfence.sel $0x180000  }
0x68: {  	[bflag:$0x0] =	sbarrier.arrive $0xFFFF  }
0x69: {  	p0 =	sne.s32 s0, $0x0;
	_ =	strace $0x9000004D  }
0x6a: {  	s0 =	sadd.s32 @!p0 $0x100000, s2;
	[bflag:$0x2] =	sbarrier.arrive $0xFFFF  }
0x6b: {  	[sflag:s0] =	ssyncadd.tile.s32 @!p0 $0x1;
	_ =	shalt  }
.Lfunc_end2:
_tile_overlayer_lowered:
.L_overlay_start_2:
0x6c: {  	(tag) =	ssettag $0x2  }
0x6d: {  	s0 =	rddreg [dreg:$0x0];
	s2 =	stileid.u32  }
0x6e: {  	s1 =	rddreg [dreg:$0x1];
	p0 =	sne.s32 s2, $0x0  }
0x6f: {  	s3 =	rddreg [dreg:$0x2];
	[bflag:$0x3] =	sbarrier.arrive $0xFFFF;
	s2 =	simm.s32 @!p0 $0x1C03  }
0x70: {  	[timem:s3], [sflag:s2] =	dma.local @!p0 [hbm:s0], s1  }
0x71: {  	s0 =	simm.s32 @!p0 $0x3  }
0x72: {  	_ =	swait.ge @!p0 [sflag:s0], s1  }
0x73: {  	s1 =	ssub.s32 @!p0 $0x0, s1;
	[sflag:s0] =	ssyncset.done @!p0 $0x0  }
0x74: {  	[sflag:s0] =	ssyncadd.s32 @!p0 s1  }
0x75: {  	[bflag:$0x3] =	sbarrier.arrive $0xFFFF  }
0x76: {  	_ =	shalt  }

// kernel: kernel.17.cloned.1.call-start
scs
__scs_entry_jumppad:
0x0: {  	(pc) =	sbr.rel $0x88, $3  }
0x1: {  	(tag) =	ssettag $0x0;
	lr =	simm.s32 $0x1  }
0x2: {  	[smem:$0x3F93] =	sst lr;
	_ =	strace $0xD0000000  }
0x3: {  	_ = 	snop  }
0x4: {  	_ = 	snop  }
0x5: {  	_ = 	snop  }
0x6: {  	_ = 	snop  }
0x7: {  	_ = 	snop  }
__scs_overlays_trampoline_lowered:
0x8: {  	[smem:$0x3FA2] =	sst s0  }
0x9: {  	[smem:$0x3FA3] =	sst s1  }
0xa: {  	[smem:$0x3FA4] =	sst s2  }
0xb: {  	[smem:$0x3FA5] =	sst s3  }
0xc: {  	[smem:$0x3FA6] =	sst s4  }
0xd: {  	[smem:$0x3FA7] =	sst s5  }
0xe: {  	[smem:$0x3FA8] =	sst s6  }
0xf: {  	[smem:$0x3FA9] =	sst s7  }
0x10: {  	[smem:$0x3FAA] =	sst s8  }
0x11: {  	[smem:$0x3FAB] =	sst s9;
	s0 =	simm.s32 @!p0 $0x0  }
0x12: {  	s1 =	sld [smem:$0x3F91];
	s0 =	simm.s32 @p0 $0x1  }
0x13: {  	[smem:$0x3FAC] =	sst s0;
	s0 =	simm.s32 @!p1 $0x0  }
0x14: {  	s2 =	sld [smem:$0x3F90];
	s0 =	simm.s32 @p1 $0x1  }
0x15: {  	[smem:$0x3FAD] =	sst s0;
	s0 =	simm.s32 @!p2 $0x0  }
0x16: {  	s3 =	sld [smem:$0x3FDB];
	s0 =	simm.s32 @p2 $0x1  }
0x17: {  	s4 =	simm.s32 $0x1BF5;
	[smem:$0x3FAF] =	sst s0  }
0x18: {  	s0 =	sld [smem:$0x3F92];
	_ =	swait.ge [sflag:s4], $0x0  }
0x19: {  	s7 =	sld [smem:$0x3F93]  }
0x1a: {  	s8 =	sadd.s32 $0xFFFFE003, lr  }
0x1b: {  	s9 =	sadd.s32 $0xFFFFFEF7, lr;
	s5 =	simm.s32 $0xFFFFFFFF;
	p2 =	slt.u32 s8, $0xFFFFF086  }
0x1c: {  	p1 =	slt.u32 s9, $0xF7A;
	s5 =	simm.s32 @!p2 $0x0  }
0x1d: {  	s5 =	simm.s32 @p1 $0x1;
	p0 =	seq.s32 s7, s2  }
0x1e: {  	s7 =	smul.u32 @!p0 $0xF7A, s2;
	p2 =	seq.s32 @!p0 s5, $0x0  }
0x1f: {  	s9 =	smul.u32 $0xF7A, s1;
	s8 =	simm.s32 @!p0 $0x1BF5;
	p2 =	por !p2, p0  }
0x20: {  	[sflag:s8] =	ssyncset.s32 @!p0 $0xFFFFF086;
	s6 =	sadd.s32 @!p0 s3, s7;
	s7 =	simm.s32 @!p0 $0x108  }
0x21: {  	s3 =	sadd.s32 s3, s9;
	s6 =	sadd.s32 @!p0 $0x88, s6;
	s7 =	simm.s32 @p2 $0x1082  }
0x22: {  	[simem:s7], [sflag:s8] =	dma.local @!p0 [hbm:s6], $0xF7A  }
0x23: {  	s9 =	sor.u32 $0xD0000000, s2;
	s6 =	simm.s32 $0x108;
	_ =	swait.ge @!p0 [sflag:s8], $0x0  }
0x24: {  	s3 =	sadd.s32 $0x88, s3;
	s6 =	simm.s32 @!p1 $0x1082;
	[sflag:s4] =	ssyncset.s32 $0xFFFFF086  }
0x25: {  	[simem:s6], [sflag:s4] =	dma.local [hbm:s3], $0xF7A  }
0x26: {  	[smem:$0x3F93] =	sst s1;
	(tag) =	ssettag s2;
	_ =	strace s9  }
0x27: {  	s1 =	sld [smem:$0x3FA3]  }
0x28: {  	s2 =	sld [smem:$0x3FA4]  }
0x29: {  	s4 =	sld [smem:$0x3FA6]  }
0x2a: {  	p0 =	seq.s32 s5, $0x0;
	s5 =	sld [smem:$0x3FA7]  }
0x2b: {  	s6 =	sld [smem:$0x3FA8]  }
0x2c: {  	s7 =	sld [smem:$0x3FA9]  }
0x2d: {  	s3 =	simm.s32 $0x108;
	s8 =	sld [smem:$0x3FAA]  }
0x2e: {  	s3 =	simm.s32 @!p0 $0x1082;
	s9 =	sld [smem:$0x3FAB]  }
0x2f: {  	lr =	sadd.s32 s0, s3;
	s0 =	sld [smem:$0x3FA2]  }
0x30: {  	s3 =	sld [smem:$0x3FA5]  }
0x31: {  	[smem:$0x3FAE] =	sst s10  }
0x32: {  	s10 =	sld [smem:$0x3FAC];
	_ =	sdelay $0x3  }
0x33: {  	p0 =	seq.s32 s10, $0x1;
	s10 =	sld [smem:$0x3FAE];
	_ =	sdelay $0x3  }
0x34: {  	[smem:$0x3FAE] =	sst s10  }
0x35: {  	s10 =	sld [smem:$0x3FAD];
	_ =	sdelay $0x3  }
0x36: {  	p1 =	seq.s32 s10, $0x1;
	s10 =	sld [smem:$0x3FAE];
	_ =	sdelay $0x3  }
0x37: {  	[smem:$0x3FAE] =	sst s10  }
0x38: {  	s10 =	sld [smem:$0x3FAF]  }
0x39: {  	_ = 	snop;
	(pc) =	sbr.ind lr, $3  }
0x3a: {  	_ = 	snop  }
0x3b: {  	_ = 	snop  }
0x3c: {  	p2 =	seq.s32 s10, $0x1;
	s10 =	sld [smem:$0x3FAE]  }
0x3d: {  	_ =	shalt  }
0x3e: {  	_ =	shalt  }
0x3f: {  	_ =	shalt  }
0x40: {  	_ =	shalt  }
0x41: {  	_ =	shalt  }
0x42: {  	_ =	shalt  }
0x43: {  	_ =	shalt  }
0x44: {  	_ =	shalt  }
0x45: {  	_ =	shalt  }
0x46: {  	_ =	shalt  }
0x47: {  	_ =	shalt  }
0x48: {  	_ =	shalt  }
0x49: {  	_ =	shalt  }
0x4a: {  	_ =	shalt  }
0x4b: {  	_ =	shalt  }
0x4c: {  	_ =	shalt  }
0x4d: {  	_ =	shalt  }
0x4e: {  	_ =	shalt  }
0x4f: {  	_ =	shalt  }
0x50: {  	_ =	shalt  }
0x51: {  	_ =	shalt  }
0x52: {  	_ =	shalt  }
0x53: {  	_ =	shalt  }
0x54: {  	_ =	shalt  }
0x55: {  	_ =	shalt  }
0x56: {  	_ =	shalt  }
0x57: {  	_ =	shalt  }
0x58: {  	_ =	shalt  }
0x59: {  	_ =	shalt  }
0x5a: {  	_ =	shalt  }
0x5b: {  	_ =	shalt  }
0x5c: {  	_ =	shalt  }
0x5d: {  	_ =	shalt  }
0x5e: {  	_ =	shalt  }
0x5f: {  	_ =	shalt  }
0x60: {  	_ =	shalt  }
0x61: {  	_ =	shalt  }
0x62: {  	_ =	shalt  }
0x63: {  	_ =	shalt  }
0x64: {  	_ =	shalt  }
0x65: {  	_ =	shalt  }
0x66: {  	_ =	shalt  }
0x67: {  	_ =	shalt  }
0x68: {  	_ =	shalt  }
0x69: {  	_ =	shalt  }
0x6a: {  	_ =	shalt  }
0x6b: {  	_ =	shalt  }
0x6c: {  	_ =	shalt  }
0x6d: {  	_ =	shalt  }
0x6e: {  	_ =	shalt  }
0x6f: {  	_ =	shalt  }
0x70: {  	_ =	shalt  }
0x71: {  	_ =	shalt  }
0x72: {  	_ =	shalt  }
0x73: {  	_ =	shalt  }
0x74: {  	_ =	shalt  }
0x75: {  	_ =	shalt  }
0x76: {  	_ =	shalt  }
0x77: {  	_ =	shalt  }
0x78: {  	_ =	shalt  }
0x79: {  	_ =	shalt  }
0x7a: {  	_ =	shalt  }
0x7b: {  	_ =	shalt  }
0x7c: {  	_ =	shalt  }
0x7d: {  	_ =	shalt  }
0x7e: {  	_ =	shalt  }
0x7f: {  	_ =	shalt  }
0x80: {  	_ =	shalt  }
0x81: {  	_ =	shalt  }
0x82: {  	_ =	shalt  }
0x83: {  	_ =	shalt  }
0x84: {  	_ =	shalt  }
0x85: {  	_ =	shalt  }
0x86: {  	_ =	shalt  }
0x87: {  	_ =	shalt  }
.Lfunc_end0:
.L_simem_size_0:
called_computation.2_lowered:
.L_overlay_start_0:
0x88: {  	s2 =	sld [smem:$0x3FD9]  }
0x89: {  	s3 =	sld [smem:$0x3FFE];
	_ =	sdelay $0x1  }
0x8a: {  	s1 =	srdreg.scid  }
0x8b: {  	s0 =	sand.u32 $0x1, s1  }
0x8c: {  	s14 =	sshll.u32 s0, $0xA;
	s2 =	sadd.s32 s3, s2  }
0x8d: {  	s2 =	sadd.s32 s2, s14  }
0x8e: {  	[smem:$0x3FBA] =	sst s2  }
0x8f: {  	_ = 	snop  }
0x90: {  	s2 =	sld [smem:$0x3FD0];
	_ =	sdelay $0x2  }
0x91: {  	s15 =	simm.s32 $0xB;
	s4 =	simm.s32 $0x10  }
0x92: {  	[smem:s4], [sflag:s15] =	dma.local [hbm:s2], $0x1  }
0x93: {  	_ =	swait.eq [sflag:s15], $0x1  }
0x94: {  	[sflag:s15] =	ssyncset.done $0x0  }
0x95: {  	[sflag:s15] =	ssyncadd.s32 $0xFFFFFFFF  }
0x96: {  	s16 =	sld [smem:$0x11];
	(tm) =	ssettm $0x1  }
0x97: {  	s17 =	sld [smem:$0x3FFB];
	_ =	sdelay $0x3  }
0x98: {  	_ =	strace s17  }
0x99: {  	s3 =	sld [smem:$0x3FFC];
	_ =	sdelay $0x3  }
0x9a: {  	_ =	strace s3  }
0x9b: {  	s3 =	sld [smem:$0x3FFD];
	_ =	sdelay $0x3  }
0x9c: {  	_ =	strace s3  }
0x9d: {  	_ =	strace $0x8FFFFFFF  }
0x9e: {  	s18 =	sld [smem:$0x3FDB];
	_ =	sdelay $0x1  }
0x9f: {  	s19 =	simm.s32 $_scs_section_size  }
0xa0: {  	s5 =	simm.s32 $_size__tile_overlayer_lowered;
	s6 =	simm.s32 $_tile_overlayer_lowered  }
0xa1: {  	s22 =	simm.s32 $0x1BFF;
	s21 =	sshll.u32 s6, $0x1;
	s3 =	sadd.s32 s19, s18  }
0xa2: {  	s7 =	simm.s32 $0x0;
	s20 =	sshll.u32 s5, $0x1;
	s5 =	sadd.s32 s21, s3  }
0xa3: {  	[timem:s7], [sflag:s22] =	dma.local [hbm:s5], s20  }
0xa4: {  	_ =	swait.ge [sflag:s22], s20  }
0xa5: {  	s4 =	ssub.s32 $0x0, s20;
	[sflag:s22] =	ssyncset.done $0x0  }
0xa6: {  	[sflag:s22] =	ssyncadd.s32 s4;
	_ =	sdelay $0x1  }
0xa7: {  	s23 =	simm.s32 $0x1B8B  }
0xa8: {  	_ =	swait.ge [sflag:s23], $0x1  }
0xa9: {  	[sflag:s23] =	ssyncset.done $0x0  }
0xaa: {  	s25 =	simm.s32 $0x1B8E;
	s24 =	sld [smem:$0x3FFE];
	[sflag:s23] =	ssyncadd.s32 $0xFFFFFFFF  }
0xab: {  	s26 =	simm.s32 $execute0_lowered;
	[smem:$0x3FD2] =	sst s25  }
0xac: {  	s5 =	sshll.u32 s26, $0x1;
	_ =	strace $0x80000049;
	[dreg:$0x1] =	wrdreg $0xFFFFFFFF  }
0xad: {  	s28 =	simm.s32 $_size_execute0_lowered;
	s3 =	sadd.s32 s3, s5;
	[dreg:$0x0] =	wrdreg $0x0  }
0xae: {  	s5 =	sshll.u32 s28, $0x1;
	[dreg:$0x2] =	wrdreg s3  }
0xaf: {  	[dreg:$0x3] =	wrdreg s5  }
0xb0: {  	[dreg:$0x4] =	wrdreg $0xC0  }
0xb1: {  	_ =	task [dreg:s7], $0x5FFFF  }
0xb2: {  	[dreg:$0x1] =	wrdreg $0xFFFFFFFF  }
0xb3: {  	[dreg:$0x0] =	wrdreg $0x60  }
0xb4: {  	[dreg:$0x2] =	wrdreg s24  }
0xb5: {  	[dreg:$0x3] =	wrdreg s16  }
0xb6: {  	[dreg:$0x4] =	wrdreg $0xA8000  }
0xb7: {  	[dreg:$0x5] =	wrdreg $0xA  }
0xb8: {  	_ =	task.clear_ibuf [dreg:s7], $0x6FFFF;
	_ =	strace $0x90000049  }
0xb9: {  	s29 =	simm.s32 $0xA;
	_ =	strace $0x8000004B  }
0xba: {  	_ =	swait.ge [sflag:s29], $0x1  }
0xbb: {  	[sflag:s29] =	ssyncadd.s32 $0xFFFFFFFF  }
0xbc: {  	_ =	strace $0x9000004B  }
0xbd: {  	_ =	sfence  }
0xbe: {  	s30 =	sld [smem:$0x0];
	_ =	sdelay $0x2  }
0xbf: {  	s31 =	sshll.u32 s1, $0xD;
	s1 =	sshrl.u32 s1, $0x2  }
0xc0: {  	s3 =	sand.u32 $0x4000, s31;
	s1 =	sadd.s32 s1, s30  }
0xc1: {  	s0 =	sor.u32 s3, s0;
	s1 =	sshll.u32 s1, $0x11  }
0xc2: {  	s0 =	sor.u32 s1, s0  }
0xc3: {  	s0 =	sadd.s32 $0x8F2B, s0  }
0xc4: {  	[sflag:s0] =	ssyncadd.remote.s32 $0x1  }
0xc5: {  	_ =	sfence.sel $0xFFFF  }
0xc6: {  	[dreg:$0x0] =	wrdreg $0xFFFFFFFF;
	(pc) =	sbr.abs _section_cstart, $3  }
0xc7: {  	[dreg:$0x1] =	wrdreg $0xFFFFFFFF  }
0xc8: {  	_ =	task.clear_ibuf [dreg:s7], $0x2FFFF;
	_ =	strace $0x9FFFFFFF  }
0xc9: {  	(tm) =	ssettm $0x7FFFFFFF  }
tec
execute0_lowered:
.L_overlay_start_1:
0x0: {  	(tag) =	ssettag $0x1  }
0x1: {  	s6 =	rddreg [dreg:$0x0]  }
0x2: {  	s2 =	rddreg [dreg:$0x1]  }
0x3: {  	s3 =	rddreg [dreg:$0x2]  }
0x4: {  	s0 =	srdreg.scid;
	s1 =	rddreg [dreg:$0x3];
	s4 =	simm.s32 $0x0  }
0x5: {  	s14 =	simm.s32 $0x80;
	s15 =	simm.s32 $0x2800;
	s16 =	simm.s32 $0x6800  }
0x6: {  	s17 =	simm.s32 $0x1;
	s18 =	simm.s32 $0x2;
	s7 =	sand.u32 $0x1, s0  }
0x7: {  	s19 =	simm.s32 $0x1380;
	s0 =	stileid.u32;
	s5 =	smul.u32 $0x280, s7  }
0x8: {  	s20 =	simm.s32 $0x2700;
	s21 =	simm.s32 $0x2780;
	s8 =	smul.u32 $0x28, s0  }
0x9: {  	s22 =	simm.s32 $0x0;
	[smem:$0x7FF] =	sst s4;
	s9 =	smul.u32 $0x140000, s7  }
0xa: {  	s10 =	smul.u32 $0x14000, s0;
	_ =	strace $0x8000004A;
	s7 =	ssub.s32 $0x2, s7  }
0xb: {  	s30 =	smul.u32 $0x50000, s0;
	s12 =	sshll.u32 s0, $0x6;
	s31 =	sshrl.u32 s7, $0x1  }
0xc: {  	s12 =	sor.u32 $0x1C03, s12;
	s8 =	sadd.s32 s8, s5;
	s5 =	sadd.s32 $0xEE00, s6  }
0xd: {  	s9 =	sadd.s32 s10, s9;
	s11 =	ssub.s32 s7, s31;
	s10 =	sshrl.u32 s30, $0x2  }
0xe: {  	s8 =	sshll.u32 s8, $0x4;
	s9 =	sshrl.u32 s9, $0x3;
	s13 =	sadd.s32 s10, s3  }
0xf: {  	s10 =	simm.s32 $0x3;
	s8 =	sadd.s32 s8, s6;
	s9 =	sadd.s32 s9, s6  }
0x10: {  	s13 =	sshrl.u32 s13, $0x3;
	s6 =	sadd.s32 $0x9E00, s8;
	s7 =	sadd.s32 $0x4E00, s8  }
0x11: {  	s8 =	sadd.s32 $0xAF400, s9;
	s9 =	smax.u32 s11, $0x1;
	s11 =	simm.s32 $0x1400  }
.LBB2_1:
0x12: {  	[tilespmem:s4], [sflag:$0x3] =	stream.linear.gather [hbm4b:s6+s4], $0x1400, $0x38;
	[tilespmem:$0x1E800] =	vst v63  }
0x13: {  	_ =	swait.ge [sflag:s10], $0x1400  }
0x14: {  	[sflag:s10] =	ssyncset.done $0x0  }
0x15: {  	[sflag:s10] =	ssyncadd.s32 $0xFFFFEC00  }
0x16: {  	[tilespmem:s11], [sflag:$0x3] =	stream.linear.gather [hbm4b:s7+s4], $0x1400, $0x38;
	[tilespmem:$0x1E800] =	vst v63  }
0x17: {  	_ =	swait.ge [sflag:s10], $0x1400  }
0x18: {  	[sflag:s10] =	ssyncset.done $0x0  }
0x19: {  	[sflag:s10] =	ssyncadd.s32 $0xFFFFEC00  }
0x1a: {  	[spmem:s13], [sflag:s12] =	dma.local [hbm:s2], $0x2800  }
0x1b: {  	_ =	swait.ge [sflag:s10], $0x2800  }
0x1c: {  	[sflag:s10] =	ssyncset.done $0x0  }
0x1d: {  	[sflag:s10] =	ssyncadd.s32 $0xFFFFD800  }
0x1e: {  	[bflag:$0x0] =	sbarrier.arrive $0xFFFF  }
0x1f: {  	[tilespmem:s15], [sflag:$0x1] =	stream.indirect.gather [hbm4b:s5+s14], $0x80, s4, s14, $0xb8;
	[tilespmem:$0x1E800] =	vst v63  }
0x20: {  	s23 =	simm.s32 $0x80  }
0x21: {  	[tilespmem:s16], [sflag:$0x2] =	stream.indirect.gather [hbm4b:s5+s14], $0x80, s23, s14, $0xb8;
	[tilespmem:$0x1E800] =	vst v63  }
0x22: {  	_ =	swait.ge [sflag:s17], $0x4000  }
0x23: {  	[sflag:s17] =	ssyncset.done $0x0  }
0x24: {  	s29 =	simm.s32 $0x1400;
	[sflag:s17] =	ssyncadd.s32 $0xFFFFC000  }
0x25: {  	[spmem:s3] =	stream.indirect.scatter.add.f32 [tilespmem:s15], [sflag:$0x3], $0x80, s29, s14, $0xb8;
	[tilespmem:$0x1E800] =	vst v63  }
0x26: {  	_ =	swait.ge [sflag:s10], $0x4000  }
0x27: {  	[sflag:s10] =	ssyncset.done $0x0  }
0x28: {  	s30 =	simm.s32 $0x100;
	[sflag:s10] =	ssyncadd.s32 $0xFFFFC000  }
0x29: {  	[tilespmem:s15], [sflag:$0x1] =	stream.indirect.gather [hbm4b:s5+s14], $0x80, s30, s14, $0xb8;
	[tilespmem:$0x1E800] =	vst v63  }
0x2a: {  	_ =	swait.ge [sflag:s18], $0x4000  }
0x2b: {  	[sflag:s18] =	ssyncset.done $0x0  }
0x2c: {  	s31 =	simm.s32 $0x1480;
	[sflag:s18] =	ssyncadd.s32 $0xFFFFC000  }
0x2d: {  	[spmem:s3] =	stream.indirect.scatter.add.f32 [tilespmem:s16], [sflag:$0x3], $0x80, s31, s14, $0xb8;
	[tilespmem:$0x1E800] =	vst v63  }
0x2e: {  	_ =	swait.ge [sflag:s10], $0x4000  }
0x2f: {  	s24 =	simm.s32 $0x800;
	s23 =	simm.s32 $0x100;
	[sflag:s10] =	ssyncset.done $0x0  }
.LBB2_2:
0x30: {  	s25 =	sadd.s32 $0x80, s23  }
0x31: {  	[sflag:s10] =	ssyncadd.s32 $0xFFFFC000;
	s26 =	smov.u32 s24;
	s28 =	sadd.s32 $0x400, s24  }
0x32: {  	[tilespmem:s16], [sflag:$0x2] =	stream.indirect.gather [hbm4b:s5+s14], $0x80, s25, s14, $0xb8;
	[tilespmem:$0x1E800] =	vst v63  }
0x33: {  	p0 =	sne.s32 s24, $0x4800;
	_ =	swait.ge [sflag:s17], $0x4000  }
0x34: {  	[sflag:s17] =	ssyncset.done $0x0  }
0x35: {  	s24 =	sadd.s32 $0x1400, s23;
	[sflag:s17] =	ssyncadd.s32 $0xFFFFC000  }
0x36: {  	[spmem:s3] =	stream.indirect.scatter.add.f32 [tilespmem:s15], [sflag:$0x3], $0x80, s24, s14, $0xb8;
	[tilespmem:$0x1E800] =	vst v63  }
0x37: {  	_ =	swait.ge [sflag:s10], $0x4000  }
0x38: {  	[sflag:s10] =	ssyncset.done $0x0  }
0x39: {  	s24 =	sadd.s32 $0x100, s23;
	[sflag:s10] =	ssyncadd.s32 $0xFFFFC000  }
0x3a: {  	[tilespmem:s15], [sflag:$0x1] =	stream.indirect.gather [hbm4b:s5+s14], $0x80, s24, s14, $0xb8;
	[tilespmem:$0x1E800] =	vst v63  }
0x3b: {  	_ =	swait.ge [sflag:s18], $0x4000  }
.Ltmp0:
0x3c: {  	[sflag:s18] =	ssyncset.done $0x0;
	(pc) =	sbr.rel @p0 .LBB2_2-.Ltmp0, $4  }
0x3d: {  	s23 =	sadd.s32 $0x1480, s23;
	[sflag:s18] =	ssyncadd.s32 $0xFFFFC000  }
0x3e: {  	[spmem:s3] =	stream.indirect.scatter.add.f32 [tilespmem:s16], [sflag:$0x3], $0x80, s23, s14, $0xb8;
	[tilespmem:$0x1E800] =	vst v63  }
0x3f: {  	_ =	swait.ge [sflag:s10], $0x4000  }
0x40: {  	s24 =	smov.u32 s28;
	s23 =	sshra.s32 s26, $0x2;
	[sflag:s10] =	ssyncset.done $0x0  }
0x41: {  	s24 =	sadd.s32 $0x80, s23;
	[sflag:s10] =	ssyncadd.s32 $0xFFFFC000  }
0x42: {  	[tilespmem:s16], [sflag:$0x2] =	stream.indirect.gather [hbm4b:s5+s14], $0x80, s24, s14, $0xb8;
	[tilespmem:$0x1E800] =	vst v63  }
0x43: {  	_ =	swait.ge [sflag:s17], $0x4000  }
0x44: {  	[sflag:s17] =	ssyncset.done $0x0  }
0x45: {  	s29 =	sadd.s32 $0x1400, s23;
	[sflag:s17] =	ssyncadd.s32 $0xFFFFC000  }
0x46: {  	[spmem:s3] =	stream.indirect.scatter.add.f32 [tilespmem:s15], [sflag:$0x3], $0x80, s29, s14, $0xb8;
	[tilespmem:$0x1E800] =	vst v63  }
0x47: {  	_ =	swait.ge [sflag:s10], $0x4000  }
0x48: {  	[sflag:s10] =	ssyncset.done $0x0  }
0x49: {  	s30 =	sadd.s32 $0x100, s23;
	[sflag:s10] =	ssyncadd.s32 $0xFFFFC000  }
0x4a: {  	[tilespmem:s15], [sflag:$0x1] =	stream.indirect.gather [hbm4b:s5+s14], $0x80, s30, s14, $0xb8;
	[tilespmem:$0x1E800] =	vst v63  }
0x4b: {  	_ =	swait.ge [sflag:s18], $0x4000  }
0x4c: {  	[sflag:s18] =	ssyncset.done $0x0  }
0x4d: {  	s31 =	sadd.s32 $0x1480, s23;
	[sflag:s18] =	ssyncadd.s32 $0xFFFFC000  }
0x4e: {  	[spmem:s3] =	stream.indirect.scatter.add.f32 [tilespmem:s16], [sflag:$0x3], $0x80, s31, s14, $0xb8;
	[tilespmem:$0x1E800] =	vst v63  }
0x4f: {  	_ =	swait.ge [sflag:s10], $0x4000  }
0x50: {  	[sflag:s10] =	ssyncset.done $0x0  }
0x51: {  	[sflag:s10] =	ssyncadd.s32 $0xFFFFC000  }
0x52: {  	[tilespmem:s16], [sflag:$0x2] =	stream.indirect.gather [hbm4b:s5+s14], $0x80, s19, s14, $0xb8;
	[tilespmem:$0x1E800] =	vst v63  }
0x53: {  	_ =	swait.ge [sflag:s17], $0x4000  }
0x54: {  	[sflag:s17] =	ssyncset.done $0x0  }
0x55: {  	[sflag:s17] =	ssyncadd.s32 $0xFFFFC000  }
0x56: {  	[spmem:s3] =	stream.indirect.scatter.add.f32 [tilespmem:s15], [sflag:$0x3], $0x80, s20, s14, $0xb8;
	[tilespmem:$0x1E800] =	vst v63  }
0x57: {  	_ =	swait.ge [sflag:s10], $0x4000  }
0x58: {  	[sflag:s10] =	ssyncset.done $0x0  }
0x59: {  	[sflag:s10] =	ssyncadd.s32 $0xFFFFC000  }
0x5a: {  	_ =	swait.ge [sflag:s18], $0x4000  }
0x5b: {  	[sflag:s18] =	ssyncset.done $0x0  }
0x5c: {  	[sflag:s18] =	ssyncadd.s32 $0xFFFFC000  }
0x5d: {  	[spmem:s3] =	stream.indirect.scatter.add.f32 [tilespmem:s16], [sflag:$0x3], $0x80, s21, s14, $0xb8;
	[tilespmem:$0x1E800] =	vst v63  }
0x5e: {  	_ =	swait.ge [sflag:s10], $0x4000  }
0x5f: {  	s22 =	sadd.s32 $0x1, s22;
	[sflag:s10] =	ssyncset.done $0x0  }
0x60: {  	p0 =	sne.s32 s22, s9;
	[sflag:s10] =	ssyncadd.s32 $0xFFFFC000  }
.Ltmp1:
0x61: {  	[bflag:$0x0] =	sbarrier.arrive $0xFFFF;
	(pc) =	sbr.rel @p0 .LBB2_1-.Ltmp1, $4  }
0x62: {  	[hbm:s8], [sflag:s12] =	dma.local [spmem:s13], $0x2800  }
0x63: {  	_ =	swait.ge [sflag:s10], $0x2800  }
0x64: {  	[sflag:s10] =	ssyncset.done $0x0  }
0x65: {  	[sflag:s10] =	ssyncadd.s32 $0xFFFFD800  }
0x66: {  	_ =	sfence.sel $0x180000  }
0x67: {  	[bflag:$0x0] =	sbarrier.arrive $0xFFFF  }
0x68: {  	p0 =	sne.s32 s0, $0x0;
	_ =	strace $0x9000004A  }
0x69: {  	s0 =	sadd.s32 @!p0 $0x100000, s1;
	[bflag:$0x2] =	sbarrier.arrive $0xFFFF  }
0x6a: {  	[sflag:s0] =	ssyncadd.tile.s32 @!p0 $0x1;
	_ =	shalt  }
.Lfunc_end2:
_tile_overlayer_lowered:
.L_overlay_start_2:
0x6b: {  	(tag) =	ssettag $0x2  }
0x6c: {  	s0 =	rddreg [dreg:$0x0];
	s2 =	stileid.u32  }
0x6d: {  	s1 =	rddreg [dreg:$0x1];
	p0 =	sne.s32 s2, $0x0  }
0x6e: {  	s3 =	rddreg [dreg:$0x2];
	[bflag:$0x3] =	sbarrier.arrive $0xFFFF;
	s2 =	simm.s32 @!p0 $0x1C03  }
0x6f: {  	[timem:s3], [sflag:s2] =	dma.local @!p0 [hbm:s0], s1  }
0x70: {  	s0 =	simm.s32 @!p0 $0x3  }
0x71: {  	_ =	swait.ge @!p0 [sflag:s0], s1  }
0x72: {  	s1 =	ssub.s32 @!p0 $0x0, s1;
	[sflag:s0] =	ssyncset.done @!p0 $0x0  }
0x73: {  	[sflag:s0] =	ssyncadd.s32 @!p0 s1  }
0x74: {  	[bflag:$0x3] =	sbarrier.arrive $0xFFFF  }
0x75: {  	_ =	shalt  }

// kernel: kernel.20.cloned.1.call-start
scs
__scs_entry_jumppad:
0x0: {  	(pc) =	sbr.rel $0x88, $3  }
0x1: {  	(tag) =	ssettag $0x0;
	lr =	simm.s32 $0x1  }
0x2: {  	[smem:$0x3F93] =	sst lr;
	_ =	strace $0xD0000000  }
0x3: {  	_ = 	snop  }
0x4: {  	_ = 	snop  }
0x5: {  	_ = 	snop  }
0x6: {  	_ = 	snop  }
0x7: {  	_ = 	snop  }
__scs_overlays_trampoline_lowered:
0x8: {  	[smem:$0x3FA2] =	sst s0  }
0x9: {  	[smem:$0x3FA3] =	sst s1  }
0xa: {  	[smem:$0x3FA4] =	sst s2  }
0xb: {  	[smem:$0x3FA5] =	sst s3  }
0xc: {  	[smem:$0x3FA6] =	sst s4  }
0xd: {  	[smem:$0x3FA7] =	sst s5  }
0xe: {  	[smem:$0x3FA8] =	sst s6  }
0xf: {  	[smem:$0x3FA9] =	sst s7  }
0x10: {  	[smem:$0x3FAA] =	sst s8  }
0x11: {  	[smem:$0x3FAB] =	sst s9;
	s0 =	simm.s32 @!p0 $0x0  }
0x12: {  	s1 =	sld [smem:$0x3F91];
	s0 =	simm.s32 @p0 $0x1  }
0x13: {  	[smem:$0x3FAC] =	sst s0;
	s0 =	simm.s32 @!p1 $0x0  }
0x14: {  	s2 =	sld [smem:$0x3F90];
	s0 =	simm.s32 @p1 $0x1  }
0x15: {  	[smem:$0x3FAD] =	sst s0;
	s0 =	simm.s32 @!p2 $0x0  }
0x16: {  	s3 =	sld [smem:$0x3FDB];
	s0 =	simm.s32 @p2 $0x1  }
0x17: {  	s4 =	simm.s32 $0x1BF5;
	[smem:$0x3FAF] =	sst s0  }
0x18: {  	s0 =	sld [smem:$0x3F92];
	_ =	swait.ge [sflag:s4], $0x0  }
0x19: {  	s7 =	sld [smem:$0x3F93]  }
0x1a: {  	s8 =	sadd.s32 $0xFFFFE003, lr  }
0x1b: {  	s9 =	sadd.s32 $0xFFFFFEF7, lr;
	s5 =	simm.s32 $0xFFFFFFFF;
	p2 =	slt.u32 s8, $0xFFFFF086  }
0x1c: {  	p1 =	slt.u32 s9, $0xF7A;
	s5 =	simm.s32 @!p2 $0x0  }
0x1d: {  	s5 =	simm.s32 @p1 $0x1;
	p0 =	seq.s32 s7, s2  }
0x1e: {  	s7 =	smul.u32 @!p0 $0xF7A, s2;
	p2 =	seq.s32 @!p0 s5, $0x0  }
0x1f: {  	s9 =	smul.u32 $0xF7A, s1;
	s8 =	simm.s32 @!p0 $0x1BF5;
	p2 =	por !p2, p0  }
0x20: {  	[sflag:s8] =	ssyncset.s32 @!p0 $0xFFFFF086;
	s6 =	sadd.s32 @!p0 s3, s7;
	s7 =	simm.s32 @!p0 $0x108  }
0x21: {  	s3 =	sadd.s32 s3, s9;
	s6 =	sadd.s32 @!p0 $0x88, s6;
	s7 =	simm.s32 @p2 $0x1082  }
0x22: {  	[simem:s7], [sflag:s8] =	dma.local @!p0 [hbm:s6], $0xF7A  }
0x23: {  	s9 =	sor.u32 $0xD0000000, s2;
	s6 =	simm.s32 $0x108;
	_ =	swait.ge @!p0 [sflag:s8], $0x0  }
0x24: {  	s3 =	sadd.s32 $0x88, s3;
	s6 =	simm.s32 @!p1 $0x1082;
	[sflag:s4] =	ssyncset.s32 $0xFFFFF086  }
0x25: {  	[simem:s6], [sflag:s4] =	dma.local [hbm:s3], $0xF7A  }
0x26: {  	[smem:$0x3F93] =	sst s1;
	(tag) =	ssettag s2;
	_ =	strace s9  }
0x27: {  	s1 =	sld [smem:$0x3FA3]  }
0x28: {  	s2 =	sld [smem:$0x3FA4]  }
0x29: {  	s4 =	sld [smem:$0x3FA6]  }
0x2a: {  	p0 =	seq.s32 s5, $0x0;
	s5 =	sld [smem:$0x3FA7]  }
0x2b: {  	s6 =	sld [smem:$0x3FA8]  }
0x2c: {  	s7 =	sld [smem:$0x3FA9]  }
0x2d: {  	s3 =	simm.s32 $0x108;
	s8 =	sld [smem:$0x3FAA]  }
0x2e: {  	s3 =	simm.s32 @!p0 $0x1082;
	s9 =	sld [smem:$0x3FAB]  }
0x2f: {  	lr =	sadd.s32 s0, s3;
	s0 =	sld [smem:$0x3FA2]  }
0x30: {  	s3 =	sld [smem:$0x3FA5]  }
0x31: {  	[smem:$0x3FAE] =	sst s10  }
0x32: {  	s10 =	sld [smem:$0x3FAC];
	_ =	sdelay $0x3  }
0x33: {  	p0 =	seq.s32 s10, $0x1;
	s10 =	sld [smem:$0x3FAE];
	_ =	sdelay $0x3  }
0x34: {  	[smem:$0x3FAE] =	sst s10  }
0x35: {  	s10 =	sld [smem:$0x3FAD];
	_ =	sdelay $0x3  }
0x36: {  	p1 =	seq.s32 s10, $0x1;
	s10 =	sld [smem:$0x3FAE];
	_ =	sdelay $0x3  }
0x37: {  	[smem:$0x3FAE] =	sst s10  }
0x38: {  	s10 =	sld [smem:$0x3FAF]  }
0x39: {  	_ = 	snop;
	(pc) =	sbr.ind lr, $3  }
0x3a: {  	_ = 	snop  }
0x3b: {  	_ = 	snop  }
0x3c: {  	p2 =	seq.s32 s10, $0x1;
	s10 =	sld [smem:$0x3FAE]  }
0x3d: {  	_ =	shalt  }
0x3e: {  	_ =	shalt  }
0x3f: {  	_ =	shalt  }
0x40: {  	_ =	shalt  }
0x41: {  	_ =	shalt  }
0x42: {  	_ =	shalt  }
0x43: {  	_ =	shalt  }
0x44: {  	_ =	shalt  }
0x45: {  	_ =	shalt  }
0x46: {  	_ =	shalt  }
0x47: {  	_ =	shalt  }
0x48: {  	_ =	shalt  }
0x49: {  	_ =	shalt  }
0x4a: {  	_ =	shalt  }
0x4b: {  	_ =	shalt  }
0x4c: {  	_ =	shalt  }
0x4d: {  	_ =	shalt  }
0x4e: {  	_ =	shalt  }
0x4f: {  	_ =	shalt  }
0x50: {  	_ =	shalt  }
0x51: {  	_ =	shalt  }
0x52: {  	_ =	shalt  }
0x53: {  	_ =	shalt  }
0x54: {  	_ =	shalt  }
0x55: {  	_ =	shalt  }
0x56: {  	_ =	shalt  }
0x57: {  	_ =	shalt  }
0x58: {  	_ =	shalt  }
0x59: {  	_ =	shalt  }
0x5a: {  	_ =	shalt  }
0x5b: {  	_ =	shalt  }
0x5c: {  	_ =	shalt  }
0x5d: {  	_ =	shalt  }
0x5e: {  	_ =	shalt  }
0x5f: {  	_ =	shalt  }
0x60: {  	_ =	shalt  }
0x61: {  	_ =	shalt  }
0x62: {  	_ =	shalt  }
0x63: {  	_ =	shalt  }
0x64: {  	_ =	shalt  }
0x65: {  	_ =	shalt  }
0x66: {  	_ =	shalt  }
0x67: {  	_ =	shalt  }
0x68: {  	_ =	shalt  }
0x69: {  	_ =	shalt  }
0x6a: {  	_ =	shalt  }
0x6b: {  	_ =	shalt  }
0x6c: {  	_ =	shalt  }
0x6d: {  	_ =	shalt  }
0x6e: {  	_ =	shalt  }
0x6f: {  	_ =	shalt  }
0x70: {  	_ =	shalt  }
0x71: {  	_ =	shalt  }
0x72: {  	_ =	shalt  }
0x73: {  	_ =	shalt  }
0x74: {  	_ =	shalt  }
0x75: {  	_ =	shalt  }
0x76: {  	_ =	shalt  }
0x77: {  	_ =	shalt  }
0x78: {  	_ =	shalt  }
0x79: {  	_ =	shalt  }
0x7a: {  	_ =	shalt  }
0x7b: {  	_ =	shalt  }
0x7c: {  	_ =	shalt  }
0x7d: {  	_ =	shalt  }
0x7e: {  	_ =	shalt  }
0x7f: {  	_ =	shalt  }
0x80: {  	_ =	shalt  }
0x81: {  	_ =	shalt  }
0x82: {  	_ =	shalt  }
0x83: {  	_ =	shalt  }
0x84: {  	_ =	shalt  }
0x85: {  	_ =	shalt  }
0x86: {  	_ =	shalt  }
0x87: {  	_ =	shalt  }
.Lfunc_end0:
.L_simem_size_0:
called_computation.3_lowered:
.L_overlay_start_0:
0x88: {  	s2 =	sld [smem:$0x3FD9]  }
0x89: {  	s3 =	sld [smem:$0x3FFE];
	_ =	sdelay $0x1  }
0x8a: {  	s1 =	srdreg.scid  }
0x8b: {  	s0 =	sand.u32 $0x1, s1  }
0x8c: {  	s14 =	sshll.u32 s0, $0xA;
	s2 =	sadd.s32 s3, s2  }
0x8d: {  	s2 =	sadd.s32 s2, s14  }
0x8e: {  	[smem:$0x3FBA] =	sst s2  }
0x8f: {  	_ = 	snop  }
0x90: {  	s2 =	sld [smem:$0x3FD0];
	_ =	sdelay $0x2  }
0x91: {  	s15 =	simm.s32 $0xB;
	s4 =	simm.s32 $0x10  }
0x92: {  	[smem:s4], [sflag:s15] =	dma.local [hbm:s2], $0x1  }
0x93: {  	_ =	swait.eq [sflag:s15], $0x1  }
0x94: {  	[sflag:s15] =	ssyncset.done $0x0  }
0x95: {  	s16 =	sld [smem:$0x10];
	[sflag:s15] =	ssyncadd.s32 $0xFFFFFFFF  }
0x96: {  	s17 =	sld [smem:$0x11];
	(tm) =	ssettm $0x1  }
0x97: {  	s18 =	sld [smem:$0x3FFB];
	_ =	sdelay $0x3  }
0x98: {  	_ =	strace s18  }
0x99: {  	s4 =	sld [smem:$0x3FFC];
	_ =	sdelay $0x3  }
0x9a: {  	_ =	strace s4  }
0x9b: {  	s4 =	sld [smem:$0x3FFD];
	_ =	sdelay $0x3  }
0x9c: {  	_ =	strace s4  }
0x9d: {  	_ =	strace $0x8FFFFFFF  }
0x9e: {  	s19 =	sld [smem:$0x3FDB];
	_ =	sdelay $0x1  }
0x9f: {  	s5 =	simm.s32 $_scs_section_size  }
0xa0: {  	s6 =	simm.s32 $_size__tile_overlayer_lowered;
	s7 =	simm.s32 $_tile_overlayer_lowered  }
0xa1: {  	s22 =	simm.s32 $0x1BFF;
	s21 =	sshll.u32 s7, $0x1;
	s4 =	sadd.s32 s5, s19  }
0xa2: {  	s8 =	simm.s32 $0x0;
	s20 =	sshll.u32 s6, $0x1;
	s6 =	sadd.s32 s21, s4  }
0xa3: {  	[timem:s8], [sflag:s22] =	dma.local [hbm:s6], s20  }
0xa4: {  	_ =	swait.ge [sflag:s22], s20  }
0xa5: {  	s5 =	ssub.s32 $0x0, s20;
	[sflag:s22] =	ssyncset.done $0x0  }
0xa6: {  	[sflag:s22] =	ssyncadd.s32 s5;
	_ =	sdelay $0x1  }
0xa7: {  	s23 =	simm.s32 $0x1B8B  }
0xa8: {  	_ =	swait.ge [sflag:s23], $0x1  }
0xa9: {  	[sflag:s23] =	ssyncset.done $0x0  }
0xaa: {  	s25 =	simm.s32 $0x1B8E;
	s24 =	sld [smem:$0x3FFE];
	[sflag:s23] =	ssyncadd.s32 $0xFFFFFFFF  }
0xab: {  	s26 =	simm.s32 $execute0_lowered;
	[smem:$0x3FD2] =	sst s25  }
0xac: {  	s6 =	sshll.u32 s26, $0x1;
	_ =	strace $0x8000004F;
	[dreg:$0x1] =	wrdreg $0xFFFFFFFF  }
0xad: {  	s28 =	simm.s32 $_size_execute0_lowered;
	s4 =	sadd.s32 s4, s6;
	[dreg:$0x0] =	wrdreg $0x0  }
0xae: {  	s6 =	sshll.u32 s28, $0x1;
	[dreg:$0x2] =	wrdreg s4  }
0xaf: {  	[dreg:$0x3] =	wrdreg s6  }
0xb0: {  	[dreg:$0x4] =	wrdreg $0xC0  }
0xb1: {  	_ =	task [dreg:s8], $0x5FFFF  }
0xb2: {  	[dreg:$0x1] =	wrdreg $0xFFFFFFFF  }
0xb3: {  	[dreg:$0x0] =	wrdreg $0x60  }
0xb4: {  	[dreg:$0x2] =	wrdreg s16  }
0xb5: {  	[dreg:$0x3] =	wrdreg s24  }
0xb6: {  	[dreg:$0x4] =	wrdreg s17  }
0xb7: {  	[dreg:$0x5] =	wrdreg $0xA8000  }
0xb8: {  	[dreg:$0x6] =	wrdreg $0x9  }
0xb9: {  	_ =	task.clear_ibuf [dreg:s8], $0x7FFFF;
	_ =	strace $0x9000004F  }
0xba: {  	s29 =	simm.s32 $0x9;
	_ =	strace $0x80000051  }
0xbb: {  	_ =	swait.ge [sflag:s29], $0x1  }
0xbc: {  	[sflag:s29] =	ssyncadd.s32 $0xFFFFFFFF  }
0xbd: {  	_ =	strace $0x90000051  }
0xbe: {  	_ =	sfence  }
0xbf: {  	s30 =	sld [smem:$0x0];
	_ =	sdelay $0x2  }
0xc0: {  	s31 =	sshll.u32 s1, $0xD;
	s1 =	sshrl.u32 s1, $0x2  }
0xc1: {  	s3 =	sand.u32 $0x4000, s31;
	s1 =	sadd.s32 s1, s30  }
0xc2: {  	s0 =	sor.u32 s3, s0;
	s1 =	sshll.u32 s1, $0x11  }
0xc3: {  	s0 =	sor.u32 s1, s0  }
0xc4: {  	s0 =	sadd.s32 $0x8F2B, s0  }
0xc5: {  	[sflag:s0] =	ssyncadd.remote.s32 $0x1  }
0xc6: {  	_ =	sfence.sel $0xFFFF  }
0xc7: {  	[dreg:$0x0] =	wrdreg $0xFFFFFFFF;
	(pc) =	sbr.abs _section_cstart, $3  }
0xc8: {  	[dreg:$0x1] =	wrdreg $0xFFFFFFFF  }
0xc9: {  	_ =	task.clear_ibuf [dreg:s8], $0x2FFFF;
	_ =	strace $0x9FFFFFFF  }
0xca: {  	(tm) =	ssettm $0x7FFFFFFF  }
0xcb: {  	_ =	shalt  }
tec
execute0_lowered:
.L_overlay_start_1:
0x0: {  	(tag) =	ssettag $0x1  }
0x1: {  	s1 =	rddreg [dreg:$0x0]  }
0x2: {  	s6 =	rddreg [dreg:$0x1]  }
0x3: {  	s3 =	rddreg [dreg:$0x2]  }
0x4: {  	s4 =	rddreg [dreg:$0x3]  }
0x5: {  	s0 =	srdreg.scid;
	s2 =	rddreg [dreg:$0x4]  }
0x6: {  	s5 =	simm.s32 $0x0;
	s14 =	simm.s32 $0x80;
	s15 =	simm.s32 $0x2800  }
0x7: {  	s16 =	simm.s32 $0x6800;
	s17 =	simm.s32 $0x1;
	s7 =	sand.u32 $0x1, s0  }
0x8: {  	s18 =	simm.s32 $0x2;
	s0 =	stileid.u32;
	s8 =	smul.u32 $0x280, s7  }
0x9: {  	s19 =	simm.s32 $0x1380;
	s20 =	simm.s32 $0x2700;
	s9 =	smul.u32 $0x28, s0  }
0xa: {  	s21 =	simm.s32 $0x2780;
	[smem:$0x7FF] =	sst s5;
	s10 =	smul.u32 $0x140000, s7  }
0xb: {  	s22 =	simm.s32 $0x0;
	s11 =	smul.u32 $0x14000, s0;
	_ =	strace $0x80000050  }
0xc: {  	s7 =	ssub.s32 $0x2, s7;
	s29 =	smul.u32 $0x50000, s0;
	s12 =	sshll.u32 s0, $0x6  }
0xd: {  	s30 =	sshrl.u32 s7, $0x1;
	s12 =	sor.u32 $0x1C03, s12;
	s8 =	sadd.s32 s9, s8  }
0xe: {  	s28 =	sadd.s32 s11, s10;
	s31 =	ssub.s32 s7, s30;
	s10 =	sshrl.u32 s29, $0x2  }
0xf: {  	s11 =	simm.s32 $0x1400;
	s8 =	sshll.u32 s8, $0x4;
	s9 =	sshrl.u32 s28, $0x3  }
0x10: {  	s13 =	sadd.s32 s10, s4;
	s10 =	simm.s32 $0x3;
	s8 =	sadd.s32 s8, s6  }
0x11: {  	s9 =	sadd.s32 s9, s6;
	s13 =	sshrl.u32 s13, $0x3;
	s6 =	sadd.s32 $0x9E00, s8  }
0x12: {  	s7 =	sadd.s32 $0x4E00, s8;
	s8 =	sadd.s32 $0xEE00, s9;
	s9 =	smax.u32 s31, $0x1  }
.LBB2_1:
0x13: {  	[tilespmem:s5], [sflag:$0x3] =	stream.linear.gather [hbm4b:s6+s5], $0x1400, $0x38;
	[tilespmem:$0x1E800] =	vst v63  }
0x14: {  	_ =	swait.ge [sflag:s10], $0x1400  }
0x15: {  	[sflag:s10] =	ssyncset.done $0x0  }
0x16: {  	[sflag:s10] =	ssyncadd.s32 $0xFFFFEC00  }
0x17: {  	[tilespmem:s11], [sflag:$0x3] =	stream.linear.gather [hbm4b:s7+s5], $0x1400, $0x38;
	[tilespmem:$0x1E800] =	vst v63  }
0x18: {  	_ =	swait.ge [sflag:s10], $0x1400  }
0x19: {  	[sflag:s10] =	ssyncset.done $0x0  }
0x1a: {  	[sflag:s10] =	ssyncadd.s32 $0xFFFFEC00  }
0x1b: {  	[spmem:s13], [sflag:s12] =	dma.local [hbm:s3], $0x2800  }
0x1c: {  	_ =	swait.ge [sflag:s10], $0x2800  }
0x1d: {  	[sflag:s10] =	ssyncset.done $0x0  }
0x1e: {  	[sflag:s10] =	ssyncadd.s32 $0xFFFFD800  }
0x1f: {  	[bflag:$0x0] =	sbarrier.arrive $0xFFFF  }
0x20: {  	[tilespmem:s15], [sflag:$0x1] =	stream.indirect.gather [hbm4b:s1+s14], $0x80, s5, s14, $0xb8;
	[tilespmem:$0x1E800] =	vst v63  }
0x21: {  	s23 =	simm.s32 $0x80  }
0x22: {  	[tilespmem:s16], [sflag:$0x2] =	stream.indirect.gather [hbm4b:s1+s14], $0x80, s23, s14, $0xb8;
	[tilespmem:$0x1E800] =	vst v63  }
0x23: {  	_ =	swait.ge [sflag:s17], $0x4000  }
0x24: {  	[sflag:s17] =	ssyncset.done $0x0  }
0x25: {  	s29 =	simm.s32 $0x1400;
	[sflag:s17] =	ssyncadd.s32 $0xFFFFC000  }
0x26: {  	[spmem:s4] =	stream.indirect.scatter.add.f32 [tilespmem:s15], [sflag:$0x3], $0x80, s29, s14, $0xb8;
	[tilespmem:$0x1E800] =	vst v63  }
0x27: {  	_ =	swait.ge [sflag:s10], $0x4000  }
0x28: {  	[sflag:s10] =	ssyncset.done $0x0  }
0x29: {  	s30 =	simm.s32 $0x100;
	[sflag:s10] =	ssyncadd.s32 $0xFFFFC000  }
0x2a: {  	[tilespmem:s15], [sflag:$0x1] =	stream.indirect.gather [hbm4b:s1+s14], $0x80, s30, s14, $0xb8;
	[tilespmem:$0x1E800] =	vst v63  }
0x2b: {  	_ =	swait.ge [sflag:s18], $0x4000  }
0x2c: {  	[sflag:s18] =	ssyncset.done $0x0  }
0x2d: {  	s31 =	simm.s32 $0x1480;
	[sflag:s18] =	ssyncadd.s32 $0xFFFFC000  }
0x2e: {  	[spmem:s4] =	stream.indirect.scatter.add.f32 [tilespmem:s16], [sflag:$0x3], $0x80, s31, s14, $0xb8;
	[tilespmem:$0x1E800] =	vst v63  }
0x2f: {  	_ =	swait.ge [sflag:s10], $0x4000  }
0x30: {  	s24 =	simm.s32 $0x800;
	s23 =	simm.s32 $0x100;
	[sflag:s10] =	ssyncset.done $0x0  }
.LBB2_2:
0x31: {  	s25 =	sadd.s32 $0x80, s23  }
0x32: {  	[sflag:s10] =	ssyncadd.s32 $0xFFFFC000;
	s26 =	smov.u32 s24;
	s28 =	sadd.s32 $0x400, s24  }
0x33: {  	[tilespmem:s16], [sflag:$0x2] =	stream.indirect.gather [hbm4b:s1+s14], $0x80, s25, s14, $0xb8;
	[tilespmem:$0x1E800] =	vst v63  }
0x34: {  	p0 =	sne.s32 s24, $0x4800;
	_ =	swait.ge [sflag:s17], $0x4000  }
0x35: {  	[sflag:s17] =	ssyncset.done $0x0  }
0x36: {  	s24 =	sadd.s32 $0x1400, s23;
	[sflag:s17] =	ssyncadd.s32 $0xFFFFC000  }
0x37: {  	[spmem:s4] =	stream.indirect.scatter.add.f32 [tilespmem:s15], [sflag:$0x3], $0x80, s24, s14, $0xb8;
	[tilespmem:$0x1E800] =	vst v63  }
0x38: {  	_ =	swait.ge [sflag:s10], $0x4000  }
0x39: {  	[sflag:s10] =	ssyncset.done $0x0  }
0x3a: {  	s24 =	sadd.s32 $0x100, s23;
	[sflag:s10] =	ssyncadd.s32 $0xFFFFC000  }
0x3b: {  	[tilespmem:s15], [sflag:$0x1] =	stream.indirect.gather [hbm4b:s1+s14], $0x80, s24, s14, $0xb8;
	[tilespmem:$0x1E800] =	vst v63  }
0x3c: {  	_ =	swait.ge [sflag:s18], $0x4000  }
.Ltmp0:
0x3d: {  	[sflag:s18] =	ssyncset.done $0x0;
	(pc) =	sbr.rel @p0 .LBB2_2-.Ltmp0, $4  }
0x3e: {  	s23 =	sadd.s32 $0x1480, s23;
	[sflag:s18] =	ssyncadd.s32 $0xFFFFC000  }
0x3f: {  	[spmem:s4] =	stream.indirect.scatter.add.f32 [tilespmem:s16], [sflag:$0x3], $0x80, s23, s14, $0xb8;
	[tilespmem:$0x1E800] =	vst v63  }
0x40: {  	_ =	swait.ge [sflag:s10], $0x4000  }
0x41: {  	s24 =	smov.u32 s28;
	s23 =	sshra.s32 s26, $0x2;
	[sflag:s10] =	ssyncset.done $0x0  }
0x42: {  	s24 =	sadd.s32 $0x80, s23;
	[sflag:s10] =	ssyncadd.s32 $0xFFFFC000  }
0x43: {  	[tilespmem:s16], [sflag:$0x2] =	stream.indirect.gather [hbm4b:s1+s14], $0x80, s24, s14, $0xb8;
	[tilespmem:$0x1E800] =	vst v63  }
0x44: {  	_ =	swait.ge [sflag:s17], $0x4000  }
0x45: {  	[sflag:s17] =	ssyncset.done $0x0  }
0x46: {  	s29 =	sadd.s32 $0x1400, s23;
	[sflag:s17] =	ssyncadd.s32 $0xFFFFC000  }
0x47: {  	[spmem:s4] =	stream.indirect.scatter.add.f32 [tilespmem:s15], [sflag:$0x3], $0x80, s29, s14, $0xb8;
	[tilespmem:$0x1E800] =	vst v63  }
0x48: {  	_ =	swait.ge [sflag:s10], $0x4000  }
0x49: {  	[sflag:s10] =	ssyncset.done $0x0  }
0x4a: {  	s30 =	sadd.s32 $0x100, s23;
	[sflag:s10] =	ssyncadd.s32 $0xFFFFC000  }
0x4b: {  	[tilespmem:s15], [sflag:$0x1] =	stream.indirect.gather [hbm4b:s1+s14], $0x80, s30, s14, $0xb8;
	[tilespmem:$0x1E800] =	vst v63  }
0x4c: {  	_ =	swait.ge [sflag:s18], $0x4000  }
0x4d: {  	[sflag:s18] =	ssyncset.done $0x0  }
0x4e: {  	s31 =	sadd.s32 $0x1480, s23;
	[sflag:s18] =	ssyncadd.s32 $0xFFFFC000  }
0x4f: {  	[spmem:s4] =	stream.indirect.scatter.add.f32 [tilespmem:s16], [sflag:$0x3], $0x80, s31, s14, $0xb8;
	[tilespmem:$0x1E800] =	vst v63  }
0x50: {  	_ =	swait.ge [sflag:s10], $0x4000  }
0x51: {  	[sflag:s10] =	ssyncset.done $0x0  }
0x52: {  	[sflag:s10] =	ssyncadd.s32 $0xFFFFC000  }
0x53: {  	[tilespmem:s16], [sflag:$0x2] =	stream.indirect.gather [hbm4b:s1+s14], $0x80, s19, s14, $0xb8;
	[tilespmem:$0x1E800] =	vst v63  }
0x54: {  	_ =	swait.ge [sflag:s17], $0x4000  }
0x55: {  	[sflag:s17] =	ssyncset.done $0x0  }
0x56: {  	[sflag:s17] =	ssyncadd.s32 $0xFFFFC000  }
0x57: {  	[spmem:s4] =	stream.indirect.scatter.add.f32 [tilespmem:s15], [sflag:$0x3], $0x80, s20, s14, $0xb8;
	[tilespmem:$0x1E800] =	vst v63  }
0x58: {  	_ =	swait.ge [sflag:s10], $0x4000  }
0x59: {  	[sflag:s10] =	ssyncset.done $0x0  }
0x5a: {  	[sflag:s10] =	ssyncadd.s32 $0xFFFFC000  }
0x5b: {  	_ =	swait.ge [sflag:s18], $0x4000  }
0x5c: {  	[sflag:s18] =	ssyncset.done $0x0  }
0x5d: {  	[sflag:s18] =	ssyncadd.s32 $0xFFFFC000  }
0x5e: {  	[spmem:s4] =	stream.indirect.scatter.add.f32 [tilespmem:s16], [sflag:$0x3], $0x80, s21, s14, $0xb8;
	[tilespmem:$0x1E800] =	vst v63  }
0x5f: {  	_ =	swait.ge [sflag:s10], $0x4000  }
0x60: {  	s22 =	sadd.s32 $0x1, s22;
	[sflag:s10] =	ssyncset.done $0x0  }
0x61: {  	p0 =	sne.s32 s22, s9;
	[sflag:s10] =	ssyncadd.s32 $0xFFFFC000  }
.Ltmp1:
0x62: {  	[bflag:$0x0] =	sbarrier.arrive $0xFFFF;
	(pc) =	sbr.rel @p0 .LBB2_1-.Ltmp1, $4  }
0x63: {  	[hbm:s8], [sflag:s12] =	dma.local [spmem:s13], $0x2800  }
0x64: {  	_ =	swait.ge [sflag:s10], $0x2800  }
0x65: {  	[sflag:s10] =	ssyncset.done $0x0  }
0x66: {  	[sflag:s10] =	ssyncadd.s32 $0xFFFFD800  }
0x67: {  	_ =	sfence.sel $0x180000  }
0x68: {  	[bflag:$0x0] =	sbarrier.arrive $0xFFFF  }
0x69: {  	p0 =	sne.s32 s0, $0x0;
	_ =	strace $0x90000050  }
0x6a: {  	s0 =	sadd.s32 @!p0 $0x100000, s2;
	[bflag:$0x2] =	sbarrier.arrive $0xFFFF  }
0x6b: {  	[sflag:s0] =	ssyncadd.tile.s32 @!p0 $0x1;
	_ =	shalt  }
.Lfunc_end2:
_tile_overlayer_lowered:
.L_overlay_start_2:
0x6c: {  	(tag) =	ssettag $0x2  }
0x6d: {  	s0 =	rddreg [dreg:$0x0];
	s2 =	stileid.u32  }
0x6e: {  	s1 =	rddreg [dreg:$0x1];
	p0 =	sne.s32 s2, $0x0  }
0x6f: {  	s3 =	rddreg [dreg:$0x2];
	[bflag:$0x3] =	sbarrier.arrive $0xFFFF;
	s2 =	simm.s32 @!p0 $0x1C03  }
0x70: {  	[timem:s3], [sflag:s2] =	dma.local @!p0 [hbm:s0], s1  }
0x71: {  	s0 =	simm.s32 @!p0 $0x3  }
0x72: {  	_ =	swait.ge @!p0 [sflag:s0], s1  }
0x73: {  	s1 =	ssub.s32 @!p0 $0x0, s1;
	[sflag:s0] =	ssyncset.done @!p0 $0x0  }
0x74: {  	[sflag:s0] =	ssyncadd.s32 @!p0 s1  }
0x75: {  	[bflag:$0x3] =	sbarrier.arrive $0xFFFF  }
0x76: {  	_ =	shalt  }

// kernel: kernel.23.cloned.1.call-start
scs
__scs_entry_jumppad:
0x0: {  	(pc) =	sbr.rel $0x88, $3  }
0x1: {  	(tag) =	ssettag $0x0;
	lr =	simm.s32 $0x1  }
0x2: {  	[smem:$0x3F93] =	sst lr;
	_ =	strace $0xD0000000  }
0x3: {  	_ = 	snop  }
0x4: {  	_ = 	snop  }
0x5: {  	_ = 	snop  }
0x6: {  	_ = 	snop  }
0x7: {  	_ = 	snop  }
__scs_overlays_trampoline_lowered:
0x8: {  	[smem:$0x3FA2] =	sst s0  }
0x9: {  	[smem:$0x3FA3] =	sst s1  }
0xa: {  	[smem:$0x3FA4] =	sst s2  }
0xb: {  	[smem:$0x3FA5] =	sst s3  }
0xc: {  	[smem:$0x3FA6] =	sst s4  }
0xd: {  	[smem:$0x3FA7] =	sst s5  }
0xe: {  	[smem:$0x3FA8] =	sst s6  }
0xf: {  	[smem:$0x3FA9] =	sst s7  }
0x10: {  	[smem:$0x3FAA] =	sst s8  }
0x11: {  	[smem:$0x3FAB] =	sst s9;
	s0 =	simm.s32 @!p0 $0x0  }
0x12: {  	s1 =	sld [smem:$0x3F91];
	s0 =	simm.s32 @p0 $0x1  }
0x13: {  	[smem:$0x3FAC] =	sst s0;
	s0 =	simm.s32 @!p1 $0x0  }
0x14: {  	s2 =	sld [smem:$0x3F90];
	s0 =	simm.s32 @p1 $0x1  }
0x15: {  	[smem:$0x3FAD] =	sst s0;
	s0 =	simm.s32 @!p2 $0x0  }
0x16: {  	s3 =	sld [smem:$0x3FDB];
	s0 =	simm.s32 @p2 $0x1  }
0x17: {  	s4 =	simm.s32 $0x1BF5;
	[smem:$0x3FAF] =	sst s0  }
0x18: {  	s0 =	sld [smem:$0x3F92];
	_ =	swait.ge [sflag:s4], $0x0  }
0x19: {  	s7 =	sld [smem:$0x3F93]  }
0x1a: {  	s8 =	sadd.s32 $0xFFFFE003, lr  }
0x1b: {  	s9 =	sadd.s32 $0xFFFFFEF7, lr;
	s5 =	simm.s32 $0xFFFFFFFF;
	p2 =	slt.u32 s8, $0xFFFFF086  }
0x1c: {  	p1 =	slt.u32 s9, $0xF7A;
	s5 =	simm.s32 @!p2 $0x0  }
0x1d: {  	s5 =	simm.s32 @p1 $0x1;
	p0 =	seq.s32 s7, s2  }
0x1e: {  	s7 =	smul.u32 @!p0 $0xF7A, s2;
	p2 =	seq.s32 @!p0 s5, $0x0  }
0x1f: {  	s9 =	smul.u32 $0xF7A, s1;
	s8 =	simm.s32 @!p0 $0x1BF5;
	p2 =	por !p2, p0  }
0x20: {  	[sflag:s8] =	ssyncset.s32 @!p0 $0xFFFFF086;
	s6 =	sadd.s32 @!p0 s3, s7;
	s7 =	simm.s32 @!p0 $0x108  }
0x21: {  	s3 =	sadd.s32 s3, s9;
	s6 =	sadd.s32 @!p0 $0x88, s6;
	s7 =	simm.s32 @p2 $0x1082  }
0x22: {  	[simem:s7], [sflag:s8] =	dma.local @!p0 [hbm:s6], $0xF7A  }
0x23: {  	s9 =	sor.u32 $0xD0000000, s2;
	s6 =	simm.s32 $0x108;
	_ =	swait.ge @!p0 [sflag:s8], $0x0  }
0x24: {  	s3 =	sadd.s32 $0x88, s3;
	s6 =	simm.s32 @!p1 $0x1082;
	[sflag:s4] =	ssyncset.s32 $0xFFFFF086  }
0x25: {  	[simem:s6], [sflag:s4] =	dma.local [hbm:s3], $0xF7A  }
0x26: {  	[smem:$0x3F93] =	sst s1;
	(tag) =	ssettag s2;
	_ =	strace s9  }
0x27: {  	s1 =	sld [smem:$0x3FA3]  }
0x28: {  	s2 =	sld [smem:$0x3FA4]  }
0x29: {  	s4 =	sld [smem:$0x3FA6]  }
0x2a: {  	p0 =	seq.s32 s5, $0x0;
	s5 =	sld [smem:$0x3FA7]  }
0x2b: {  	s6 =	sld [smem:$0x3FA8]  }
0x2c: {  	s7 =	sld [smem:$0x3FA9]  }
0x2d: {  	s3 =	simm.s32 $0x108;
	s8 =	sld [smem:$0x3FAA]  }
0x2e: {  	s3 =	simm.s32 @!p0 $0x1082;
	s9 =	sld [smem:$0x3FAB]  }
0x2f: {  	lr =	sadd.s32 s0, s3;
	s0 =	sld [smem:$0x3FA2]  }
0x30: {  	s3 =	sld [smem:$0x3FA5]  }
0x31: {  	[smem:$0x3FAE] =	sst s10  }
0x32: {  	s10 =	sld [smem:$0x3FAC];
	_ =	sdelay $0x3  }
0x33: {  	p0 =	seq.s32 s10, $0x1;
	s10 =	sld [smem:$0x3FAE];
	_ =	sdelay $0x3  }
0x34: {  	[smem:$0x3FAE] =	sst s10  }
0x35: {  	s10 =	sld [smem:$0x3FAD];
	_ =	sdelay $0x3  }
0x36: {  	p1 =	seq.s32 s10, $0x1;
	s10 =	sld [smem:$0x3FAE];
	_ =	sdelay $0x3  }
0x37: {  	[smem:$0x3FAE] =	sst s10  }
0x38: {  	s10 =	sld [smem:$0x3FAF]  }
0x39: {  	_ = 	snop;
	(pc) =	sbr.ind lr, $3  }
0x3a: {  	_ = 	snop  }
0x3b: {  	_ = 	snop  }
0x3c: {  	p2 =	seq.s32 s10, $0x1;
	s10 =	sld [smem:$0x3FAE]  }
0x3d: {  	_ =	shalt  }
0x3e: {  	_ =	shalt  }
0x3f: {  	_ =	shalt  }
0x40: {  	_ =	shalt  }
0x41: {  	_ =	shalt  }
0x42: {  	_ =	shalt  }
0x43: {  	_ =	shalt  }
0x44: {  	_ =	shalt  }
0x45: {  	_ =	shalt  }
0x46: {  	_ =	shalt  }
0x47: {  	_ =	shalt  }
0x48: {  	_ =	shalt  }
0x49: {  	_ =	shalt  }
0x4a: {  	_ =	shalt  }
0x4b: {  	_ =	shalt  }
0x4c: {  	_ =	shalt  }
0x4d: {  	_ =	shalt  }
0x4e: {  	_ =	shalt  }
0x4f: {  	_ =	shalt  }
0x50: {  	_ =	shalt  }
0x51: {  	_ =	shalt  }
0x52: {  	_ =	shalt  }
0x53: {  	_ =	shalt  }
0x54: {  	_ =	shalt  }
0x55: {  	_ =	shalt  }
0x56: {  	_ =	shalt  }
0x57: {  	_ =	shalt  }
0x58: {  	_ =	shalt  }
0x59: {  	_ =	shalt  }
0x5a: {  	_ =	shalt  }
0x5b: {  	_ =	shalt  }
0x5c: {  	_ =	shalt  }
0x5d: {  	_ =	shalt  }
0x5e: {  	_ =	shalt  }
0x5f: {  	_ =	shalt  }
0x60: {  	_ =	shalt  }
0x61: {  	_ =	shalt  }
0x62: {  	_ =	shalt  }
0x63: {  	_ =	shalt  }
0x64: {  	_ =	shalt  }
0x65: {  	_ =	shalt  }
0x66: {  	_ =	shalt  }
0x67: {  	_ =	shalt  }
0x68: {  	_ =	shalt  }
0x69: {  	_ =	shalt  }
0x6a: {  	_ =	shalt  }
0x6b: {  	_ =	shalt  }
0x6c: {  	_ =	shalt  }
0x6d: {  	_ =	shalt  }
0x6e: {  	_ =	shalt  }
0x6f: {  	_ =	shalt  }
0x70: {  	_ =	shalt  }
0x71: {  	_ =	shalt  }
0x72: {  	_ =	shalt  }
0x73: {  	_ =	shalt  }
0x74: {  	_ =	shalt  }
0x75: {  	_ =	shalt  }
0x76: {  	_ =	shalt  }
0x77: {  	_ =	shalt  }
0x78: {  	_ =	shalt  }
0x79: {  	_ =	shalt  }
0x7a: {  	_ =	shalt  }
0x7b: {  	_ =	shalt  }
0x7c: {  	_ =	shalt  }
0x7d: {  	_ =	shalt  }
0x7e: {  	_ =	shalt  }
0x7f: {  	_ =	shalt  }
0x80: {  	_ =	shalt  }
0x81: {  	_ =	shalt  }
0x82: {  	_ =	shalt  }
0x83: {  	_ =	shalt  }
0x84: {  	_ =	shalt  }
0x85: {  	_ =	shalt  }
0x86: {  	_ =	shalt  }
0x87: {  	_ =	shalt  }
.Lfunc_end0:
.L_simem_size_0:
called_computation.4_lowered:
.L_overlay_start_0:
0x88: {  	s2 =	sld [smem:$0x3FD9]  }
0x89: {  	s3 =	sld [smem:$0x3FFE];
	_ =	sdelay $0x1  }
0x8a: {  	s1 =	srdreg.scid  }
0x8b: {  	s0 =	sand.u32 $0x1, s1  }
0x8c: {  	s14 =	sshll.u32 s0, $0xA;
	s2 =	sadd.s32 s3, s2  }
0x8d: {  	s2 =	sadd.s32 s2, s14  }
0x8e: {  	[smem:$0x3FBA] =	sst s2  }
0x8f: {  	_ = 	snop  }
0x90: {  	s2 =	sld [smem:$0x3FD0];
	_ =	sdelay $0x2  }
0x91: {  	s15 =	simm.s32 $0xB;
	s4 =	simm.s32 $0x10  }
0x92: {  	[smem:s4], [sflag:s15] =	dma.local [hbm:s2], $0x1  }
0x93: {  	_ =	swait.eq [sflag:s15], $0x1  }
0x94: {  	[sflag:s15] =	ssyncset.done $0x0  }
0x95: {  	[sflag:s15] =	ssyncadd.s32 $0xFFFFFFFF  }
0x96: {  	s16 =	sld [smem:$0x11];
	(tm) =	ssettm $0x1  }
0x97: {  	s17 =	sld [smem:$0x3FFB];
	_ =	sdelay $0x3  }
0x98: {  	_ =	strace s17  }
0x99: {  	s3 =	sld [smem:$0x3FFC];
	_ =	sdelay $0x3  }
0x9a: {  	_ =	strace s3  }
0x9b: {  	s3 =	sld [smem:$0x3FFD];
	_ =	sdelay $0x3  }
0x9c: {  	_ =	strace s3  }
0x9d: {  	_ =	strace $0x8FFFFFFF  }
0x9e: {  	s18 =	sld [smem:$0x3FDB];
	_ =	sdelay $0x1  }
0x9f: {  	s19 =	simm.s32 $_scs_section_size  }
0xa0: {  	s5 =	simm.s32 $_size__tile_overlayer_lowered;
	s6 =	simm.s32 $_tile_overlayer_lowered  }
0xa1: {  	s22 =	simm.s32 $0x1BFF;
	s21 =	sshll.u32 s6, $0x1;
	s3 =	sadd.s32 s19, s18  }
0xa2: {  	s7 =	simm.s32 $0x0;
	s20 =	sshll.u32 s5, $0x1;
	s5 =	sadd.s32 s21, s3  }
0xa3: {  	[timem:s7], [sflag:s22] =	dma.local [hbm:s5], s20  }
0xa4: {  	_ =	swait.ge [sflag:s22], s20  }
0xa5: {  	s4 =	ssub.s32 $0x0, s20;
	[sflag:s22] =	ssyncset.done $0x0  }
0xa6: {  	[sflag:s22] =	ssyncadd.s32 s4;
	_ =	sdelay $0x1  }
0xa7: {  	s23 =	simm.s32 $0x1B8B  }
0xa8: {  	_ =	swait.ge [sflag:s23], $0x1  }
0xa9: {  	[sflag:s23] =	ssyncset.done $0x0  }
0xaa: {  	s25 =	simm.s32 $0x1B8E;
	s24 =	sld [smem:$0x3FFE];
	[sflag:s23] =	ssyncadd.s32 $0xFFFFFFFF  }
0xab: {  	s26 =	simm.s32 $execute0_lowered;
	[smem:$0x3FD2] =	sst s25  }
0xac: {  	s5 =	sshll.u32 s26, $0x1;
	_ =	strace $0x80000052;
	[dreg:$0x1] =	wrdreg $0xFFFFFFFF  }
0xad: {  	s28 =	simm.s32 $_size_execute0_lowered;
	s3 =	sadd.s32 s3, s5;
	[dreg:$0x0] =	wrdreg $0x0  }
0xae: {  	s5 =	sshll.u32 s28, $0x1;
	[dreg:$0x2] =	wrdreg s3  }
0xaf: {  	[dreg:$0x3] =	wrdreg s5  }
0xb0: {  	[dreg:$0x4] =	wrdreg $0xC0  }
0xb1: {  	_ =	task [dreg:s7], $0x5FFFF  }
0xb2: {  	[dreg:$0x1] =	wrdreg $0xFFFFFFFF  }
0xb3: {  	[dreg:$0x0] =	wrdreg $0x60  }
0xb4: {  	[dreg:$0x2] =	wrdreg s24  }
0xb5: {  	[dreg:$0x3] =	wrdreg s16  }
0xb6: {  	[dreg:$0x4] =	wrdreg $0x68000  }
0xb7: {  	[dreg:$0x5] =	wrdreg $0x9  }
0xb8: {  	_ =	task.clear_ibuf [dreg:s7], $0x6FFFF;
	_ =	strace $0x90000052  }
0xb9: {  	s29 =	simm.s32 $0x9;
	_ =	strace $0x80000054  }
0xba: {  	_ =	swait.ge [sflag:s29], $0x1  }
0xbb: {  	[sflag:s29] =	ssyncadd.s32 $0xFFFFFFFF  }
0xbc: {  	_ =	strace $0x90000054  }
0xbd: {  	_ =	sfence  }
0xbe: {  	s30 =	sld [smem:$0x0];
	_ =	sdelay $0x2  }
0xbf: {  	s31 =	sshll.u32 s1, $0xD;
	s1 =	sshrl.u32 s1, $0x2  }
0xc0: {  	s3 =	sand.u32 $0x4000, s31;
	s1 =	sadd.s32 s1, s30  }
0xc1: {  	s0 =	sor.u32 s3, s0;
	s1 =	sshll.u32 s1, $0x11  }
0xc2: {  	s0 =	sor.u32 s1, s0  }
0xc3: {  	s0 =	sadd.s32 $0x8F2B, s0  }
0xc4: {  	[sflag:s0] =	ssyncadd.remote.s32 $0x1  }
0xc5: {  	_ =	sfence.sel $0xFFFF  }
0xc6: {  	[dreg:$0x0] =	wrdreg $0xFFFFFFFF;
	(pc) =	sbr.abs _section_cstart, $3  }
0xc7: {  	[dreg:$0x1] =	wrdreg $0xFFFFFFFF  }
0xc8: {  	_ =	task.clear_ibuf [dreg:s7], $0x2FFFF;
	_ =	strace $0x9FFFFFFF  }
0xc9: {  	(tm) =	ssettm $0x7FFFFFFF  }
tec
execute0_lowered:
.L_overlay_start_1:
0x0: {  	(tag) =	ssettag $0x1  }
0x1: {  	s6 =	rddreg [dreg:$0x0]  }
0x2: {  	s2 =	rddreg [dreg:$0x1]  }
0x3: {  	s3 =	rddreg [dreg:$0x2]  }
0x4: {  	s0 =	srdreg.scid;
	s1 =	rddreg [dreg:$0x3];
	s4 =	simm.s32 $0x0  }
0x5: {  	s14 =	simm.s32 $0x80;
	s15 =	simm.s32 $0x2800;
	s16 =	simm.s32 $0x4800  }
0x6: {  	s17 =	simm.s32 $0x1;
	s18 =	simm.s32 $0x2;
	s7 =	sand.u32 $0x1, s0  }
0x7: {  	s19 =	simm.s32 $0x1380;
	s0 =	stileid.u32;
	s5 =	smul.u32 $0x280, s7  }
0x8: {  	s20 =	simm.s32 $0x2700;
	s21 =	simm.s32 $0x2780;
	s8 =	smul.u32 $0x28, s0  }
0x9: {  	s22 =	simm.s32 $0x0;
	[smem:$0x7FF] =	sst s4;
	s9 =	smul.u32 $0xA0000, s7  }
0xa: {  	s10 =	smul.u32 $0xA000, s0;
	_ =	strace $0x80000053;
	s7 =	ssub.s32 $0x2, s7  }
0xb: {  	s30 =	smul.u32 $0x28000, s0;
	s12 =	sshll.u32 s0, $0x6;
	s31 =	sshrl.u32 s7, $0x1  }
0xc: {  	s12 =	sor.u32 $0x1C03, s12;
	s8 =	sadd.s32 s8, s5;
	s5 =	sadd.s32 $0xEE00, s6  }
0xd: {  	s9 =	sadd.s32 s10, s9;
	s11 =	ssub.s32 s7, s31;
	s10 =	sshrl.u32 s30, $0x2  }
0xe: {  	s8 =	sshll.u32 s8, $0x4;
	s9 =	sshrl.u32 s9, $0x3;
	s13 =	sadd.s32 s10, s3  }
0xf: {  	s10 =	simm.s32 $0x3;
	s8 =	sadd.s32 s8, s6;
	s9 =	sadd.s32 s9, s6  }
0x10: {  	s13 =	sshrl.u32 s13, $0x3;
	s6 =	sadd.s32 $0x9E00, s8;
	s7 =	sadd.s32 $0x4E00, s8  }
0x11: {  	s8 =	sadd.s32 $0x22E00, s9;
	s9 =	smax.u32 s11, $0x1;
	s11 =	simm.s32 $0x1400  }
.LBB2_1:
0x12: {  	[tilespmem:s4], [sflag:$0x3] =	stream.linear.gather [hbm4b:s6+s4], $0x1400, $0x38;
	[tilespmem:$0x10800] =	vst v63  }
0x13: {  	_ =	swait.ge [sflag:s10], $0x1400  }
0x14: {  	[sflag:s10] =	ssyncset.done $0x0  }
0x15: {  	[sflag:s10] =	ssyncadd.s32 $0xFFFFEC00  }
0x16: {  	[tilespmem:s11], [sflag:$0x3] =	stream.linear.gather [hbm4b:s7+s4], $0x1400, $0x38;
	[tilespmem:$0x10800] =	vst v63  }
0x17: {  	_ =	swait.ge [sflag:s10], $0x1400  }
0x18: {  	[sflag:s10] =	ssyncset.done $0x0  }
0x19: {  	[sflag:s10] =	ssyncadd.s32 $0xFFFFEC00  }
0x1a: {  	[spmem:s13], [sflag:s12] =	dma.local [hbm:s2], $0x1400  }
0x1b: {  	_ =	swait.ge [sflag:s10], $0x1400  }
0x1c: {  	[sflag:s10] =	ssyncset.done $0x0  }
0x1d: {  	[sflag:s10] =	ssyncadd.s32 $0xFFFFEC00  }
0x1e: {  	[bflag:$0x0] =	sbarrier.arrive $0xFFFF  }
0x1f: {  	[tilespmem:s15], [sflag:$0x1] =	stream.indirect.gather [hbm4b:s5+s14], $0x40, s4, s14, $0xb8;
	[tilespmem:$0x10800] =	vst v63  }
0x20: {  	s23 =	simm.s32 $0x80  }
0x21: {  	[tilespmem:s16], [sflag:$0x2] =	stream.indirect.gather [hbm4b:s5+s14], $0x40, s23, s14, $0xb8;
	[tilespmem:$0x10800] =	vst v63  }
0x22: {  	_ =	swait.ge [sflag:s17], $0x2000  }
0x23: {  	[sflag:s17] =	ssyncset.done $0x0  }
0x24: {  	s29 =	simm.s32 $0x1400;
	[sflag:s17] =	ssyncadd.s32 $0xFFFFE000  }
0x25: {  	[spmem:s3] =	stream.indirect.scatter.add.f32 [tilespmem:s15], [sflag:$0x3], $0x40, s29, s14, $0xb8;
	[tilespmem:$0x10800] =	vst v63  }
0x26: {  	_ =	swait.ge [sflag:s10], $0x2000  }
0x27: {  	[sflag:s10] =	ssyncset.done $0x0  }
0x28: {  	s30 =	simm.s32 $0x100;
	[sflag:s10] =	ssyncadd.s32 $0xFFFFE000  }
0x29: {  	[tilespmem:s15], [sflag:$0x1] =	stream.indirect.gather [hbm4b:s5+s14], $0x40, s30, s14, $0xb8;
	[tilespmem:$0x10800] =	vst v63  }
0x2a: {  	_ =	swait.ge [sflag:s18], $0x2000  }
0x2b: {  	[sflag:s18] =	ssyncset.done $0x0  }
0x2c: {  	s31 =	simm.s32 $0x1480;
	[sflag:s18] =	ssyncadd.s32 $0xFFFFE000  }
0x2d: {  	[spmem:s3] =	stream.indirect.scatter.add.f32 [tilespmem:s16], [sflag:$0x3], $0x40, s31, s14, $0xb8;
	[tilespmem:$0x10800] =	vst v63  }
0x2e: {  	_ =	swait.ge [sflag:s10], $0x2000  }
0x2f: {  	s24 =	simm.s32 $0x800;
	s23 =	simm.s32 $0x100;
	[sflag:s10] =	ssyncset.done $0x0  }
.LBB2_2:
0x30: {  	s25 =	sadd.s32 $0x80, s23  }
0x31: {  	[sflag:s10] =	ssyncadd.s32 $0xFFFFE000;
	s26 =	smov.u32 s24;
	s28 =	sadd.s32 $0x400, s24  }
0x32: {  	[tilespmem:s16], [sflag:$0x2] =	stream.indirect.gather [hbm4b:s5+s14], $0x40, s25, s14, $0xb8;
	[tilespmem:$0x10800] =	vst v63  }
0x33: {  	p0 =	sne.s32 s24, $0x4800;
	_ =	swait.ge [sflag:s17], $0x2000  }
0x34: {  	[sflag:s17] =	ssyncset.done $0x0  }
0x35: {  	s24 =	sadd.s32 $0x1400, s23;
	[sflag:s17] =	ssyncadd.s32 $0xFFFFE000  }
0x36: {  	[spmem:s3] =	stream.indirect.scatter.add.f32 [tilespmem:s15], [sflag:$0x3], $0x40, s24, s14, $0xb8;
	[tilespmem:$0x10800] =	vst v63  }
0x37: {  	_ =	swait.ge [sflag:s10], $0x2000  }
0x38: {  	[sflag:s10] =	ssyncset.done $0x0  }
0x39: {  	s24 =	sadd.s32 $0x100, s23;
	[sflag:s10] =	ssyncadd.s32 $0xFFFFE000  }
0x3a: {  	[tilespmem:s15], [sflag:$0x1] =	stream.indirect.gather [hbm4b:s5+s14], $0x40, s24, s14, $0xb8;
	[tilespmem:$0x10800] =	vst v63  }
0x3b: {  	_ =	swait.ge [sflag:s18], $0x2000  }
.Ltmp0:
0x3c: {  	[sflag:s18] =	ssyncset.done $0x0;
	(pc) =	sbr.rel @p0 .LBB2_2-.Ltmp0, $4  }
0x3d: {  	s23 =	sadd.s32 $0x1480, s23;
	[sflag:s18] =	ssyncadd.s32 $0xFFFFE000  }
0x3e: {  	[spmem:s3] =	stream.indirect.scatter.add.f32 [tilespmem:s16], [sflag:$0x3], $0x40, s23, s14, $0xb8;
	[tilespmem:$0x10800] =	vst v63  }
0x3f: {  	_ =	swait.ge [sflag:s10], $0x2000  }
0x40: {  	s24 =	smov.u32 s28;
	s23 =	sshra.s32 s26, $0x2;
	[sflag:s10] =	ssyncset.done $0x0  }
0x41: {  	s24 =	sadd.s32 $0x80, s23;
	[sflag:s10] =	ssyncadd.s32 $0xFFFFE000  }
0x42: {  	[tilespmem:s16], [sflag:$0x2] =	stream.indirect.gather [hbm4b:s5+s14], $0x40, s24, s14, $0xb8;
	[tilespmem:$0x10800] =	vst v63  }
0x43: {  	_ =	swait.ge [sflag:s17], $0x2000  }
0x44: {  	[sflag:s17] =	ssyncset.done $0x0  }
0x45: {  	s29 =	sadd.s32 $0x1400, s23;
	[sflag:s17] =	ssyncadd.s32 $0xFFFFE000  }
0x46: {  	[spmem:s3] =	stream.indirect.scatter.add.f32 [tilespmem:s15], [sflag:$0x3], $0x40, s29, s14, $0xb8;
	[tilespmem:$0x10800] =	vst v63  }
0x47: {  	_ =	swait.ge [sflag:s10], $0x2000  }
0x48: {  	[sflag:s10] =	ssyncset.done $0x0  }
0x49: {  	s30 =	sadd.s32 $0x100, s23;
	[sflag:s10] =	ssyncadd.s32 $0xFFFFE000  }
0x4a: {  	[tilespmem:s15], [sflag:$0x1] =	stream.indirect.gather [hbm4b:s5+s14], $0x40, s30, s14, $0xb8;
	[tilespmem:$0x10800] =	vst v63  }
0x4b: {  	_ =	swait.ge [sflag:s18], $0x2000  }
0x4c: {  	[sflag:s18] =	ssyncset.done $0x0  }
0x4d: {  	s31 =	sadd.s32 $0x1480, s23;
	[sflag:s18] =	ssyncadd.s32 $0xFFFFE000  }
0x4e: {  	[spmem:s3] =	stream.indirect.scatter.add.f32 [tilespmem:s16], [sflag:$0x3], $0x40, s31, s14, $0xb8;
	[tilespmem:$0x10800] =	vst v63  }
0x4f: {  	_ =	swait.ge [sflag:s10], $0x2000  }
0x50: {  	[sflag:s10] =	ssyncset.done $0x0  }
0x51: {  	[sflag:s10] =	ssyncadd.s32 $0xFFFFE000  }
0x52: {  	[tilespmem:s16], [sflag:$0x2] =	stream.indirect.gather [hbm4b:s5+s14], $0x40, s19, s14, $0xb8;
	[tilespmem:$0x10800] =	vst v63  }
0x53: {  	_ =	swait.ge [sflag:s17], $0x2000  }
0x54: {  	[sflag:s17] =	ssyncset.done $0x0  }
0x55: {  	[sflag:s17] =	ssyncadd.s32 $0xFFFFE000  }
0x56: {  	[spmem:s3] =	stream.indirect.scatter.add.f32 [tilespmem:s15], [sflag:$0x3], $0x40, s20, s14, $0xb8;
	[tilespmem:$0x10800] =	vst v63  }
0x57: {  	_ =	swait.ge [sflag:s10], $0x2000  }
0x58: {  	[sflag:s10] =	ssyncset.done $0x0  }
0x59: {  	[sflag:s10] =	ssyncadd.s32 $0xFFFFE000  }
0x5a: {  	_ =	swait.ge [sflag:s18], $0x2000  }
0x5b: {  	[sflag:s18] =	ssyncset.done $0x0  }
0x5c: {  	[sflag:s18] =	ssyncadd.s32 $0xFFFFE000  }
0x5d: {  	[spmem:s3] =	stream.indirect.scatter.add.f32 [tilespmem:s16], [sflag:$0x3], $0x40, s21, s14, $0xb8;
	[tilespmem:$0x10800] =	vst v63  }
0x5e: {  	_ =	swait.ge [sflag:s10], $0x2000  }
0x5f: {  	s22 =	sadd.s32 $0x1, s22;
	[sflag:s10] =	ssyncset.done $0x0  }
0x60: {  	p0 =	sne.s32 s22, s9;
	[sflag:s10] =	ssyncadd.s32 $0xFFFFE000  }
.Ltmp1:
0x61: {  	[bflag:$0x0] =	sbarrier.arrive $0xFFFF;
	(pc) =	sbr.rel @p0 .LBB2_1-.Ltmp1, $4  }
0x62: {  	[hbm:s8], [sflag:s12] =	dma.local [spmem:s13], $0x1400  }
0x63: {  	_ =	swait.ge [sflag:s10], $0x1400  }
0x64: {  	[sflag:s10] =	ssyncset.done $0x0  }
0x65: {  	[sflag:s10] =	ssyncadd.s32 $0xFFFFEC00  }
0x66: {  	_ =	sfence.sel $0x180000  }
0x67: {  	[bflag:$0x0] =	sbarrier.arrive $0xFFFF  }
0x68: {  	p0 =	sne.s32 s0, $0x0;
	_ =	strace $0x90000053  }
0x69: {  	s0 =	sadd.s32 @!p0 $0x100000, s1;
	[bflag:$0x2] =	sbarrier.arrive $0xFFFF  }
0x6a: {  	[sflag:s0] =	ssyncadd.tile.s32 @!p0 $0x1;
	_ =	shalt  }
.Lfunc_end2:
_tile_overlayer_lowered:
.L_overlay_start_2:
0x6b: {  	(tag) =	ssettag $0x2  }
0x6c: {  	s0 =	rddreg [dreg:$0x0];
	s2 =	stileid.u32  }
0x6d: {  	s1 =	rddreg [dreg:$0x1];
	p0 =	sne.s32 s2, $0x0  }
0x6e: {  	s3 =	rddreg [dreg:$0x2];
	[bflag:$0x3] =	sbarrier.arrive $0xFFFF;
	s2 =	simm.s32 @!p0 $0x1C03  }
0x6f: {  	[timem:s3], [sflag:s2] =	dma.local @!p0 [hbm:s0], s1  }
0x70: {  	s0 =	simm.s32 @!p0 $0x3  }
0x71: {  	_ =	swait.ge @!p0 [sflag:s0], s1  }
0x72: {  	s1 =	ssub.s32 @!p0 $0x0, s1;
	[sflag:s0] =	ssyncset.done @!p0 $0x0  }
0x73: {  	[sflag:s0] =	ssyncadd.s32 @!p0 s1  }
0x74: {  	[bflag:$0x3] =	sbarrier.arrive $0xFFFF  }
0x75: {  	_ =	shalt  }

</sc_bundles>
